<compile_context>
chip_gen: v7x
topology: tpu7x:2x2x1
jax: 0.10.2.dev20260603
libtpu: 0.0.44.dev20260713+nightly
codegen_flags: <defaults>
</compile_context>

<pallas_src>
import dataclasses

import jax
import jax.numpy as jnp
from jax import lax
from jax.experimental import pallas as pl
from jax.experimental.pallas import tpu as pltpu
from jax.experimental.pallas import tpu_sc as plsc

N = 10000
E = 320000
D = 128
EPS = 1e-5

NC = 2
NS = 16
NW = NC * NS
C = 100
CH = (E // C) // NW
NB = 4
CB = CH // NB
CDEG = 80
CHDEG = (E // CDEG) // NW
NP = 10240
RPT = NP // NS


def _sc_mesh():
    return plsc.VectorSubcoreMesh(core_axis_name="c", subcore_axis_name="s")


def _sc_agg_body(h_hbm, src_hbm, dst_hbm, z128_hbm, agg_hbm,
                 sA, dA, sB, dB, rowsbuf, semg0, semg1, semi, agg_sh):
    rb = (rowsbuf.at[0], rowsbuf.at[1])
    semg = (semg0, semg1)
    cid = lax.axis_index("c")
    sid = lax.axis_index("s")
    wid = cid * NS + sid

    r0 = sid * RPT
    pltpu.sync_copy(z128_hbm, agg_sh.at[pl.ds(r0, RPT)])

    plsc.subcore_barrier()

    def gstart(sbuf, k, b):
        pltpu.async_copy(h_hbm.at[sbuf.at[k]], rb[b], semg[b])

    def gwait(sbuf, k, b):
        pltpu.make_async_copy(h_hbm.at[sbuf.at[k]], rb[b], semg[b]).wait()

    def scat(dbuf, k, b):
        pltpu.sync_copy(rb[b], agg_sh.at[dbuf.at[k]], add=True)

    def istart(blk, sbuf, dbuf):
        pltpu.async_copy(src_hbm.at[wid, blk], sbuf, semi)
        pltpu.async_copy(dst_hbm.at[wid, blk], dbuf, semi)

    def iwait(blk, sbuf, dbuf):
        pltpu.make_async_copy(src_hbm.at[wid, blk], sbuf, semi).wait()
        pltpu.make_async_copy(dst_hbm.at[wid, blk], dbuf, semi).wait()

    pltpu.sync_copy(src_hbm.at[wid, 0], sA)
    pltpu.sync_copy(dst_hbm.at[wid, 0], dA)
    gstart(sA, 0, 0)
    for blk in range(NB):
        sbuf, dbuf = (sA, dA) if blk % 2 == 0 else (sB, dB)
        nsbuf, ndbuf = (sB, dB) if blk % 2 == 0 else (sA, dA)
        b0 = blk % 2
        b1 = 1 - b0
        if blk + 1 < NB:
            istart(blk + 1, nsbuf, ndbuf)

        @pl.loop(0, CB - 1, step=2)
        def _(k0):
            gwait(sbuf, k0, b0)
            gstart(sbuf, k0 + 1, b1)
            scat(dbuf, k0, b0)
            gwait(sbuf, k0 + 1, b1)
            gstart(sbuf, k0 + 2, b0)
            scat(dbuf, k0 + 1, b1)

        gwait(sbuf, CB - 1, b0)
        if blk + 1 < NB:
            iwait(blk + 1, nsbuf, ndbuf)
            gstart(nsbuf, 0, b1)
        scat(dbuf, CB - 1, b0)

    plsc.subcore_barrier()

    pltpu.sync_copy(agg_sh.at[pl.ds(r0, RPT)], agg_hbm.at[wid])


def _sc_agg(h, src3, dst3, z128):
    out_type = jax.ShapeDtypeStruct((NW, RPT, D), jnp.float32)
    scratch = [
        pltpu.VMEM((CB, C), jnp.int32),
        pltpu.VMEM((CB, C), jnp.int32),
        pltpu.VMEM((CB, C), jnp.int32),
        pltpu.VMEM((CB, C), jnp.int32),
        pltpu.VMEM((2, C, D), jnp.float32),
        pltpu.SemaphoreType.DMA,
        pltpu.SemaphoreType.DMA,
        pltpu.SemaphoreType.DMA,
        pltpu.VMEM_SHARED((NP, D), jnp.float32),
    ]
    fn = pl.kernel(_sc_agg_body, out_type=out_type, mesh=_sc_mesh(),
                   scratch_types=scratch)
    return fn(h, src3, dst3, z128).reshape(NC * NP, D)


def _sc_deg_body(dst_hbm, deg_hbm, didx, deg_l):
    cid = lax.axis_index("c")
    sid = lax.axis_index("s")
    wid = cid * NS + sid

    pltpu.sync_copy(dst_hbm.at[wid], didx)

    @pl.loop(0, NP, step=16)
    def _(i):
        deg_l[pl.ds(i, 16)] = jnp.zeros((16,), jnp.float32)

    ones_v = jnp.full((16,), 1.0, jnp.float32)

    @pl.loop(0, CHDEG)
    def _(k):
        for l in range(CDEG // 16):
            idx = didx[k, pl.ds(l * 16, 16)]
            plsc.addupdate_scatter(deg_l, [idx], ones_v)

    pltpu.sync_copy(deg_l, deg_hbm.at[wid])


def _sc_deg(dst3):
    out_type = jax.ShapeDtypeStruct((NW, NP), jnp.float32)
    scratch = [
        pltpu.VMEM((CHDEG, CDEG), jnp.int32),
        pltpu.VMEM((NP,), jnp.float32),
    ]
    cp = pltpu.CompilerParams()
    if "needs_layout_passes" in pltpu.CompilerParams.__dataclass_fields__:
        cp = dataclasses.replace(cp, needs_layout_passes=False)
    fn = pl.kernel(_sc_deg_body, out_type=out_type, mesh=_sc_mesh(),
                   scratch_types=scratch, compiler_params=cp)
    return fn(dst3)


def _dense_body(has_base, args):
    if has_base:
        (aggp, degp, h, Wl, bl, Wr, g, b, base, out) = args
    else:
        (aggp, degp, h, Wl, bl, Wr, g, b, out) = args
    agg = aggp[0:N, :] + aggp[NP:NP + N, :]
    deg = jnp.sum(degp[...], axis=0).reshape(NP, 1)[0:N]
    agg = agg / jnp.clip(deg, 1.0, None)
    t = (jnp.dot(agg, Wl[...], preferred_element_type=jnp.float32)
         + bl[...]
         + jnp.dot(h[...], Wr[...], preferred_element_type=jnp.float32))
    mu = jnp.mean(t, axis=-1, keepdims=True)
    var = jnp.mean((t - mu) ** 2, axis=-1, keepdims=True)
    y = (t - mu) * lax.rsqrt(var + EPS) * g[...] + b[...]
    y = jnp.maximum(y, 0.0)
    if has_base:
        y = y + base[...]
    out[...] = y


def _dense(aggp, degp, h, Wl, bl, Wr, g, b, base=None):
    inputs = [aggp, degp, h, Wl, bl.reshape(1, D), Wr,
              g.reshape(1, D), b.reshape(1, D)]
    if base is not None:
        inputs.append(base)
    body = lambda *args: _dense_body(base is not None, args)
    return pl.pallas_call(
        body,
        out_shape=jax.ShapeDtypeStruct((N, D), jnp.float32),
    )(*inputs)


def kernel(x, edge_index, Wl0, bl0, Wr0, g0, b0, Wl1, bl1, Wr1, g1, b1):
    src4 = edge_index[0].reshape(NW, NB, CB, C)
    dst4 = edge_index[1].reshape(NW, NB, CB, C)
    dst3 = edge_index[1].reshape(NW, CHDEG, CDEG)
    z128 = jnp.zeros((RPT, D), jnp.float32)

    degp = _sc_deg(dst3)
    aggp0 = _sc_agg(x, src4, dst4, z128)
    h1 = _dense(aggp0, degp, x, Wl0, bl0, Wr0, g0, b0)
    aggp1 = _sc_agg(h1, src4, dst4, z128)
    h2 = _dense(aggp1, degp, h1, Wl1, bl1, Wr1, g1, b1, base=x)
    return h2

# --- scband reference (transcript-rebuilt; emitter-appended) ---
"""Pipeline reference for scband-graph-encoder-26946624815681 (READ-ONLY COPY).

The authoritative reference and input builder live on the scoring server;
editing this copy changes nothing except your own understanding.
"""

import jax, jax.numpy as jnp
import numpy as np

N = 10000
E = 320000
D = 128
H = 128
EPS = 1e-5


def _layernorm(h, gamma, beta):
    mu = jnp.mean(h, axis=-1, keepdims=True)
    var = jnp.mean((h - mu) ** 2, axis=-1, keepdims=True)
    return (h - mu) / jnp.sqrt(var + EPS) * gamma + beta


def _sage_layer(h, src, dst, Wl, bl, Wr):
    # mean aggregation of neighbor messages (PyG SAGEConv, aggr='mean')
    msg = jnp.take(h, src, axis=0)                       # gather [E, d]
    agg_sum = jax.ops.segment_sum(msg, dst, num_segments=N)
    deg = jax.ops.segment_sum(jnp.ones((msg.shape[0],), dtype=h.dtype), dst, num_segments=N)
    agg = agg_sum / jnp.clip(deg, 1.0, None)[:, None]
    # out = lin_l(agg) + lin_r(x); lin_l has bias, lin_r has no bias
    return agg @ Wl + bl + h @ Wr


def setup_inputs(seed: int = 0) -> dict:
    key = jax.random.key(seed)
    ks = jax.random.split(key, 12)
    x = jax.random.normal(ks[0], (N, D), dtype=jnp.float32)
    edge_index = jax.random.randint(ks[1], (2, E), 0, N, dtype=jnp.int32)
    s = 1.0 / np.sqrt(D)
    Wl0 = jax.random.normal(ks[2], (D, H), dtype=jnp.float32) * s
    bl0 = jnp.zeros((H,), dtype=jnp.float32)
    Wr0 = jax.random.normal(ks[3], (D, H), dtype=jnp.float32) * s
    g0 = jnp.ones((H,), dtype=jnp.float32)
    b0 = jnp.zeros((H,), dtype=jnp.float32)
    sh = 1.0 / np.sqrt(H)
    Wl1 = jax.random.normal(ks[4], (H, H), dtype=jnp.float32) * sh
    bl1 = jnp.zeros((H,), dtype=jnp.float32)
    Wr1 = jax.random.normal(ks[5], (H, H), dtype=jnp.float32) * sh
    g1 = jnp.ones((H,), dtype=jnp.float32)
    b1 = jnp.zeros((H,), dtype=jnp.float32)
    return {"x": x, "edge_index": edge_index,
            "Wl0": Wl0, "bl0": bl0, "Wr0": Wr0, "g0": g0, "b0": b0,
            "Wl1": Wl1, "bl1": bl1, "Wr1": Wr1, "g1": g1, "b1": b1}


def reference(x, edge_index, Wl0, bl0, Wr0, g0, b0, Wl1, bl1, Wr1, g1, b1):
    src = edge_index[0]
    dst = edge_index[1]
    base = x  # in_dim == hidden_dim -> res_proj is None
    h = x
    # layer 0 (dropout p=0.0 -> no-op)
    h = _sage_layer(h, src, dst, Wl0, bl0, Wr0)
    h = _layernorm(h, g0, b0)
    h = jax.nn.relu(h)
    # layer 1
    h = _sage_layer(h, src, dst, Wl1, bl1, Wr1)
    h = _layernorm(h, g1, b1)
    h = jax.nn.relu(h)
    # residual (shapes match)
    h = h + base
    return h

if __name__ == "__main__":
    import jax
    _d = setup_inputs()
    print(jax.jit(kernel)(*tuple(_d.values())))

</pallas_src>

<mosaic_0001>
#map = affine_map<(d0, d1) -> (0, 0)>
#map1 = affine_map<(d0, d1) -> (0, 0, 0, 0)>
#map2 = affine_map<(d0, d1) -> (0, 0, 0)>
module attributes {stable_mosaic.version = 14 : i64} {
  func.func @_sc_agg_body(%arg0: i32, %arg1: i32, %arg2: memref<10000x128xf32, #tpu.memory_space<hbm>>, %arg3: memref<32x4x25x100xi32, #tpu.memory_space<hbm>>, %arg4: memref<32x4x25x100xi32, #tpu.memory_space<hbm>>, %arg5: memref<640x128xf32, #tpu.memory_space<hbm>>, %arg6: memref<32x640x128xf32, #tpu.memory_space<hbm>>, %arg7: memref<25x100xi32, #tpu.memory_space<vmem>>, %arg8: memref<25x100xi32, #tpu.memory_space<vmem>>, %arg9: memref<25x100xi32, #tpu.memory_space<vmem>>, %arg10: memref<25x100xi32, #tpu.memory_space<vmem>>, %arg11: memref<2x100x128xf32, #tpu.memory_space<vmem>>, %arg12: memref<!tpu.dma_semaphore, #tpu.memory_space<semaphore_mem>>, %arg13: memref<!tpu.dma_semaphore, #tpu.memory_space<semaphore_mem>>, %arg14: memref<!tpu.dma_semaphore, #tpu.memory_space<semaphore_mem>>, %arg15: memref<10240x128xf32, #tpu.memory_space<vmem_shared>>) attributes {dimension_semantics = [#tpu.dimension_semantics<core_parallel>, #tpu.dimension_semantics<subcore_parallel>], iteration_bounds = array<i64: 2, 16>, scalar_prefetch = 0 : i64, scratch_operands = 9 : i64, tpu.core_type = #tpu.core_type<sc_vector_subcore>, window_params = [{transform_indices = #map}, {transform_indices = #map1}, {transform_indices = #map1}, {transform_indices = #map}, {transform_indices = #map2}]} {
    %mul3A = arith.constant 16 : i32
    %mul3A_0 = arith.muli %arg0, %mul3A : i32
    %add3A = arith.addi %mul3A_0, %arg1 : i32
    %mul3A_1 = arith.constant 640 : i32
    %mul3A_2 = arith.muli %arg1, %mul3A_1 : i32
    "tpu.region"() ({
      %run_scoped3A_242 = tpu.sem_alloc : memref<!tpu.dma_semaphore, #tpu.memory_space<semaphore_mem>>
      %dma_start3A_243 = arith.constant 0 : i32
      %dma_start3A_244 = tpu.memref_slice %arg15[%mul3A_2, %dma_start3A_243] : memref<10240x128xf32, #tpu.memory_space<vmem_shared>> -> memref<640x128xf32, #tpu.memory_space<vmem_shared>>
      tpu.enqueue_dma source(%arg5 : memref<640x128xf32, #tpu.memory_space<hbm>>) target(%dma_start3A_244 : memref<640x128xf32, #tpu.memory_space<vmem_shared>>) target_semaphore(%run_scoped3A_242 : memref<!tpu.dma_semaphore, #tpu.memory_space<semaphore_mem>>)
      %dma_wait3A_245 = arith.constant 0 : i32
      %dma_wait3A_246 = tpu.memref_slice %arg15[%mul3A_2, %dma_wait3A_245] : memref<10240x128xf32, #tpu.memory_space<vmem_shared>> -> memref<640x128xf32, #tpu.memory_space<vmem_shared>>
      tpu.wait_dma2 semaphore(%run_scoped3A_242 : memref<!tpu.dma_semaphore, #tpu.memory_space<semaphore_mem>>) src(%arg5 : memref<640x128xf32, #tpu.memory_space<hbm>>) dst(%dma_wait3A_246 : memref<640x128xf32, #tpu.memory_space<vmem_shared>>)
      tpu.yield
    }) : () -> ()
    %barrier3A = arith.constant 0 : index
    tpu.barrier barrier_id(%barrier3A)
    %run_scoped3A = arith.constant 0 : i32
    "tpu.region"() ({
      %run_scoped3A_242 = tpu.sem_alloc : memref<!tpu.dma_semaphore, #tpu.memory_space<semaphore_mem>>
      %dma_start3A_243 = arith.constant 0 : i32
      %dma_start3A_244 = arith.constant 0 : i32
      %dma_start3A_245 = tpu.memref_slice %arg3[%add3A, %run_scoped3A, %dma_start3A_243, %dma_start3A_244] : memref<32x4x25x100xi32, #tpu.memory_space<hbm>> -> memref<1x1x25x100xi32, #tpu.memory_space<hbm>>
      %dma_start3A_246 = tpu.memref_squeeze %dma_start3A_245 : memref<1x1x25x100xi32, #tpu.memory_space<hbm>> -> memref<25x100xi32, #tpu.memory_space<hbm>>
      %dma_start3A_247 = arith.constant 0 : i32
      %dma_start3A_248 = arith.constant 0 : i32
      %dma_start3A_249 = tpu.memref_slice %arg3[%add3A, %run_scoped3A, %dma_start3A_247, %dma_start3A_248] : memref<32x4x25x100xi32, #tpu.memory_space<hbm>> -> memref<1x1x25x100xi32, #tpu.memory_space<hbm>>
      %dma_start3A_250 = tpu.memref_squeeze %dma_start3A_249 : memref<1x1x25x100xi32, #tpu.memory_space<hbm>> -> memref<25x100xi32, #tpu.memory_space<hbm>>
      tpu.enqueue_dma source(%dma_start3A_250 : memref<25x100xi32, #tpu.memory_space<hbm>>) target(%arg7 : memref<25x100xi32, #tpu.memory_space<vmem>>) target_semaphore(%run_scoped3A_242 : memref<!tpu.dma_semaphore, #tpu.memory_space<semaphore_mem>>)
      %dma_wait3A_251 = arith.constant 0 : i32
      %dma_wait3A_252 = arith.constant 0 : i32
      %dma_wait3A_253 = tpu.memref_slice %arg3[%add3A, %run_scoped3A, %dma_wait3A_251, %dma_wait3A_252] : memref<32x4x25x100xi32, #tpu.memory_space<hbm>> -> memref<1x1x25x100xi32, #tpu.memory_space<hbm>>
      %dma_wait3A_254 = tpu.memref_squeeze %dma_wait3A_253 : memref<1x1x25x100xi32, #tpu.memory_space<hbm>> -> memref<25x100xi32, #tpu.memory_space<hbm>>
      %dma_wait3A_255 = arith.constant 0 : i32
      %dma_wait3A_256 = arith.constant 0 : i32
      %dma_wait3A_257 = tpu.memref_slice %arg3[%add3A, %run_scoped3A, %dma_wait3A_255, %dma_wait3A_256] : memref<32x4x25x100xi32, #tpu.memory_space<hbm>> -> memref<1x1x25x100xi32, #tpu.memory_space<hbm>>
      %dma_wait3A_258 = tpu.memref_squeeze %dma_wait3A_257 : memref<1x1x25x100xi32, #tpu.memory_space<hbm>> -> memref<25x100xi32, #tpu.memory_space<hbm>>
      tpu.wait_dma2 semaphore(%run_scoped3A_242 : memref<!tpu.dma_semaphore, #tpu.memory_space<semaphore_mem>>) src(%dma_wait3A_258 : memref<25x100xi32, #tpu.memory_space<hbm>>) dst(%arg7 : memref<25x100xi32, #tpu.memory_space<vmem>>)
      tpu.yield
    }) : () -> ()
    %run_scoped3A_3 = arith.constant 0 : i32
    "tpu.region"() ({
      %run_scoped3A_242 = tpu.sem_alloc : memref<!tpu.dma_semaphore, #tpu.memory_space<semaphore_mem>>
      %dma_start3A_243 = arith.constant 0 : i32
      %dma_start3A_244 = arith.constant 0 : i32
      %dma_start3A_245 = tpu.memref_slice %arg4[%add3A, %run_scoped3A_3, %dma_start3A_243, %dma_start3A_244] : memref<32x4x25x100xi32, #tpu.memory_space<hbm>> -> memref<1x1x25x100xi32, #tpu.memory_space<hbm>>
      %dma_start3A_246 = tpu.memref_squeeze %dma_start3A_245 : memref<1x1x25x100xi32, #tpu.memory_space<hbm>> -> memref<25x100xi32, #tpu.memory_space<hbm>>
      %dma_start3A_247 = arith.constant 0 : i32
      %dma_start3A_248 = arith.constant 0 : i32
      %dma_start3A_249 = tpu.memref_slice %arg4[%add3A, %run_scoped3A_3, %dma_start3A_247, %dma_start3A_248] : memref<32x4x25x100xi32, #tpu.memory_space<hbm>> -> memref<1x1x25x100xi32, #tpu.memory_space<hbm>>
      %dma_start3A_250 = tpu.memref_squeeze %dma_start3A_249 : memref<1x1x25x100xi32, #tpu.memory_space<hbm>> -> memref<25x100xi32, #tpu.memory_space<hbm>>
      tpu.enqueue_dma source(%dma_start3A_250 : memref<25x100xi32, #tpu.memory_space<hbm>>) target(%arg8 : memref<25x100xi32, #tpu.memory_space<vmem>>) target_semaphore(%run_scoped3A_242 : memref<!tpu.dma_semaphore, #tpu.memory_space<semaphore_mem>>)
      %dma_wait3A_251 = arith.constant 0 : i32
      %dma_wait3A_252 = arith.constant 0 : i32
      %dma_wait3A_253 = tpu.memref_slice %arg4[%add3A, %run_scoped3A_3, %dma_wait3A_251, %dma_wait3A_252] : memref<32x4x25x100xi32, #tpu.memory_space<hbm>> -> memref<1x1x25x100xi32, #tpu.memory_space<hbm>>
      %dma_wait3A_254 = tpu.memref_squeeze %dma_wait3A_253 : memref<1x1x25x100xi32, #tpu.memory_space<hbm>> -> memref<25x100xi32, #tpu.memory_space<hbm>>
      %dma_wait3A_255 = arith.constant 0 : i32
      %dma_wait3A_256 = arith.constant 0 : i32
      %dma_wait3A_257 = tpu.memref_slice %arg4[%add3A, %run_scoped3A_3, %dma_wait3A_255, %dma_wait3A_256] : memref<32x4x25x100xi32, #tpu.memory_space<hbm>> -> memref<1x1x25x100xi32, #tpu.memory_space<hbm>>
      %dma_wait3A_258 = tpu.memref_squeeze %dma_wait3A_257 : memref<1x1x25x100xi32, #tpu.memory_space<hbm>> -> memref<25x100xi32, #tpu.memory_space<hbm>>
      tpu.wait_dma2 semaphore(%run_scoped3A_242 : memref<!tpu.dma_semaphore, #tpu.memory_space<semaphore_mem>>) src(%dma_wait3A_258 : memref<25x100xi32, #tpu.memory_space<hbm>>) dst(%arg8 : memref<25x100xi32, #tpu.memory_space<vmem>>)
      tpu.yield
    }) : () -> ()
    %dma_start3A = arith.constant 0 : i32
    %dma_start3A_4 = arith.constant 0 : i32
    %dma_start3A_5 = arith.constant 0 : i32
    %dma_start3A_6 = arith.constant 0 : i32
    %dma_start3A_7 = tpu.memref_slice %arg11[%dma_start3A_4, %dma_start3A_5, %dma_start3A_6] : memref<2x100x128xf32, #tpu.memory_space<vmem>> -> memref<1x100x128xf32, #tpu.memory_space<vmem>>
    %dma_start3A_8 = tpu.memref_squeeze %dma_start3A_7 : memref<1x100x128xf32, #tpu.memory_space<vmem>> -> memref<100x128xf32, #tpu.memory_space<vmem>>
    %dma_start3A_9 = arith.constant 0 : i32
    %dma_start3A_10 = tpu.memref_slice %arg7[%dma_start3A, %dma_start3A_9] : memref<25x100xi32, #tpu.memory_space<vmem>> -> memref<1x100xi32, #tpu.memory_space<vmem>>
    %dma_start3A_11 = tpu.memref_squeeze %dma_start3A_10 : memref<1x100xi32, #tpu.memory_space<vmem>> -> memref<100xi32, #tpu.memory_space<vmem>>
    %dma_start3A_12 = arith.constant 0 : i32
    %dma_start3A_13 = arith.constant 0 : i32
    %dma_start3A_14 = tpu.memref_slice %arg2[%dma_start3A_12, %dma_start3A_13] : memref<10000x128xf32, #tpu.memory_space<hbm>> -> memref<10000x128xf32, #tpu.memory_space<hbm>>
    tpu.enqueue_indirect_dma source(%dma_start3A_14 : memref<10000x128xf32, #tpu.memory_space<hbm>>) target(%dma_start3A_8 : memref<100x128xf32, #tpu.memory_space<vmem>>) offsets(%dma_start3A_11 : memref<100xi32, #tpu.memory_space<vmem>>) semaphore(%arg12 : memref<!tpu.dma_semaphore, #tpu.memory_space<semaphore_mem>>)
    %dma_start3A_15 = arith.constant 1 : i32
    %dma_start3A_16 = arith.constant 0 : i32
    %dma_start3A_17 = arith.constant 0 : i32
    %dma_start3A_18 = tpu.memref_slice %arg3[%add3A, %dma_start3A_15, %dma_start3A_16, %dma_start3A_17] : memref<32x4x25x100xi32, #tpu.memory_space<hbm>> -> memref<1x1x25x100xi32, #tpu.memory_space<hbm>>
    %dma_start3A_19 = tpu.memref_squeeze %dma_start3A_18 : memref<1x1x25x100xi32, #tpu.memory_space<hbm>> -> memref<25x100xi32, #tpu.memory_space<hbm>>
    %dma_start3A_20 = arith.constant 0 : i32
    %dma_start3A_21 = arith.constant 0 : i32
    %dma_start3A_22 = tpu.memref_slice %arg3[%add3A, %dma_start3A_15, %dma_start3A_20, %dma_start3A_21] : memref<32x4x25x100xi32, #tpu.memory_space<hbm>> -> memref<1x1x25x100xi32, #tpu.memory_space<hbm>>
    %dma_start3A_23 = tpu.memref_squeeze %dma_start3A_22 : memref<1x1x25x100xi32, #tpu.memory_space<hbm>> -> memref<25x100xi32, #tpu.memory_space<hbm>>
    tpu.enqueue_dma source(%dma_start3A_23 : memref<25x100xi32, #tpu.memory_space<hbm>>) target(%arg9 : memref<25x100xi32, #tpu.memory_space<vmem>>) target_semaphore(%arg14 : memref<!tpu.dma_semaphore, #tpu.memory_space<semaphore_mem>>)
    %dma_start3A_24 = arith.constant 1 : i32
    %dma_start3A_25 = arith.constant 0 : i32
    %dma_start3A_26 = arith.constant 0 : i32
    %dma_start3A_27 = tpu.memref_slice %arg4[%add3A, %dma_start3A_24, %dma_start3A_25, %dma_start3A_26] : memref<32x4x25x100xi32, #tpu.memory_space<hbm>> -> memref<1x1x25x100xi32, #tpu.memory_space<hbm>>
    %dma_start3A_28 = tpu.memref_squeeze %dma_start3A_27 : memref<1x1x25x100xi32, #tpu.memory_space<hbm>> -> memref<25x100xi32, #tpu.memory_space<hbm>>
    %dma_start3A_29 = arith.constant 0 : i32
    %dma_start3A_30 = arith.constant 0 : i32
    %dma_start3A_31 = tpu.memref_slice %arg4[%add3A, %dma_start3A_24, %dma_start3A_29, %dma_start3A_30] : memref<32x4x25x100xi32, #tpu.memory_space<hbm>> -> memref<1x1x25x100xi32, #tpu.memory_space<hbm>>
    %dma_start3A_32 = tpu.memref_squeeze %dma_start3A_31 : memref<1x1x25x100xi32, #tpu.memory_space<hbm>> -> memref<25x100xi32, #tpu.memory_space<hbm>>
    tpu.enqueue_dma source(%dma_start3A_32 : memref<25x100xi32, #tpu.memory_space<hbm>>) target(%arg10 : memref<25x100xi32, #tpu.memory_space<vmem>>) target_semaphore(%arg14 : memref<!tpu.dma_semaphore, #tpu.memory_space<semaphore_mem>>)
    %scan3A = arith.constant 0 : i32
    %scan3A_33 = arith.constant 1 : i32
    %scan3A_34 = arith.constant 0 : i32
    %scan3A_35 = arith.constant 12 : i32
    %scan3A_36 = arith.addi %scan3A_34, %scan3A_35 : i32
    %scan3A_37 = arith.constant 1 : i32
    scf.for %scan3A_242 = %scan3A_34 to %scan3A_36 step %scan3A_37  : i32 {
      %mul3A_243 = arith.constant 2 : i32
      %mul3A_244 = arith.muli %scan3A_242, %mul3A_243 : i32
      %add3A_245 = arith.constant 0 : i32
      %add3A_246 = arith.addi %add3A_245, %mul3A_244 : i32
      %dma_wait3A_247 = arith.constant 0 : i32
      %dma_wait3A_248 = arith.constant 0 : i32
      %dma_wait3A_249 = tpu.memref_slice %arg11[%scan3A, %dma_wait3A_247, %dma_wait3A_248] : memref<2x100x128xf32, #tpu.memory_space<vmem>> -> memref<1x100x128xf32, #tpu.memory_space<vmem>>
      %dma_wait3A_250 = tpu.memref_squeeze %dma_wait3A_249 : memref<1x100x128xf32, #tpu.memory_space<vmem>> -> memref<100x128xf32, #tpu.memory_space<vmem>>
      %dma_wait3A_251 = arith.constant 0 : i32
      %dma_wait3A_252 = tpu.memref_slice %arg7[%add3A_246, %dma_wait3A_251] : memref<25x100xi32, #tpu.memory_space<vmem>> -> memref<1x100xi32, #tpu.memory_space<vmem>>
      %dma_wait3A_253 = tpu.memref_squeeze %dma_wait3A_252 : memref<1x100xi32, #tpu.memory_space<vmem>> -> memref<100xi32, #tpu.memory_space<vmem>>
      %dma_wait3A_254 = arith.constant 0 : i32
      %dma_wait3A_255 = arith.constant 0 : i32
      %dma_wait3A_256 = tpu.memref_slice %arg2[%dma_wait3A_254, %dma_wait3A_255] : memref<10000x128xf32, #tpu.memory_space<hbm>> -> memref<10000x128xf32, #tpu.memory_space<hbm>>
      tpu.wait_indirect_dma semaphore(%arg12 : memref<!tpu.dma_semaphore, #tpu.memory_space<semaphore_mem>>) src(%dma_wait3A_256 : memref<10000x128xf32, #tpu.memory_space<hbm>>) dst(%dma_wait3A_250 : memref<100x128xf32, #tpu.memory_space<vmem>>)
      %add3A_257 = arith.constant 1 : i32
      %add3A_258 = arith.addi %add3A_246, %add3A_257 : i32
      %dma_start3A_259 = arith.constant 0 : i32
      %dma_start3A_260 = arith.constant 0 : i32
      %dma_start3A_261 = tpu.memref_slice %arg11[%scan3A_33, %dma_start3A_259, %dma_start3A_260] : memref<2x100x128xf32, #tpu.memory_space<vmem>> -> memref<1x100x128xf32, #tpu.memory_space<vmem>>
      %dma_start3A_262 = tpu.memref_squeeze %dma_start3A_261 : memref<1x100x128xf32, #tpu.memory_space<vmem>> -> memref<100x128xf32, #tpu.memory_space<vmem>>
      %dma_start3A_263 = arith.constant 0 : i32
      %dma_start3A_264 = tpu.memref_slice %arg7[%add3A_258, %dma_start3A_263] : memref<25x100xi32, #tpu.memory_space<vmem>> -> memref<1x100xi32, #tpu.memory_space<vmem>>
      %dma_start3A_265 = tpu.memref_squeeze %dma_start3A_264 : memref<1x100xi32, #tpu.memory_space<vmem>> -> memref<100xi32, #tpu.memory_space<vmem>>
      %dma_start3A_266 = arith.constant 0 : i32
      %dma_start3A_267 = arith.constant 0 : i32
      %dma_start3A_268 = tpu.memref_slice %arg2[%dma_start3A_266, %dma_start3A_267] : memref<10000x128xf32, #tpu.memory_space<hbm>> -> memref<10000x128xf32, #tpu.memory_space<hbm>>
      tpu.enqueue_indirect_dma source(%dma_start3A_268 : memref<10000x128xf32, #tpu.memory_space<hbm>>) target(%dma_start3A_262 : memref<100x128xf32, #tpu.memory_space<vmem>>) offsets(%dma_start3A_265 : memref<100xi32, #tpu.memory_space<vmem>>) semaphore(%arg13 : memref<!tpu.dma_semaphore, #tpu.memory_space<semaphore_mem>>)
      "tpu.region"() ({
        %run_scoped3A_295 = tpu.sem_alloc : memref<!tpu.dma_semaphore, #tpu.memory_space<semaphore_mem>>
        %dma_start3A_296 = arith.constant 0 : i32
        %dma_start3A_297 = arith.constant 0 : i32
        %dma_start3A_298 = tpu.memref_slice %arg11[%scan3A, %dma_start3A_296, %dma_start3A_297] : memref<2x100x128xf32, #tpu.memory_space<vmem>> -> memref<1x100x128xf32, #tpu.memory_space<vmem>>
        %dma_start3A_299 = tpu.memref_squeeze %dma_start3A_298 : memref<1x100x128xf32, #tpu.memory_space<vmem>> -> memref<100x128xf32, #tpu.memory_space<vmem>>
        %dma_start3A_300 = arith.constant 0 : i32
        %dma_start3A_301 = tpu.memref_slice %arg8[%add3A_246, %dma_start3A_300] : memref<25x100xi32, #tpu.memory_space<vmem>> -> memref<1x100xi32, #tpu.memory_space<vmem>>
        %dma_start3A_302 = tpu.memref_squeeze %dma_start3A_301 : memref<1x100xi32, #tpu.memory_space<vmem>> -> memref<100xi32, #tpu.memory_space<vmem>>
        %dma_start3A_303 = arith.constant 0 : i32
        %dma_start3A_304 = arith.constant 0 : i32
        %dma_start3A_305 = tpu.memref_slice %arg15[%dma_start3A_303, %dma_start3A_304] : memref<10240x128xf32, #tpu.memory_space<vmem_shared>> -> memref<10240x128xf32, #tpu.memory_space<vmem_shared>>
        tpu.enqueue_indirect_dma source(%dma_start3A_299 : memref<100x128xf32, #tpu.memory_space<vmem>>) target(%dma_start3A_305 : memref<10240x128xf32, #tpu.memory_space<vmem_shared>>) offsets(%dma_start3A_302 : memref<100xi32, #tpu.memory_space<vmem>>) semaphore(%run_scoped3A_295 : memref<!tpu.dma_semaphore, #tpu.memory_space<semaphore_mem>>) {add = true}
        %dma_wait3A_306 = arith.constant 0 : i32
        %dma_wait3A_307 = arith.constant 0 : i32
        %dma_wait3A_308 = tpu.memref_slice %arg11[%scan3A, %dma_wait3A_306, %dma_wait3A_307] : memref<2x100x128xf32, #tpu.memory_space<vmem>> -> memref<1x100x128xf32, #tpu.memory_space<vmem>>
        %dma_wait3A_309 = tpu.memref_squeeze %dma_wait3A_308 : memref<1x100x128xf32, #tpu.memory_space<vmem>> -> memref<100x128xf32, #tpu.memory_space<vmem>>
        %dma_wait3A_310 = arith.constant 0 : i32
        %dma_wait3A_311 = tpu.memref_slice %arg8[%add3A_246, %dma_wait3A_310] : memref<25x100xi32, #tpu.memory_space<vmem>> -> memref<1x100xi32, #tpu.memory_space<vmem>>
        %dma_wait3A_312 = tpu.memref_squeeze %dma_wait3A_311 : memref<1x100xi32, #tpu.memory_space<vmem>> -> memref<100xi32, #tpu.memory_space<vmem>>
        %dma_wait3A_313 = arith.constant 0 : i32
        %dma_wait3A_314 = arith.constant 0 : i32
        %dma_wait3A_315 = tpu.memref_slice %arg15[%dma_wait3A_313, %dma_wait3A_314] : memref<10240x128xf32, #tpu.memory_space<vmem_shared>> -> memref<10240x128xf32, #tpu.memory_space<vmem_shared>>
        tpu.wait_indirect_dma semaphore(%run_scoped3A_295 : memref<!tpu.dma_semaphore, #tpu.memory_space<semaphore_mem>>) src(%dma_wait3A_309 : memref<100x128xf32, #tpu.memory_space<vmem>>) dst(%dma_wait3A_315 : memref<10240x128xf32, #tpu.memory_space<vmem_shared>>)
        tpu.yield
      }) : () -> ()
      %add3A_269 = arith.constant 1 : i32
      %add3A_270 = arith.addi %add3A_246, %add3A_269 : i32
      %dma_wait3A_271 = arith.constant 0 : i32
      %dma_wait3A_272 = arith.constant 0 : i32
      %dma_wait3A_273 = tpu.memref_slice %arg11[%scan3A_33, %dma_wait3A_271, %dma_wait3A_272] : memref<2x100x128xf32, #tpu.memory_space<vmem>> -> memref<1x100x128xf32, #tpu.memory_space<vmem>>
      %dma_wait3A_274 = tpu.memref_squeeze %dma_wait3A_273 : memref<1x100x128xf32, #tpu.memory_space<vmem>> -> memref<100x128xf32, #tpu.memory_space<vmem>>
      %dma_wait3A_275 = arith.constant 0 : i32
      %dma_wait3A_276 = tpu.memref_slice %arg7[%add3A_270, %dma_wait3A_275] : memref<25x100xi32, #tpu.memory_space<vmem>> -> memref<1x100xi32, #tpu.memory_space<vmem>>
      %dma_wait3A_277 = tpu.memref_squeeze %dma_wait3A_276 : memref<1x100xi32, #tpu.memory_space<vmem>> -> memref<100xi32, #tpu.memory_space<vmem>>
      %dma_wait3A_278 = arith.constant 0 : i32
      %dma_wait3A_279 = arith.constant 0 : i32
      %dma_wait3A_280 = tpu.memref_slice %arg2[%dma_wait3A_278, %dma_wait3A_279] : memref<10000x128xf32, #tpu.memory_space<hbm>> -> memref<10000x128xf32, #tpu.memory_space<hbm>>
      tpu.wait_indirect_dma semaphore(%arg13 : memref<!tpu.dma_semaphore, #tpu.memory_space<semaphore_mem>>) src(%dma_wait3A_280 : memref<10000x128xf32, #tpu.memory_space<hbm>>) dst(%dma_wait3A_274 : memref<100x128xf32, #tpu.memory_space<vmem>>)
      %add3A_281 = arith.constant 2 : i32
      %add3A_282 = arith.addi %add3A_246, %add3A_281 : i32
      %dma_start3A_283 = arith.constant 0 : i32
      %dma_start3A_284 = arith.constant 0 : i32
      %dma_start3A_285 = tpu.memref_slice %arg11[%scan3A, %dma_start3A_283, %dma_start3A_284] : memref<2x100x128xf32, #tpu.memory_space<vmem>> -> memref<1x100x128xf32, #tpu.memory_space<vmem>>
      %dma_start3A_286 = tpu.memref_squeeze %dma_start3A_285 : memref<1x100x128xf32, #tpu.memory_space<vmem>> -> memref<100x128xf32, #tpu.memory_space<vmem>>
      %dma_start3A_287 = arith.constant 0 : i32
      %dma_start3A_288 = tpu.memref_slice %arg7[%add3A_282, %dma_start3A_287] : memref<25x100xi32, #tpu.memory_space<vmem>> -> memref<1x100xi32, #tpu.memory_space<vmem>>
      %dma_start3A_289 = tpu.memref_squeeze %dma_start3A_288 : memref<1x100xi32, #tpu.memory_space<vmem>> -> memref<100xi32, #tpu.memory_space<vmem>>
      %dma_start3A_290 = arith.constant 0 : i32
      %dma_start3A_291 = arith.constant 0 : i32
      %dma_start3A_292 = tpu.memref_slice %arg2[%dma_start3A_290, %dma_start3A_291] : memref<10000x128xf32, #tpu.memory_space<hbm>> -> memref<10000x128xf32, #tpu.memory_space<hbm>>
      tpu.enqueue_indirect_dma source(%dma_start3A_292 : memref<10000x128xf32, #tpu.memory_space<hbm>>) target(%dma_start3A_286 : memref<100x128xf32, #tpu.memory_space<vmem>>) offsets(%dma_start3A_289 : memref<100xi32, #tpu.memory_space<vmem>>) semaphore(%arg12 : memref<!tpu.dma_semaphore, #tpu.memory_space<semaphore_mem>>)
      %add3A_293 = arith.constant 1 : i32
      %add3A_294 = arith.addi %add3A_246, %add3A_293 : i32
      "tpu.region"() ({
        %run_scoped3A_295 = tpu.sem_alloc : memref<!tpu.dma_semaphore, #tpu.memory_space<semaphore_mem>>
        %dma_start3A_296 = arith.constant 0 : i32
        %dma_start3A_297 = arith.constant 0 : i32
        %dma_start3A_298 = tpu.memref_slice %arg11[%scan3A_33, %dma_start3A_296, %dma_start3A_297] : memref<2x100x128xf32, #tpu.memory_space<vmem>> -> memref<1x100x128xf32, #tpu.memory_space<vmem>>
        %dma_start3A_299 = tpu.memref_squeeze %dma_start3A_298 : memref<1x100x128xf32, #tpu.memory_space<vmem>> -> memref<100x128xf32, #tpu.memory_space<vmem>>
        %dma_start3A_300 = arith.constant 0 : i32
        %dma_start3A_301 = tpu.memref_slice %arg8[%add3A_294, %dma_start3A_300] : memref<25x100xi32, #tpu.memory_space<vmem>> -> memref<1x100xi32, #tpu.memory_space<vmem>>
        %dma_start3A_302 = tpu.memref_squeeze %dma_start3A_301 : memref<1x100xi32, #tpu.memory_space<vmem>> -> memref<100xi32, #tpu.memory_space<vmem>>
        %dma_start3A_303 = arith.constant 0 : i32
        %dma_start3A_304 = arith.constant 0 : i32
        %dma_start3A_305 = tpu.memref_slice %arg15[%dma_start3A_303, %dma_start3A_304] : memref<10240x128xf32, #tpu.memory_space<vmem_shared>> -> memref<10240x128xf32, #tpu.memory_space<vmem_shared>>
        tpu.enqueue_indirect_dma source(%dma_start3A_299 : memref<100x128xf32, #tpu.memory_space<vmem>>) target(%dma_start3A_305 : memref<10240x128xf32, #tpu.memory_space<vmem_shared>>) offsets(%dma_start3A_302 : memref<100xi32, #tpu.memory_space<vmem>>) semaphore(%run_scoped3A_295 : memref<!tpu.dma_semaphore, #tpu.memory_space<semaphore_mem>>) {add = true}
        %dma_wait3A_306 = arith.constant 0 : i32
        %dma_wait3A_307 = arith.constant 0 : i32
        %dma_wait3A_308 = tpu.memref_slice %arg11[%scan3A_33, %dma_wait3A_306, %dma_wait3A_307] : memref<2x100x128xf32, #tpu.memory_space<vmem>> -> memref<1x100x128xf32, #tpu.memory_space<vmem>>
        %dma_wait3A_309 = tpu.memref_squeeze %dma_wait3A_308 : memref<1x100x128xf32, #tpu.memory_space<vmem>> -> memref<100x128xf32, #tpu.memory_space<vmem>>
        %dma_wait3A_310 = arith.constant 0 : i32
        %dma_wait3A_311 = tpu.memref_slice %arg8[%add3A_294, %dma_wait3A_310] : memref<25x100xi32, #tpu.memory_space<vmem>> -> memref<1x100xi32, #tpu.memory_space<vmem>>
        %dma_wait3A_312 = tpu.memref_squeeze %dma_wait3A_311 : memref<1x100xi32, #tpu.memory_space<vmem>> -> memref<100xi32, #tpu.memory_space<vmem>>
        %dma_wait3A_313 = arith.constant 0 : i32
        %dma_wait3A_314 = arith.constant 0 : i32
        %dma_wait3A_315 = tpu.memref_slice %arg15[%dma_wait3A_313, %dma_wait3A_314] : memref<10240x128xf32, #tpu.memory_space<vmem_shared>> -> memref<10240x128xf32, #tpu.memory_space<vmem_shared>>
        tpu.wait_indirect_dma semaphore(%run_scoped3A_295 : memref<!tpu.dma_semaphore, #tpu.memory_space<semaphore_mem>>) src(%dma_wait3A_309 : memref<100x128xf32, #tpu.memory_space<vmem>>) dst(%dma_wait3A_315 : memref<10240x128xf32, #tpu.memory_space<vmem_shared>>)
        tpu.yield
      }) : () -> ()
    }
    %scan3A_38 = arith.constant 12 : i32
    %dma_wait3A = arith.constant 24 : i32
    %dma_wait3A_39 = arith.constant 0 : i32
    %dma_wait3A_40 = arith.constant 0 : i32
    %dma_wait3A_41 = arith.constant 0 : i32
    %dma_wait3A_42 = tpu.memref_slice %arg11[%dma_wait3A_39, %dma_wait3A_40, %dma_wait3A_41] : memref<2x100x128xf32, #tpu.memory_space<vmem>> -> memref<1x100x128xf32, #tpu.memory_space<vmem>>
    %dma_wait3A_43 = tpu.memref_squeeze %dma_wait3A_42 : memref<1x100x128xf32, #tpu.memory_space<vmem>> -> memref<100x128xf32, #tpu.memory_space<vmem>>
    %dma_wait3A_44 = arith.constant 0 : i32
    %dma_wait3A_45 = tpu.memref_slice %arg7[%dma_wait3A, %dma_wait3A_44] : memref<25x100xi32, #tpu.memory_space<vmem>> -> memref<1x100xi32, #tpu.memory_space<vmem>>
    %dma_wait3A_46 = tpu.memref_squeeze %dma_wait3A_45 : memref<1x100xi32, #tpu.memory_space<vmem>> -> memref<100xi32, #tpu.memory_space<vmem>>
    %dma_wait3A_47 = arith.constant 0 : i32
    %dma_wait3A_48 = arith.constant 0 : i32
    %dma_wait3A_49 = tpu.memref_slice %arg2[%dma_wait3A_47, %dma_wait3A_48] : memref<10000x128xf32, #tpu.memory_space<hbm>> -> memref<10000x128xf32, #tpu.memory_space<hbm>>
    tpu.wait_indirect_dma semaphore(%arg12 : memref<!tpu.dma_semaphore, #tpu.memory_space<semaphore_mem>>) src(%dma_wait3A_49 : memref<10000x128xf32, #tpu.memory_space<hbm>>) dst(%dma_wait3A_43 : memref<100x128xf32, #tpu.memory_space<vmem>>)
    %dma_wait3A_50 = arith.constant 1 : i32
    %dma_wait3A_51 = arith.constant 0 : i32
    %dma_wait3A_52 = arith.constant 0 : i32
    %dma_wait3A_53 = tpu.memref_slice %arg3[%add3A, %dma_wait3A_50, %dma_wait3A_51, %dma_wait3A_52] : memref<32x4x25x100xi32, #tpu.memory_space<hbm>> -> memref<1x1x25x100xi32, #tpu.memory_space<hbm>>
    %dma_wait3A_54 = tpu.memref_squeeze %dma_wait3A_53 : memref<1x1x25x100xi32, #tpu.memory_space<hbm>> -> memref<25x100xi32, #tpu.memory_space<hbm>>
    %dma_wait3A_55 = arith.constant 0 : i32
    %dma_wait3A_56 = arith.constant 0 : i32
    %dma_wait3A_57 = tpu.memref_slice %arg3[%add3A, %dma_wait3A_50, %dma_wait3A_55, %dma_wait3A_56] : memref<32x4x25x100xi32, #tpu.memory_space<hbm>> -> memref<1x1x25x100xi32, #tpu.memory_space<hbm>>
    %dma_wait3A_58 = tpu.memref_squeeze %dma_wait3A_57 : memref<1x1x25x100xi32, #tpu.memory_space<hbm>> -> memref<25x100xi32, #tpu.memory_space<hbm>>
    tpu.wait_dma2 semaphore(%arg14 : memref<!tpu.dma_semaphore, #tpu.memory_space<semaphore_mem>>) src(%dma_wait3A_58 : memref<25x100xi32, #tpu.memory_space<hbm>>) dst(%arg9 : memref<25x100xi32, #tpu.memory_space<vmem>>)
    %dma_wait3A_59 = arith.constant 1 : i32
    %dma_wait3A_60 = arith.constant 0 : i32
    %dma_wait3A_61 = arith.constant 0 : i32
    %dma_wait3A_62 = tpu.memref_slice %arg4[%add3A, %dma_wait3A_59, %dma_wait3A_60, %dma_wait3A_61] : memref<32x4x25x100xi32, #tpu.memory_space<hbm>> -> memref<1x1x25x100xi32, #tpu.memory_space<hbm>>
    %dma_wait3A_63 = tpu.memref_squeeze %dma_wait3A_62 : memref<1x1x25x100xi32, #tpu.memory_space<hbm>> -> memref<25x100xi32, #tpu.memory_space<hbm>>
    %dma_wait3A_64 = arith.constant 0 : i32
    %dma_wait3A_65 = arith.constant 0 : i32
    %dma_wait3A_66 = tpu.memref_slice %arg4[%add3A, %dma_wait3A_59, %dma_wait3A_64, %dma_wait3A_65] : memref<32x4x25x100xi32, #tpu.memory_space<hbm>> -> memref<1x1x25x100xi32, #tpu.memory_space<hbm>>
    %dma_wait3A_67 = tpu.memref_squeeze %dma_wait3A_66 : memref<1x1x25x100xi32, #tpu.memory_space<hbm>> -> memref<25x100xi32, #tpu.memory_space<hbm>>
    tpu.wait_dma2 semaphore(%arg14 : memref<!tpu.dma_semaphore, #tpu.memory_space<semaphore_mem>>) src(%dma_wait3A_67 : memref<25x100xi32, #tpu.memory_space<hbm>>) dst(%arg10 : memref<25x100xi32, #tpu.memory_space<vmem>>)
    %dma_start3A_68 = arith.constant 0 : i32
    %dma_start3A_69 = arith.constant 1 : i32
    %dma_start3A_70 = arith.constant 0 : i32
    %dma_start3A_71 = arith.constant 0 : i32
    %dma_start3A_72 = tpu.memref_slice %arg11[%dma_start3A_69, %dma_start3A_70, %dma_start3A_71] : memref<2x100x128xf32, #tpu.memory_space<vmem>> -> memref<1x100x128xf32, #tpu.memory_space<vmem>>
    %dma_start3A_73 = tpu.memref_squeeze %dma_start3A_72 : memref<1x100x128xf32, #tpu.memory_space<vmem>> -> memref<100x128xf32, #tpu.memory_space<vmem>>
    %dma_start3A_74 = arith.constant 0 : i32
    %dma_start3A_75 = tpu.memref_slice %arg9[%dma_start3A_68, %dma_start3A_74] : memref<25x100xi32, #tpu.memory_space<vmem>> -> memref<1x100xi32, #tpu.memory_space<vmem>>
    %dma_start3A_76 = tpu.memref_squeeze %dma_start3A_75 : memref<1x100xi32, #tpu.memory_space<vmem>> -> memref<100xi32, #tpu.memory_space<vmem>>
    %dma_start3A_77 = arith.constant 0 : i32
    %dma_start3A_78 = arith.constant 0 : i32
    %dma_start3A_79 = tpu.memref_slice %arg2[%dma_start3A_77, %dma_start3A_78] : memref<10000x128xf32, #tpu.memory_space<hbm>> -> memref<10000x128xf32, #tpu.memory_space<hbm>>
    tpu.enqueue_indirect_dma source(%dma_start3A_79 : memref<10000x128xf32, #tpu.memory_space<hbm>>) target(%dma_start3A_73 : memref<100x128xf32, #tpu.memory_space<vmem>>) offsets(%dma_start3A_76 : memref<100xi32, #tpu.memory_space<vmem>>) semaphore(%arg13 : memref<!tpu.dma_semaphore, #tpu.memory_space<semaphore_mem>>)
    %run_scoped3A_80 = arith.constant 0 : i32
    %run_scoped3A_81 = arith.constant 24 : i32
    "tpu.region"() ({
      %run_scoped3A_242 = tpu.sem_alloc : memref<!tpu.dma_semaphore, #tpu.memory_space<semaphore_mem>>
      %dma_start3A_243 = arith.constant 0 : i32
      %dma_start3A_244 = arith.constant 0 : i32
      %dma_start3A_245 = tpu.memref_slice %arg11[%run_scoped3A_80, %dma_start3A_243, %dma_start3A_244] : memref<2x100x128xf32, #tpu.memory_space<vmem>> -> memref<1x100x128xf32, #tpu.memory_space<vmem>>
      %dma_start3A_246 = tpu.memref_squeeze %dma_start3A_245 : memref<1x100x128xf32, #tpu.memory_space<vmem>> -> memref<100x128xf32, #tpu.memory_space<vmem>>
      %dma_start3A_247 = arith.constant 0 : i32
      %dma_start3A_248 = tpu.memref_slice %arg8[%run_scoped3A_81, %dma_start3A_247] : memref<25x100xi32, #tpu.memory_space<vmem>> -> memref<1x100xi32, #tpu.memory_space<vmem>>
      %dma_start3A_249 = tpu.memref_squeeze %dma_start3A_248 : memref<1x100xi32, #tpu.memory_space<vmem>> -> memref<100xi32, #tpu.memory_space<vmem>>
      %dma_start3A_250 = arith.constant 0 : i32
      %dma_start3A_251 = arith.constant 0 : i32
      %dma_start3A_252 = tpu.memref_slice %arg15[%dma_start3A_250, %dma_start3A_251] : memref<10240x128xf32, #tpu.memory_space<vmem_shared>> -> memref<10240x128xf32, #tpu.memory_space<vmem_shared>>
      tpu.enqueue_indirect_dma source(%dma_start3A_246 : memref<100x128xf32, #tpu.memory_space<vmem>>) target(%dma_start3A_252 : memref<10240x128xf32, #tpu.memory_space<vmem_shared>>) offsets(%dma_start3A_249 : memref<100xi32, #tpu.memory_space<vmem>>) semaphore(%run_scoped3A_242 : memref<!tpu.dma_semaphore, #tpu.memory_space<semaphore_mem>>) {add = true}
      %dma_wait3A_253 = arith.constant 0 : i32
      %dma_wait3A_254 = arith.constant 0 : i32
      %dma_wait3A_255 = tpu.memref_slice %arg11[%run_scoped3A_80, %dma_wait3A_253, %dma_wait3A_254] : memref<2x100x128xf32, #tpu.memory_space<vmem>> -> memref<1x100x128xf32, #tpu.memory_space<vmem>>
      %dma_wait3A_256 = tpu.memref_squeeze %dma_wait3A_255 : memref<1x100x128xf32, #tpu.memory_space<vmem>> -> memref<100x128xf32, #tpu.memory_space<vmem>>
      %dma_wait3A_257 = arith.constant 0 : i32
      %dma_wait3A_258 = tpu.memref_slice %arg8[%run_scoped3A_81, %dma_wait3A_257] : memref<25x100xi32, #tpu.memory_space<vmem>> -> memref<1x100xi32, #tpu.memory_space<vmem>>
      %dma_wait3A_259 = tpu.memref_squeeze %dma_wait3A_258 : memref<1x100xi32, #tpu.memory_space<vmem>> -> memref<100xi32, #tpu.memory_space<vmem>>
      %dma_wait3A_260 = arith.constant 0 : i32
      %dma_wait3A_261 = arith.constant 0 : i32
      %dma_wait3A_262 = tpu.memref_slice %arg15[%dma_wait3A_260, %dma_wait3A_261] : memref<10240x128xf32, #tpu.memory_space<vmem_shared>> -> memref<10240x128xf32, #tpu.memory_space<vmem_shared>>
      tpu.wait_indirect_dma semaphore(%run_scoped3A_242 : memref<!tpu.dma_semaphore, #tpu.memory_space<semaphore_mem>>) src(%dma_wait3A_256 : memref<100x128xf32, #tpu.memory_space<vmem>>) dst(%dma_wait3A_262 : memref<10240x128xf32, #tpu.memory_space<vmem_shared>>)
      tpu.yield
    }) : () -> ()
    %dma_start3A_82 = arith.constant 2 : i32
    %dma_start3A_83 = arith.constant 0 : i32
    %dma_start3A_84 = arith.constant 0 : i32
    %dma_start3A_85 = tpu.memref_slice %arg3[%add3A, %dma_start3A_82, %dma_start3A_83, %dma_start3A_84] : memref<32x4x25x100xi32, #tpu.memory_space<hbm>> -> memref<1x1x25x100xi32, #tpu.memory_space<hbm>>
    %dma_start3A_86 = tpu.memref_squeeze %dma_start3A_85 : memref<1x1x25x100xi32, #tpu.memory_space<hbm>> -> memref<25x100xi32, #tpu.memory_space<hbm>>
    %dma_start3A_87 = arith.constant 0 : i32
    %dma_start3A_88 = arith.constant 0 : i32
    %dma_start3A_89 = tpu.memref_slice %arg3[%add3A, %dma_start3A_82, %dma_start3A_87, %dma_start3A_88] : memref<32x4x25x100xi32, #tpu.memory_space<hbm>> -> memref<1x1x25x100xi32, #tpu.memory_space<hbm>>
    %dma_start3A_90 = tpu.memref_squeeze %dma_start3A_89 : memref<1x1x25x100xi32, #tpu.memory_space<hbm>> -> memref<25x100xi32, #tpu.memory_space<hbm>>
    tpu.enqueue_dma source(%dma_start3A_90 : memref<25x100xi32, #tpu.memory_space<hbm>>) target(%arg7 : memref<25x100xi32, #tpu.memory_space<vmem>>) target_semaphore(%arg14 : memref<!tpu.dma_semaphore, #tpu.memory_space<semaphore_mem>>)
    %dma_start3A_91 = arith.constant 2 : i32
    %dma_start3A_92 = arith.constant 0 : i32
    %dma_start3A_93 = arith.constant 0 : i32
    %dma_start3A_94 = tpu.memref_slice %arg4[%add3A, %dma_start3A_91, %dma_start3A_92, %dma_start3A_93] : memref<32x4x25x100xi32, #tpu.memory_space<hbm>> -> memref<1x1x25x100xi32, #tpu.memory_space<hbm>>
    %dma_start3A_95 = tpu.memref_squeeze %dma_start3A_94 : memref<1x1x25x100xi32, #tpu.memory_space<hbm>> -> memref<25x100xi32, #tpu.memory_space<hbm>>
    %dma_start3A_96 = arith.constant 0 : i32
    %dma_start3A_97 = arith.constant 0 : i32
    %dma_start3A_98 = tpu.memref_slice %arg4[%add3A, %dma_start3A_91, %dma_start3A_96, %dma_start3A_97] : memref<32x4x25x100xi32, #tpu.memory_space<hbm>> -> memref<1x1x25x100xi32, #tpu.memory_space<hbm>>
    %dma_start3A_99 = tpu.memref_squeeze %dma_start3A_98 : memref<1x1x25x100xi32, #tpu.memory_space<hbm>> -> memref<25x100xi32, #tpu.memory_space<hbm>>
    tpu.enqueue_dma source(%dma_start3A_99 : memref<25x100xi32, #tpu.memory_space<hbm>>) target(%arg8 : memref<25x100xi32, #tpu.memory_space<vmem>>) target_semaphore(%arg14 : memref<!tpu.dma_semaphore, #tpu.memory_space<semaphore_mem>>)
    %scan3A_100 = arith.constant 1 : i32
    %scan3A_101 = arith.constant 0 : i32
    %scan3A_102 = arith.constant 0 : i32
    %scan3A_103 = arith.constant 12 : i32
    %scan3A_104 = arith.addi %scan3A_102, %scan3A_103 : i32
    %scan3A_105 = arith.constant 1 : i32
    scf.for %scan3A_242 = %scan3A_102 to %scan3A_104 step %scan3A_105  : i32 {
      %mul3A_243 = arith.constant 2 : i32
      %mul3A_244 = arith.muli %scan3A_242, %mul3A_243 : i32
      %add3A_245 = arith.constant 0 : i32
      %add3A_246 = arith.addi %add3A_245, %mul3A_244 : i32
      %dma_wait3A_247 = arith.constant 0 : i32
      %dma_wait3A_248 = arith.constant 0 : i32
      %dma_wait3A_249 = tpu.memref_slice %arg11[%scan3A_100, %dma_wait3A_247, %dma_wait3A_248] : memref<2x100x128xf32, #tpu.memory_space<vmem>> -> memref<1x100x128xf32, #tpu.memory_space<vmem>>
      %dma_wait3A_250 = tpu.memref_squeeze %dma_wait3A_249 : memref<1x100x128xf32, #tpu.memory_space<vmem>> -> memref<100x128xf32, #tpu.memory_space<vmem>>
      %dma_wait3A_251 = arith.constant 0 : i32
      %dma_wait3A_252 = tpu.memref_slice %arg9[%add3A_246, %dma_wait3A_251] : memref<25x100xi32, #tpu.memory_space<vmem>> -> memref<1x100xi32, #tpu.memory_space<vmem>>
      %dma_wait3A_253 = tpu.memref_squeeze %dma_wait3A_252 : memref<1x100xi32, #tpu.memory_space<vmem>> -> memref<100xi32, #tpu.memory_space<vmem>>
      %dma_wait3A_254 = arith.constant 0 : i32
      %dma_wait3A_255 = arith.constant 0 : i32
      %dma_wait3A_256 = tpu.memref_slice %arg2[%dma_wait3A_254, %dma_wait3A_255] : memref<10000x128xf32, #tpu.memory_space<hbm>> -> memref<10000x128xf32, #tpu.memory_space<hbm>>
      tpu.wait_indirect_dma semaphore(%arg13 : memref<!tpu.dma_semaphore, #tpu.memory_space<semaphore_mem>>) src(%dma_wait3A_256 : memref<10000x128xf32, #tpu.memory_space<hbm>>) dst(%dma_wait3A_250 : memref<100x128xf32, #tpu.memory_space<vmem>>)
      %add3A_257 = arith.constant 1 : i32
      %add3A_258 = arith.addi %add3A_246, %add3A_257 : i32
      %dma_start3A_259 = arith.constant 0 : i32
      %dma_start3A_260 = arith.constant 0 : i32
      %dma_start3A_261 = tpu.memref_slice %arg11[%scan3A_101, %dma_start3A_259, %dma_start3A_260] : memref<2x100x128xf32, #tpu.memory_space<vmem>> -> memref<1x100x128xf32, #tpu.memory_space<vmem>>
      %dma_start3A_262 = tpu.memref_squeeze %dma_start3A_261 : memref<1x100x128xf32, #tpu.memory_space<vmem>> -> memref<100x128xf32, #tpu.memory_space<vmem>>
      %dma_start3A_263 = arith.constant 0 : i32
      %dma_start3A_264 = tpu.memref_slice %arg9[%add3A_258, %dma_start3A_263] : memref<25x100xi32, #tpu.memory_space<vmem>> -> memref<1x100xi32, #tpu.memory_space<vmem>>
      %dma_start3A_265 = tpu.memref_squeeze %dma_start3A_264 : memref<1x100xi32, #tpu.memory_space<vmem>> -> memref<100xi32, #tpu.memory_space<vmem>>
      %dma_start3A_266 = arith.constant 0 : i32
      %dma_start3A_267 = arith.constant 0 : i32
      %dma_start3A_268 = tpu.memref_slice %arg2[%dma_start3A_266, %dma_start3A_267] : memref<10000x128xf32, #tpu.memory_space<hbm>> -> memref<10000x128xf32, #tpu.memory_space<hbm>>
      tpu.enqueue_indirect_dma source(%dma_start3A_268 : memref<10000x128xf32, #tpu.memory_space<hbm>>) target(%dma_start3A_262 : memref<100x128xf32, #tpu.memory_space<vmem>>) offsets(%dma_start3A_265 : memref<100xi32, #tpu.memory_space<vmem>>) semaphore(%arg12 : memref<!tpu.dma_semaphore, #tpu.memory_space<semaphore_mem>>)
      "tpu.region"() ({
        %run_scoped3A_295 = tpu.sem_alloc : memref<!tpu.dma_semaphore, #tpu.memory_space<semaphore_mem>>
        %dma_start3A_296 = arith.constant 0 : i32
        %dma_start3A_297 = arith.constant 0 : i32
        %dma_start3A_298 = tpu.memref_slice %arg11[%scan3A_100, %dma_start3A_296, %dma_start3A_297] : memref<2x100x128xf32, #tpu.memory_space<vmem>> -> memref<1x100x128xf32, #tpu.memory_space<vmem>>
        %dma_start3A_299 = tpu.memref_squeeze %dma_start3A_298 : memref<1x100x128xf32, #tpu.memory_space<vmem>> -> memref<100x128xf32, #tpu.memory_space<vmem>>
        %dma_start3A_300 = arith.constant 0 : i32
        %dma_start3A_301 = tpu.memref_slice %arg10[%add3A_246, %dma_start3A_300] : memref<25x100xi32, #tpu.memory_space<vmem>> -> memref<1x100xi32, #tpu.memory_space<vmem>>
        %dma_start3A_302 = tpu.memref_squeeze %dma_start3A_301 : memref<1x100xi32, #tpu.memory_space<vmem>> -> memref<100xi32, #tpu.memory_space<vmem>>
        %dma_start3A_303 = arith.constant 0 : i32
        %dma_start3A_304 = arith.constant 0 : i32
        %dma_start3A_305 = tpu.memref_slice %arg15[%dma_start3A_303, %dma_start3A_304] : memref<10240x128xf32, #tpu.memory_space<vmem_shared>> -> memref<10240x128xf32, #tpu.memory_space<vmem_shared>>
        tpu.enqueue_indirect_dma source(%dma_start3A_299 : memref<100x128xf32, #tpu.memory_space<vmem>>) target(%dma_start3A_305 : memref<10240x128xf32, #tpu.memory_space<vmem_shared>>) offsets(%dma_start3A_302 : memref<100xi32, #tpu.memory_space<vmem>>) semaphore(%run_scoped3A_295 : memref<!tpu.dma_semaphore, #tpu.memory_space<semaphore_mem>>) {add = true}
        %dma_wait3A_306 = arith.constant 0 : i32
        %dma_wait3A_307 = arith.constant 0 : i32
        %dma_wait3A_308 = tpu.memref_slice %arg11[%scan3A_100, %dma_wait3A_306, %dma_wait3A_307] : memref<2x100x128xf32, #tpu.memory_space<vmem>> -> memref<1x100x128xf32, #tpu.memory_space<vmem>>
        %dma_wait3A_309 = tpu.memref_squeeze %dma_wait3A_308 : memref<1x100x128xf32, #tpu.memory_space<vmem>> -> memref<100x128xf32, #tpu.memory_space<vmem>>
        %dma_wait3A_310 = arith.constant 0 : i32
        %dma_wait3A_311 = tpu.memref_slice %arg10[%add3A_246, %dma_wait3A_310] : memref<25x100xi32, #tpu.memory_space<vmem>> -> memref<1x100xi32, #tpu.memory_space<vmem>>
        %dma_wait3A_312 = tpu.memref_squeeze %dma_wait3A_311 : memref<1x100xi32, #tpu.memory_space<vmem>> -> memref<100xi32, #tpu.memory_space<vmem>>
        %dma_wait3A_313 = arith.constant 0 : i32
        %dma_wait3A_314 = arith.constant 0 : i32
        %dma_wait3A_315 = tpu.memref_slice %arg15[%dma_wait3A_313, %dma_wait3A_314] : memref<10240x128xf32, #tpu.memory_space<vmem_shared>> -> memref<10240x128xf32, #tpu.memory_space<vmem_shared>>
        tpu.wait_indirect_dma semaphore(%run_scoped3A_295 : memref<!tpu.dma_semaphore, #tpu.memory_space<semaphore_mem>>) src(%dma_wait3A_309 : memref<100x128xf32, #tpu.memory_space<vmem>>) dst(%dma_wait3A_315 : memref<10240x128xf32, #tpu.memory_space<vmem_shared>>)
        tpu.yield
      }) : () -> ()
      %add3A_269 = arith.constant 1 : i32
      %add3A_270 = arith.addi %add3A_246, %add3A_269 : i32
      %dma_wait3A_271 = arith.constant 0 : i32
      %dma_wait3A_272 = arith.constant 0 : i32
      %dma_wait3A_273 = tpu.memref_slice %arg11[%scan3A_101, %dma_wait3A_271, %dma_wait3A_272] : memref<2x100x128xf32, #tpu.memory_space<vmem>> -> memref<1x100x128xf32, #tpu.memory_space<vmem>>
      %dma_wait3A_274 = tpu.memref_squeeze %dma_wait3A_273 : memref<1x100x128xf32, #tpu.memory_space<vmem>> -> memref<100x128xf32, #tpu.memory_space<vmem>>
      %dma_wait3A_275 = arith.constant 0 : i32
      %dma_wait3A_276 = tpu.memref_slice %arg9[%add3A_270, %dma_wait3A_275] : memref<25x100xi32, #tpu.memory_space<vmem>> -> memref<1x100xi32, #tpu.memory_space<vmem>>
      %dma_wait3A_277 = tpu.memref_squeeze %dma_wait3A_276 : memref<1x100xi32, #tpu.memory_space<vmem>> -> memref<100xi32, #tpu.memory_space<vmem>>
      %dma_wait3A_278 = arith.constant 0 : i32
      %dma_wait3A_279 = arith.constant 0 : i32
      %dma_wait3A_280 = tpu.memref_slice %arg2[%dma_wait3A_278, %dma_wait3A_279] : memref<10000x128xf32, #tpu.memory_space<hbm>> -> memref<10000x128xf32, #tpu.memory_space<hbm>>
      tpu.wait_indirect_dma semaphore(%arg12 : memref<!tpu.dma_semaphore, #tpu.memory_space<semaphore_mem>>) src(%dma_wait3A_280 : memref<10000x128xf32, #tpu.memory_space<hbm>>) dst(%dma_wait3A_274 : memref<100x128xf32, #tpu.memory_space<vmem>>)
      %add3A_281 = arith.constant 2 : i32
      %add3A_282 = arith.addi %add3A_246, %add3A_281 : i32
      %dma_start3A_283 = arith.constant 0 : i32
      %dma_start3A_284 = arith.constant 0 : i32
      %dma_start3A_285 = tpu.memref_slice %arg11[%scan3A_100, %dma_start3A_283, %dma_start3A_284] : memref<2x100x128xf32, #tpu.memory_space<vmem>> -> memref<1x100x128xf32, #tpu.memory_space<vmem>>
      %dma_start3A_286 = tpu.memref_squeeze %dma_start3A_285 : memref<1x100x128xf32, #tpu.memory_space<vmem>> -> memref<100x128xf32, #tpu.memory_space<vmem>>
      %dma_start3A_287 = arith.constant 0 : i32
      %dma_start3A_288 = tpu.memref_slice %arg9[%add3A_282, %dma_start3A_287] : memref<25x100xi32, #tpu.memory_space<vmem>> -> memref<1x100xi32, #tpu.memory_space<vmem>>
      %dma_start3A_289 = tpu.memref_squeeze %dma_start3A_288 : memref<1x100xi32, #tpu.memory_space<vmem>> -> memref<100xi32, #tpu.memory_space<vmem>>
      %dma_start3A_290 = arith.constant 0 : i32
      %dma_start3A_291 = arith.constant 0 : i32
      %dma_start3A_292 = tpu.memref_slice %arg2[%dma_start3A_290, %dma_start3A_291] : memref<10000x128xf32, #tpu.memory_space<hbm>> -> memref<10000x128xf32, #tpu.memory_space<hbm>>
      tpu.enqueue_indirect_dma source(%dma_start3A_292 : memref<10000x128xf32, #tpu.memory_space<hbm>>) target(%dma_start3A_286 : memref<100x128xf32, #tpu.memory_space<vmem>>) offsets(%dma_start3A_289 : memref<100xi32, #tpu.memory_space<vmem>>) semaphore(%arg13 : memref<!tpu.dma_semaphore, #tpu.memory_space<semaphore_mem>>)
      %add3A_293 = arith.constant 1 : i32
      %add3A_294 = arith.addi %add3A_246, %add3A_293 : i32
      "tpu.region"() ({
        %run_scoped3A_295 = tpu.sem_alloc : memref<!tpu.dma_semaphore, #tpu.memory_space<semaphore_mem>>
        %dma_start3A_296 = arith.constant 0 : i32
        %dma_start3A_297 = arith.constant 0 : i32
        %dma_start3A_298 = tpu.memref_slice %arg11[%scan3A_101, %dma_start3A_296, %dma_start3A_297] : memref<2x100x128xf32, #tpu.memory_space<vmem>> -> memref<1x100x128xf32, #tpu.memory_space<vmem>>
        %dma_start3A_299 = tpu.memref_squeeze %dma_start3A_298 : memref<1x100x128xf32, #tpu.memory_space<vmem>> -> memref<100x128xf32, #tpu.memory_space<vmem>>
        %dma_start3A_300 = arith.constant 0 : i32
        %dma_start3A_301 = tpu.memref_slice %arg10[%add3A_294, %dma_start3A_300] : memref<25x100xi32, #tpu.memory_space<vmem>> -> memref<1x100xi32, #tpu.memory_space<vmem>>
        %dma_start3A_302 = tpu.memref_squeeze %dma_start3A_301 : memref<1x100xi32, #tpu.memory_space<vmem>> -> memref<100xi32, #tpu.memory_space<vmem>>
        %dma_start3A_303 = arith.constant 0 : i32
        %dma_start3A_304 = arith.constant 0 : i32
        %dma_start3A_305 = tpu.memref_slice %arg15[%dma_start3A_303, %dma_start3A_304] : memref<10240x128xf32, #tpu.memory_space<vmem_shared>> -> memref<10240x128xf32, #tpu.memory_space<vmem_shared>>
        tpu.enqueue_indirect_dma source(%dma_start3A_299 : memref<100x128xf32, #tpu.memory_space<vmem>>) target(%dma_start3A_305 : memref<10240x128xf32, #tpu.memory_space<vmem_shared>>) offsets(%dma_start3A_302 : memref<100xi32, #tpu.memory_space<vmem>>) semaphore(%run_scoped3A_295 : memref<!tpu.dma_semaphore, #tpu.memory_space<semaphore_mem>>) {add = true}
        %dma_wait3A_306 = arith.constant 0 : i32
        %dma_wait3A_307 = arith.constant 0 : i32
        %dma_wait3A_308 = tpu.memref_slice %arg11[%scan3A_101, %dma_wait3A_306, %dma_wait3A_307] : memref<2x100x128xf32, #tpu.memory_space<vmem>> -> memref<1x100x128xf32, #tpu.memory_space<vmem>>
        %dma_wait3A_309 = tpu.memref_squeeze %dma_wait3A_308 : memref<1x100x128xf32, #tpu.memory_space<vmem>> -> memref<100x128xf32, #tpu.memory_space<vmem>>
        %dma_wait3A_310 = arith.constant 0 : i32
        %dma_wait3A_311 = tpu.memref_slice %arg10[%add3A_294, %dma_wait3A_310] : memref<25x100xi32, #tpu.memory_space<vmem>> -> memref<1x100xi32, #tpu.memory_space<vmem>>
        %dma_wait3A_312 = tpu.memref_squeeze %dma_wait3A_311 : memref<1x100xi32, #tpu.memory_space<vmem>> -> memref<100xi32, #tpu.memory_space<vmem>>
        %dma_wait3A_313 = arith.constant 0 : i32
        %dma_wait3A_314 = arith.constant 0 : i32
        %dma_wait3A_315 = tpu.memref_slice %arg15[%dma_wait3A_313, %dma_wait3A_314] : memref<10240x128xf32, #tpu.memory_space<vmem_shared>> -> memref<10240x128xf32, #tpu.memory_space<vmem_shared>>
        tpu.wait_indirect_dma semaphore(%run_scoped3A_295 : memref<!tpu.dma_semaphore, #tpu.memory_space<semaphore_mem>>) src(%dma_wait3A_309 : memref<100x128xf32, #tpu.memory_space<vmem>>) dst(%dma_wait3A_315 : memref<10240x128xf32, #tpu.memory_space<vmem_shared>>)
        tpu.yield
      }) : () -> ()
    }
    %scan3A_106 = arith.constant 12 : i32
    %dma_wait3A_107 = arith.constant 24 : i32
    %dma_wait3A_108 = arith.constant 1 : i32
    %dma_wait3A_109 = arith.constant 0 : i32
    %dma_wait3A_110 = arith.constant 0 : i32
    %dma_wait3A_111 = tpu.memref_slice %arg11[%dma_wait3A_108, %dma_wait3A_109, %dma_wait3A_110] : memref<2x100x128xf32, #tpu.memory_space<vmem>> -> memref<1x100x128xf32, #tpu.memory_space<vmem>>
    %dma_wait3A_112 = tpu.memref_squeeze %dma_wait3A_111 : memref<1x100x128xf32, #tpu.memory_space<vmem>> -> memref<100x128xf32, #tpu.memory_space<vmem>>
    %dma_wait3A_113 = arith.constant 0 : i32
    %dma_wait3A_114 = tpu.memref_slice %arg9[%dma_wait3A_107, %dma_wait3A_113] : memref<25x100xi32, #tpu.memory_space<vmem>> -> memref<1x100xi32, #tpu.memory_space<vmem>>
    %dma_wait3A_115 = tpu.memref_squeeze %dma_wait3A_114 : memref<1x100xi32, #tpu.memory_space<vmem>> -> memref<100xi32, #tpu.memory_space<vmem>>
    %dma_wait3A_116 = arith.constant 0 : i32
    %dma_wait3A_117 = arith.constant 0 : i32
    %dma_wait3A_118 = tpu.memref_slice %arg2[%dma_wait3A_116, %dma_wait3A_117] : memref<10000x128xf32, #tpu.memory_space<hbm>> -> memref<10000x128xf32, #tpu.memory_space<hbm>>
    tpu.wait_indirect_dma semaphore(%arg13 : memref<!tpu.dma_semaphore, #tpu.memory_space<semaphore_mem>>) src(%dma_wait3A_118 : memref<10000x128xf32, #tpu.memory_space<hbm>>) dst(%dma_wait3A_112 : memref<100x128xf32, #tpu.memory_space<vmem>>)
    %dma_wait3A_119 = arith.constant 2 : i32
    %dma_wait3A_120 = arith.constant 0 : i32
    %dma_wait3A_121 = arith.constant 0 : i32
    %dma_wait3A_122 = tpu.memref_slice %arg3[%add3A, %dma_wait3A_119, %dma_wait3A_120, %dma_wait3A_121] : memref<32x4x25x100xi32, #tpu.memory_space<hbm>> -> memref<1x1x25x100xi32, #tpu.memory_space<hbm>>
    %dma_wait3A_123 = tpu.memref_squeeze %dma_wait3A_122 : memref<1x1x25x100xi32, #tpu.memory_space<hbm>> -> memref<25x100xi32, #tpu.memory_space<hbm>>
    %dma_wait3A_124 = arith.constant 0 : i32
    %dma_wait3A_125 = arith.constant 0 : i32
    %dma_wait3A_126 = tpu.memref_slice %arg3[%add3A, %dma_wait3A_119, %dma_wait3A_124, %dma_wait3A_125] : memref<32x4x25x100xi32, #tpu.memory_space<hbm>> -> memref<1x1x25x100xi32, #tpu.memory_space<hbm>>
    %dma_wait3A_127 = tpu.memref_squeeze %dma_wait3A_126 : memref<1x1x25x100xi32, #tpu.memory_space<hbm>> -> memref<25x100xi32, #tpu.memory_space<hbm>>
    tpu.wait_dma2 semaphore(%arg14 : memref<!tpu.dma_semaphore, #tpu.memory_space<semaphore_mem>>) src(%dma_wait3A_127 : memref<25x100xi32, #tpu.memory_space<hbm>>) dst(%arg7 : memref<25x100xi32, #tpu.memory_space<vmem>>)
    %dma_wait3A_128 = arith.constant 2 : i32
    %dma_wait3A_129 = arith.constant 0 : i32
    %dma_wait3A_130 = arith.constant 0 : i32
    %dma_wait3A_131 = tpu.memref_slice %arg4[%add3A, %dma_wait3A_128, %dma_wait3A_129, %dma_wait3A_130] : memref<32x4x25x100xi32, #tpu.memory_space<hbm>> -> memref<1x1x25x100xi32, #tpu.memory_space<hbm>>
    %dma_wait3A_132 = tpu.memref_squeeze %dma_wait3A_131 : memref<1x1x25x100xi32, #tpu.memory_space<hbm>> -> memref<25x100xi32, #tpu.memory_space<hbm>>
    %dma_wait3A_133 = arith.constant 0 : i32
    %dma_wait3A_134 = arith.constant 0 : i32
    %dma_wait3A_135 = tpu.memref_slice %arg4[%add3A, %dma_wait3A_128, %dma_wait3A_133, %dma_wait3A_134] : memref<32x4x25x100xi32, #tpu.memory_space<hbm>> -> memref<1x1x25x100xi32, #tpu.memory_space<hbm>>
    %dma_wait3A_136 = tpu.memref_squeeze %dma_wait3A_135 : memref<1x1x25x100xi32, #tpu.memory_space<hbm>> -> memref<25x100xi32, #tpu.memory_space<hbm>>
    tpu.wait_dma2 semaphore(%arg14 : memref<!tpu.dma_semaphore, #tpu.memory_space<semaphore_mem>>) src(%dma_wait3A_136 : memref<25x100xi32, #tpu.memory_space<hbm>>) dst(%arg8 : memref<25x100xi32, #tpu.memory_space<vmem>>)
    %dma_start3A_137 = arith.constant 0 : i32
    %dma_start3A_138 = arith.constant 0 : i32
    %dma_start3A_139 = arith.constant 0 : i32
    %dma_start3A_140 = arith.constant 0 : i32
    %dma_start3A_141 = tpu.memref_slice %arg11[%dma_start3A_138, %dma_start3A_139, %dma_start3A_140] : memref<2x100x128xf32, #tpu.memory_space<vmem>> -> memref<1x100x128xf32, #tpu.memory_space<vmem>>
    %dma_start3A_142 = tpu.memref_squeeze %dma_start3A_141 : memref<1x100x128xf32, #tpu.memory_space<vmem>> -> memref<100x128xf32, #tpu.memory_space<vmem>>
    %dma_start3A_143 = arith.constant 0 : i32
    %dma_start3A_144 = tpu.memref_slice %arg7[%dma_start3A_137, %dma_start3A_143] : memref<25x100xi32, #tpu.memory_space<vmem>> -> memref<1x100xi32, #tpu.memory_space<vmem>>
    %dma_start3A_145 = tpu.memref_squeeze %dma_start3A_144 : memref<1x100xi32, #tpu.memory_space<vmem>> -> memref<100xi32, #tpu.memory_space<vmem>>
    %dma_start3A_146 = arith.constant 0 : i32
    %dma_start3A_147 = arith.constant 0 : i32
    %dma_start3A_148 = tpu.memref_slice %arg2[%dma_start3A_146, %dma_start3A_147] : memref<10000x128xf32, #tpu.memory_space<hbm>> -> memref<10000x128xf32, #tpu.memory_space<hbm>>
    tpu.enqueue_indirect_dma source(%dma_start3A_148 : memref<10000x128xf32, #tpu.memory_space<hbm>>) target(%dma_start3A_142 : memref<100x128xf32, #tpu.memory_space<vmem>>) offsets(%dma_start3A_145 : memref<100xi32, #tpu.memory_space<vmem>>) semaphore(%arg12 : memref<!tpu.dma_semaphore, #tpu.memory_space<semaphore_mem>>)
    %run_scoped3A_149 = arith.constant 1 : i32
    %run_scoped3A_150 = arith.constant 24 : i32
    "tpu.region"() ({
      %run_scoped3A_242 = tpu.sem_alloc : memref<!tpu.dma_semaphore, #tpu.memory_space<semaphore_mem>>
      %dma_start3A_243 = arith.constant 0 : i32
      %dma_start3A_244 = arith.constant 0 : i32
      %dma_start3A_245 = tpu.memref_slice %arg11[%run_scoped3A_149, %dma_start3A_243, %dma_start3A_244] : memref<2x100x128xf32, #tpu.memory_space<vmem>> -> memref<1x100x128xf32, #tpu.memory_space<vmem>>
      %dma_start3A_246 = tpu.memref_squeeze %dma_start3A_245 : memref<1x100x128xf32, #tpu.memory_space<vmem>> -> memref<100x128xf32, #tpu.memory_space<vmem>>
      %dma_start3A_247 = arith.constant 0 : i32
      %dma_start3A_248 = tpu.memref_slice %arg10[%run_scoped3A_150, %dma_start3A_247] : memref<25x100xi32, #tpu.memory_space<vmem>> -> memref<1x100xi32, #tpu.memory_space<vmem>>
      %dma_start3A_249 = tpu.memref_squeeze %dma_start3A_248 : memref<1x100xi32, #tpu.memory_space<vmem>> -> memref<100xi32, #tpu.memory_space<vmem>>
      %dma_start3A_250 = arith.constant 0 : i32
      %dma_start3A_251 = arith.constant 0 : i32
      %dma_start3A_252 = tpu.memref_slice %arg15[%dma_start3A_250, %dma_start3A_251] : memref<10240x128xf32, #tpu.memory_space<vmem_shared>> -> memref<10240x128xf32, #tpu.memory_space<vmem_shared>>
      tpu.enqueue_indirect_dma source(%dma_start3A_246 : memref<100x128xf32, #tpu.memory_space<vmem>>) target(%dma_start3A_252 : memref<10240x128xf32, #tpu.memory_space<vmem_shared>>) offsets(%dma_start3A_249 : memref<100xi32, #tpu.memory_space<vmem>>) semaphore(%run_scoped3A_242 : memref<!tpu.dma_semaphore, #tpu.memory_space<semaphore_mem>>) {add = true}
      %dma_wait3A_253 = arith.constant 0 : i32
      %dma_wait3A_254 = arith.constant 0 : i32
      %dma_wait3A_255 = tpu.memref_slice %arg11[%run_scoped3A_149, %dma_wait3A_253, %dma_wait3A_254] : memref<2x100x128xf32, #tpu.memory_space<vmem>> -> memref<1x100x128xf32, #tpu.memory_space<vmem>>
      %dma_wait3A_256 = tpu.memref_squeeze %dma_wait3A_255 : memref<1x100x128xf32, #tpu.memory_space<vmem>> -> memref<100x128xf32, #tpu.memory_space<vmem>>
      %dma_wait3A_257 = arith.constant 0 : i32
      %dma_wait3A_258 = tpu.memref_slice %arg10[%run_scoped3A_150, %dma_wait3A_257] : memref<25x100xi32, #tpu.memory_space<vmem>> -> memref<1x100xi32, #tpu.memory_space<vmem>>
      %dma_wait3A_259 = tpu.memref_squeeze %dma_wait3A_258 : memref<1x100xi32, #tpu.memory_space<vmem>> -> memref<100xi32, #tpu.memory_space<vmem>>
      %dma_wait3A_260 = arith.constant 0 : i32
      %dma_wait3A_261 = arith.constant 0 : i32
      %dma_wait3A_262 = tpu.memref_slice %arg15[%dma_wait3A_260, %dma_wait3A_261] : memref<10240x128xf32, #tpu.memory_space<vmem_shared>> -> memref<10240x128xf32, #tpu.memory_space<vmem_shared>>
      tpu.wait_indirect_dma semaphore(%run_scoped3A_242 : memref<!tpu.dma_semaphore, #tpu.memory_space<semaphore_mem>>) src(%dma_wait3A_256 : memref<100x128xf32, #tpu.memory_space<vmem>>) dst(%dma_wait3A_262 : memref<10240x128xf32, #tpu.memory_space<vmem_shared>>)
      tpu.yield
    }) : () -> ()
    %dma_start3A_151 = arith.constant 3 : i32
    %dma_start3A_152 = arith.constant 0 : i32
    %dma_start3A_153 = arith.constant 0 : i32
    %dma_start3A_154 = tpu.memref_slice %arg3[%add3A, %dma_start3A_151, %dma_start3A_152, %dma_start3A_153] : memref<32x4x25x100xi32, #tpu.memory_space<hbm>> -> memref<1x1x25x100xi32, #tpu.memory_space<hbm>>
    %dma_start3A_155 = tpu.memref_squeeze %dma_start3A_154 : memref<1x1x25x100xi32, #tpu.memory_space<hbm>> -> memref<25x100xi32, #tpu.memory_space<hbm>>
    %dma_start3A_156 = arith.constant 0 : i32
    %dma_start3A_157 = arith.constant 0 : i32
    %dma_start3A_158 = tpu.memref_slice %arg3[%add3A, %dma_start3A_151, %dma_start3A_156, %dma_start3A_157] : memref<32x4x25x100xi32, #tpu.memory_space<hbm>> -> memref<1x1x25x100xi32, #tpu.memory_space<hbm>>
    %dma_start3A_159 = tpu.memref_squeeze %dma_start3A_158 : memref<1x1x25x100xi32, #tpu.memory_space<hbm>> -> memref<25x100xi32, #tpu.memory_space<hbm>>
    tpu.enqueue_dma source(%dma_start3A_159 : memref<25x100xi32, #tpu.memory_space<hbm>>) target(%arg9 : memref<25x100xi32, #tpu.memory_space<vmem>>) target_semaphore(%arg14 : memref<!tpu.dma_semaphore, #tpu.memory_space<semaphore_mem>>)
    %dma_start3A_160 = arith.constant 3 : i32
    %dma_start3A_161 = arith.constant 0 : i32
    %dma_start3A_162 = arith.constant 0 : i32
    %dma_start3A_163 = tpu.memref_slice %arg4[%add3A, %dma_start3A_160, %dma_start3A_161, %dma_start3A_162] : memref<32x4x25x100xi32, #tpu.memory_space<hbm>> -> memref<1x1x25x100xi32, #tpu.memory_space<hbm>>
    %dma_start3A_164 = tpu.memref_squeeze %dma_start3A_163 : memref<1x1x25x100xi32, #tpu.memory_space<hbm>> -> memref<25x100xi32, #tpu.memory_space<hbm>>
    %dma_start3A_165 = arith.constant 0 : i32
    %dma_start3A_166 = arith.constant 0 : i32
    %dma_start3A_167 = tpu.memref_slice %arg4[%add3A, %dma_start3A_160, %dma_start3A_165, %dma_start3A_166] : memref<32x4x25x100xi32, #tpu.memory_space<hbm>> -> memref<1x1x25x100xi32, #tpu.memory_space<hbm>>
    %dma_start3A_168 = tpu.memref_squeeze %dma_start3A_167 : memref<1x1x25x100xi32, #tpu.memory_space<hbm>> -> memref<25x100xi32, #tpu.memory_space<hbm>>
    tpu.enqueue_dma source(%dma_start3A_168 : memref<25x100xi32, #tpu.memory_space<hbm>>) target(%arg10 : memref<25x100xi32, #tpu.memory_space<vmem>>) target_semaphore(%arg14 : memref<!tpu.dma_semaphore, #tpu.memory_space<semaphore_mem>>)
    %scan3A_169 = arith.constant 0 : i32
    %scan3A_170 = arith.constant 1 : i32
    %scan3A_171 = arith.constant 0 : i32
    %scan3A_172 = arith.constant 12 : i32
    %scan3A_173 = arith.addi %scan3A_171, %scan3A_172 : i32
    %scan3A_174 = arith.constant 1 : i32
    scf.for %scan3A_242 = %scan3A_171 to %scan3A_173 step %scan3A_174  : i32 {
      %mul3A_243 = arith.constant 2 : i32
      %mul3A_244 = arith.muli %scan3A_242, %mul3A_243 : i32
      %add3A_245 = arith.constant 0 : i32
      %add3A_246 = arith.addi %add3A_245, %mul3A_244 : i32
      %dma_wait3A_247 = arith.constant 0 : i32
      %dma_wait3A_248 = arith.constant 0 : i32
      %dma_wait3A_249 = tpu.memref_slice %arg11[%scan3A_169, %dma_wait3A_247, %dma_wait3A_248] : memref<2x100x128xf32, #tpu.memory_space<vmem>> -> memref<1x100x128xf32, #tpu.memory_space<vmem>>
      %dma_wait3A_250 = tpu.memref_squeeze %dma_wait3A_249 : memref<1x100x128xf32, #tpu.memory_space<vmem>> -> memref<100x128xf32, #tpu.memory_space<vmem>>
      %dma_wait3A_251 = arith.constant 0 : i32
      %dma_wait3A_252 = tpu.memref_slice %arg7[%add3A_246, %dma_wait3A_251] : memref<25x100xi32, #tpu.memory_space<vmem>> -> memref<1x100xi32, #tpu.memory_space<vmem>>
      %dma_wait3A_253 = tpu.memref_squeeze %dma_wait3A_252 : memref<1x100xi32, #tpu.memory_space<vmem>> -> memref<100xi32, #tpu.memory_space<vmem>>
      %dma_wait3A_254 = arith.constant 0 : i32
      %dma_wait3A_255 = arith.constant 0 : i32
      %dma_wait3A_256 = tpu.memref_slice %arg2[%dma_wait3A_254, %dma_wait3A_255] : memref<10000x128xf32, #tpu.memory_space<hbm>> -> memref<10000x128xf32, #tpu.memory_space<hbm>>
      tpu.wait_indirect_dma semaphore(%arg12 : memref<!tpu.dma_semaphore, #tpu.memory_space<semaphore_mem>>) src(%dma_wait3A_256 : memref<10000x128xf32, #tpu.memory_space<hbm>>) dst(%dma_wait3A_250 : memref<100x128xf32, #tpu.memory_space<vmem>>)
      %add3A_257 = arith.constant 1 : i32
      %add3A_258 = arith.addi %add3A_246, %add3A_257 : i32
      %dma_start3A_259 = arith.constant 0 : i32
      %dma_start3A_260 = arith.constant 0 : i32
      %dma_start3A_261 = tpu.memref_slice %arg11[%scan3A_170, %dma_start3A_259, %dma_start3A_260] : memref<2x100x128xf32, #tpu.memory_space<vmem>> -> memref<1x100x128xf32, #tpu.memory_space<vmem>>
      %dma_start3A_262 = tpu.memref_squeeze %dma_start3A_261 : memref<1x100x128xf32, #tpu.memory_space<vmem>> -> memref<100x128xf32, #tpu.memory_space<vmem>>
      %dma_start3A_263 = arith.constant 0 : i32
      %dma_start3A_264 = tpu.memref_slice %arg7[%add3A_258, %dma_start3A_263] : memref<25x100xi32, #tpu.memory_space<vmem>> -> memref<1x100xi32, #tpu.memory_space<vmem>>
      %dma_start3A_265 = tpu.memref_squeeze %dma_start3A_264 : memref<1x100xi32, #tpu.memory_space<vmem>> -> memref<100xi32, #tpu.memory_space<vmem>>
      %dma_start3A_266 = arith.constant 0 : i32
      %dma_start3A_267 = arith.constant 0 : i32
      %dma_start3A_268 = tpu.memref_slice %arg2[%dma_start3A_266, %dma_start3A_267] : memref<10000x128xf32, #tpu.memory_space<hbm>> -> memref<10000x128xf32, #tpu.memory_space<hbm>>
      tpu.enqueue_indirect_dma source(%dma_start3A_268 : memref<10000x128xf32, #tpu.memory_space<hbm>>) target(%dma_start3A_262 : memref<100x128xf32, #tpu.memory_space<vmem>>) offsets(%dma_start3A_265 : memref<100xi32, #tpu.memory_space<vmem>>) semaphore(%arg13 : memref<!tpu.dma_semaphore, #tpu.memory_space<semaphore_mem>>)
      "tpu.region"() ({
        %run_scoped3A_295 = tpu.sem_alloc : memref<!tpu.dma_semaphore, #tpu.memory_space<semaphore_mem>>
        %dma_start3A_296 = arith.constant 0 : i32
        %dma_start3A_297 = arith.constant 0 : i32
        %dma_start3A_298 = tpu.memref_slice %arg11[%scan3A_169, %dma_start3A_296, %dma_start3A_297] : memref<2x100x128xf32, #tpu.memory_space<vmem>> -> memref<1x100x128xf32, #tpu.memory_space<vmem>>
        %dma_start3A_299 = tpu.memref_squeeze %dma_start3A_298 : memref<1x100x128xf32, #tpu.memory_space<vmem>> -> memref<100x128xf32, #tpu.memory_space<vmem>>
        %dma_start3A_300 = arith.constant 0 : i32
        %dma_start3A_301 = tpu.memref_slice %arg8[%add3A_246, %dma_start3A_300] : memref<25x100xi32, #tpu.memory_space<vmem>> -> memref<1x100xi32, #tpu.memory_space<vmem>>
        %dma_start3A_302 = tpu.memref_squeeze %dma_start3A_301 : memref<1x100xi32, #tpu.memory_space<vmem>> -> memref<100xi32, #tpu.memory_space<vmem>>
        %dma_start3A_303 = arith.constant 0 : i32
        %dma_start3A_304 = arith.constant 0 : i32
        %dma_start3A_305 = tpu.memref_slice %arg15[%dma_start3A_303, %dma_start3A_304] : memref<10240x128xf32, #tpu.memory_space<vmem_shared>> -> memref<10240x128xf32, #tpu.memory_space<vmem_shared>>
        tpu.enqueue_indirect_dma source(%dma_start3A_299 : memref<100x128xf32, #tpu.memory_space<vmem>>) target(%dma_start3A_305 : memref<10240x128xf32, #tpu.memory_space<vmem_shared>>) offsets(%dma_start3A_302 : memref<100xi32, #tpu.memory_space<vmem>>) semaphore(%run_scoped3A_295 : memref<!tpu.dma_semaphore, #tpu.memory_space<semaphore_mem>>) {add = true}
        %dma_wait3A_306 = arith.constant 0 : i32
        %dma_wait3A_307 = arith.constant 0 : i32
        %dma_wait3A_308 = tpu.memref_slice %arg11[%scan3A_169, %dma_wait3A_306, %dma_wait3A_307] : memref<2x100x128xf32, #tpu.memory_space<vmem>> -> memref<1x100x128xf32, #tpu.memory_space<vmem>>
        %dma_wait3A_309 = tpu.memref_squeeze %dma_wait3A_308 : memref<1x100x128xf32, #tpu.memory_space<vmem>> -> memref<100x128xf32, #tpu.memory_space<vmem>>
        %dma_wait3A_310 = arith.constant 0 : i32
        %dma_wait3A_311 = tpu.memref_slice %arg8[%add3A_246, %dma_wait3A_310] : memref<25x100xi32, #tpu.memory_space<vmem>> -> memref<1x100xi32, #tpu.memory_space<vmem>>
        %dma_wait3A_312 = tpu.memref_squeeze %dma_wait3A_311 : memref<1x100xi32, #tpu.memory_space<vmem>> -> memref<100xi32, #tpu.memory_space<vmem>>
        %dma_wait3A_313 = arith.constant 0 : i32
        %dma_wait3A_314 = arith.constant 0 : i32
        %dma_wait3A_315 = tpu.memref_slice %arg15[%dma_wait3A_313, %dma_wait3A_314] : memref<10240x128xf32, #tpu.memory_space<vmem_shared>> -> memref<10240x128xf32, #tpu.memory_space<vmem_shared>>
        tpu.wait_indirect_dma semaphore(%run_scoped3A_295 : memref<!tpu.dma_semaphore, #tpu.memory_space<semaphore_mem>>) src(%dma_wait3A_309 : memref<100x128xf32, #tpu.memory_space<vmem>>) dst(%dma_wait3A_315 : memref<10240x128xf32, #tpu.memory_space<vmem_shared>>)
        tpu.yield
      }) : () -> ()
      %add3A_269 = arith.constant 1 : i32
      %add3A_270 = arith.addi %add3A_246, %add3A_269 : i32
      %dma_wait3A_271 = arith.constant 0 : i32
      %dma_wait3A_272 = arith.constant 0 : i32
      %dma_wait3A_273 = tpu.memref_slice %arg11[%scan3A_170, %dma_wait3A_271, %dma_wait3A_272] : memref<2x100x128xf32, #tpu.memory_space<vmem>> -> memref<1x100x128xf32, #tpu.memory_space<vmem>>
      %dma_wait3A_274 = tpu.memref_squeeze %dma_wait3A_273 : memref<1x100x128xf32, #tpu.memory_space<vmem>> -> memref<100x128xf32, #tpu.memory_space<vmem>>
      %dma_wait3A_275 = arith.constant 0 : i32
      %dma_wait3A_276 = tpu.memref_slice %arg7[%add3A_270, %dma_wait3A_275] : memref<25x100xi32, #tpu.memory_space<vmem>> -> memref<1x100xi32, #tpu.memory_space<vmem>>
      %dma_wait3A_277 = tpu.memref_squeeze %dma_wait3A_276 : memref<1x100xi32, #tpu.memory_space<vmem>> -> memref<100xi32, #tpu.memory_space<vmem>>
      %dma_wait3A_278 = arith.constant 0 : i32
      %dma_wait3A_279 = arith.constant 0 : i32
      %dma_wait3A_280 = tpu.memref_slice %arg2[%dma_wait3A_278, %dma_wait3A_279] : memref<10000x128xf32, #tpu.memory_space<hbm>> -> memref<10000x128xf32, #tpu.memory_space<hbm>>
      tpu.wait_indirect_dma semaphore(%arg13 : memref<!tpu.dma_semaphore, #tpu.memory_space<semaphore_mem>>) src(%dma_wait3A_280 : memref<10000x128xf32, #tpu.memory_space<hbm>>) dst(%dma_wait3A_274 : memref<100x128xf32, #tpu.memory_space<vmem>>)
      %add3A_281 = arith.constant 2 : i32
      %add3A_282 = arith.addi %add3A_246, %add3A_281 : i32
      %dma_start3A_283 = arith.constant 0 : i32
      %dma_start3A_284 = arith.constant 0 : i32
      %dma_start3A_285 = tpu.memref_slice %arg11[%scan3A_169, %dma_start3A_283, %dma_start3A_284] : memref<2x100x128xf32, #tpu.memory_space<vmem>> -> memref<1x100x128xf32, #tpu.memory_space<vmem>>
      %dma_start3A_286 = tpu.memref_squeeze %dma_start3A_285 : memref<1x100x128xf32, #tpu.memory_space<vmem>> -> memref<100x128xf32, #tpu.memory_space<vmem>>
      %dma_start3A_287 = arith.constant 0 : i32
      %dma_start3A_288 = tpu.memref_slice %arg7[%add3A_282, %dma_start3A_287] : memref<25x100xi32, #tpu.memory_space<vmem>> -> memref<1x100xi32, #tpu.memory_space<vmem>>
      %dma_start3A_289 = tpu.memref_squeeze %dma_start3A_288 : memref<1x100xi32, #tpu.memory_space<vmem>> -> memref<100xi32, #tpu.memory_space<vmem>>
      %dma_start3A_290 = arith.constant 0 : i32
      %dma_start3A_291 = arith.constant 0 : i32
      %dma_start3A_292 = tpu.memref_slice %arg2[%dma_start3A_290, %dma_start3A_291] : memref<10000x128xf32, #tpu.memory_space<hbm>> -> memref<10000x128xf32, #tpu.memory_space<hbm>>
      tpu.enqueue_indirect_dma source(%dma_start3A_292 : memref<10000x128xf32, #tpu.memory_space<hbm>>) target(%dma_start3A_286 : memref<100x128xf32, #tpu.memory_space<vmem>>) offsets(%dma_start3A_289 : memref<100xi32, #tpu.memory_space<vmem>>) semaphore(%arg12 : memref<!tpu.dma_semaphore, #tpu.memory_space<semaphore_mem>>)
      %add3A_293 = arith.constant 1 : i32
      %add3A_294 = arith.addi %add3A_246, %add3A_293 : i32
      "tpu.region"() ({
        %run_scoped3A_295 = tpu.sem_alloc : memref<!tpu.dma_semaphore, #tpu.memory_space<semaphore_mem>>
        %dma_start3A_296 = arith.constant 0 : i32
        %dma_start3A_297 = arith.constant 0 : i32
        %dma_start3A_298 = tpu.memref_slice %arg11[%scan3A_170, %dma_start3A_296, %dma_start3A_297] : memref<2x100x128xf32, #tpu.memory_space<vmem>> -> memref<1x100x128xf32, #tpu.memory_space<vmem>>
        %dma_start3A_299 = tpu.memref_squeeze %dma_start3A_298 : memref<1x100x128xf32, #tpu.memory_space<vmem>> -> memref<100x128xf32, #tpu.memory_space<vmem>>
        %dma_start3A_300 = arith.constant 0 : i32
        %dma_start3A_301 = tpu.memref_slice %arg8[%add3A_294, %dma_start3A_300] : memref<25x100xi32, #tpu.memory_space<vmem>> -> memref<1x100xi32, #tpu.memory_space<vmem>>
        %dma_start3A_302 = tpu.memref_squeeze %dma_start3A_301 : memref<1x100xi32, #tpu.memory_space<vmem>> -> memref<100xi32, #tpu.memory_space<vmem>>
        %dma_start3A_303 = arith.constant 0 : i32
        %dma_start3A_304 = arith.constant 0 : i32
        %dma_start3A_305 = tpu.memref_slice %arg15[%dma_start3A_303, %dma_start3A_304] : memref<10240x128xf32, #tpu.memory_space<vmem_shared>> -> memref<10240x128xf32, #tpu.memory_space<vmem_shared>>
        tpu.enqueue_indirect_dma source(%dma_start3A_299 : memref<100x128xf32, #tpu.memory_space<vmem>>) target(%dma_start3A_305 : memref<10240x128xf32, #tpu.memory_space<vmem_shared>>) offsets(%dma_start3A_302 : memref<100xi32, #tpu.memory_space<vmem>>) semaphore(%run_scoped3A_295 : memref<!tpu.dma_semaphore, #tpu.memory_space<semaphore_mem>>) {add = true}
        %dma_wait3A_306 = arith.constant 0 : i32
        %dma_wait3A_307 = arith.constant 0 : i32
        %dma_wait3A_308 = tpu.memref_slice %arg11[%scan3A_170, %dma_wait3A_306, %dma_wait3A_307] : memref<2x100x128xf32, #tpu.memory_space<vmem>> -> memref<1x100x128xf32, #tpu.memory_space<vmem>>
        %dma_wait3A_309 = tpu.memref_squeeze %dma_wait3A_308 : memref<1x100x128xf32, #tpu.memory_space<vmem>> -> memref<100x128xf32, #tpu.memory_space<vmem>>
        %dma_wait3A_310 = arith.constant 0 : i32
        %dma_wait3A_311 = tpu.memref_slice %arg8[%add3A_294, %dma_wait3A_310] : memref<25x100xi32, #tpu.memory_space<vmem>> -> memref<1x100xi32, #tpu.memory_space<vmem>>
        %dma_wait3A_312 = tpu.memref_squeeze %dma_wait3A_311 : memref<1x100xi32, #tpu.memory_space<vmem>> -> memref<100xi32, #tpu.memory_space<vmem>>
        %dma_wait3A_313 = arith.constant 0 : i32
        %dma_wait3A_314 = arith.constant 0 : i32
        %dma_wait3A_315 = tpu.memref_slice %arg15[%dma_wait3A_313, %dma_wait3A_314] : memref<10240x128xf32, #tpu.memory_space<vmem_shared>> -> memref<10240x128xf32, #tpu.memory_space<vmem_shared>>
        tpu.wait_indirect_dma semaphore(%run_scoped3A_295 : memref<!tpu.dma_semaphore, #tpu.memory_space<semaphore_mem>>) src(%dma_wait3A_309 : memref<100x128xf32, #tpu.memory_space<vmem>>) dst(%dma_wait3A_315 : memref<10240x128xf32, #tpu.memory_space<vmem_shared>>)
        tpu.yield
      }) : () -> ()
    }
    %scan3A_175 = arith.constant 12 : i32
    %dma_wait3A_176 = arith.constant 24 : i32
    %dma_wait3A_177 = arith.constant 0 : i32
    %dma_wait3A_178 = arith.constant 0 : i32
    %dma_wait3A_179 = arith.constant 0 : i32
    %dma_wait3A_180 = tpu.memref_slice %arg11[%dma_wait3A_177, %dma_wait3A_178, %dma_wait3A_179] : memref<2x100x128xf32, #tpu.memory_space<vmem>> -> memref<1x100x128xf32, #tpu.memory_space<vmem>>
    %dma_wait3A_181 = tpu.memref_squeeze %dma_wait3A_180 : memref<1x100x128xf32, #tpu.memory_space<vmem>> -> memref<100x128xf32, #tpu.memory_space<vmem>>
    %dma_wait3A_182 = arith.constant 0 : i32
    %dma_wait3A_183 = tpu.memref_slice %arg7[%dma_wait3A_176, %dma_wait3A_182] : memref<25x100xi32, #tpu.memory_space<vmem>> -> memref<1x100xi32, #tpu.memory_space<vmem>>
    %dma_wait3A_184 = tpu.memref_squeeze %dma_wait3A_183 : memref<1x100xi32, #tpu.memory_space<vmem>> -> memref<100xi32, #tpu.memory_space<vmem>>
    %dma_wait3A_185 = arith.constant 0 : i32
    %dma_wait3A_186 = arith.constant 0 : i32
    %dma_wait3A_187 = tpu.memref_slice %arg2[%dma_wait3A_185, %dma_wait3A_186] : memref<10000x128xf32, #tpu.memory_space<hbm>> -> memref<10000x128xf32, #tpu.memory_space<hbm>>
    tpu.wait_indirect_dma semaphore(%arg12 : memref<!tpu.dma_semaphore, #tpu.memory_space<semaphore_mem>>) src(%dma_wait3A_187 : memref<10000x128xf32, #tpu.memory_space<hbm>>) dst(%dma_wait3A_181 : memref<100x128xf32, #tpu.memory_space<vmem>>)
    %dma_wait3A_188 = arith.constant 3 : i32
    %dma_wait3A_189 = arith.constant 0 : i32
    %dma_wait3A_190 = arith.constant 0 : i32
    %dma_wait3A_191 = tpu.memref_slice %arg3[%add3A, %dma_wait3A_188, %dma_wait3A_189, %dma_wait3A_190] : memref<32x4x25x100xi32, #tpu.memory_space<hbm>> -> memref<1x1x25x100xi32, #tpu.memory_space<hbm>>
    %dma_wait3A_192 = tpu.memref_squeeze %dma_wait3A_191 : memref<1x1x25x100xi32, #tpu.memory_space<hbm>> -> memref<25x100xi32, #tpu.memory_space<hbm>>
    %dma_wait3A_193 = arith.constant 0 : i32
    %dma_wait3A_194 = arith.constant 0 : i32
    %dma_wait3A_195 = tpu.memref_slice %arg3[%add3A, %dma_wait3A_188, %dma_wait3A_193, %dma_wait3A_194] : memref<32x4x25x100xi32, #tpu.memory_space<hbm>> -> memref<1x1x25x100xi32, #tpu.memory_space<hbm>>
    %dma_wait3A_196 = tpu.memref_squeeze %dma_wait3A_195 : memref<1x1x25x100xi32, #tpu.memory_space<hbm>> -> memref<25x100xi32, #tpu.memory_space<hbm>>
    tpu.wait_dma2 semaphore(%arg14 : memref<!tpu.dma_semaphore, #tpu.memory_space<semaphore_mem>>) src(%dma_wait3A_196 : memref<25x100xi32, #tpu.memory_space<hbm>>) dst(%arg9 : memref<25x100xi32, #tpu.memory_space<vmem>>)
    %dma_wait3A_197 = arith.constant 3 : i32
    %dma_wait3A_198 = arith.constant 0 : i32
    %dma_wait3A_199 = arith.constant 0 : i32
    %dma_wait3A_200 = tpu.memref_slice %arg4[%add3A, %dma_wait3A_197, %dma_wait3A_198, %dma_wait3A_199] : memref<32x4x25x100xi32, #tpu.memory_space<hbm>> -> memref<1x1x25x100xi32, #tpu.memory_space<hbm>>
    %dma_wait3A_201 = tpu.memref_squeeze %dma_wait3A_200 : memref<1x1x25x100xi32, #tpu.memory_space<hbm>> -> memref<25x100xi32, #tpu.memory_space<hbm>>
    %dma_wait3A_202 = arith.constant 0 : i32
    %dma_wait3A_203 = arith.constant 0 : i32
    %dma_wait3A_204 = tpu.memref_slice %arg4[%add3A, %dma_wait3A_197, %dma_wait3A_202, %dma_wait3A_203] : memref<32x4x25x100xi32, #tpu.memory_space<hbm>> -> memref<1x1x25x100xi32, #tpu.memory_space<hbm>>
    %dma_wait3A_205 = tpu.memref_squeeze %dma_wait3A_204 : memref<1x1x25x100xi32, #tpu.memory_space<hbm>> -> memref<25x100xi32, #tpu.memory_space<hbm>>
    tpu.wait_dma2 semaphore(%arg14 : memref<!tpu.dma_semaphore, #tpu.memory_space<semaphore_mem>>) src(%dma_wait3A_205 : memref<25x100xi32, #tpu.memory_space<hbm>>) dst(%arg10 : memref<25x100xi32, #tpu.memory_space<vmem>>)
    %dma_start3A_206 = arith.constant 0 : i32
    %dma_start3A_207 = arith.constant 1 : i32
    %dma_start3A_208 = arith.constant 0 : i32
    %dma_start3A_209 = arith.constant 0 : i32
    %dma_start3A_210 = tpu.memref_slice %arg11[%dma_start3A_207, %dma_start3A_208, %dma_start3A_209] : memref<2x100x128xf32, #tpu.memory_space<vmem>> -> memref<1x100x128xf32, #tpu.memory_space<vmem>>
    %dma_start3A_211 = tpu.memref_squeeze %dma_start3A_210 : memref<1x100x128xf32, #tpu.memory_space<vmem>> -> memref<100x128xf32, #tpu.memory_space<vmem>>
    %dma_start3A_212 = arith.constant 0 : i32
    %dma_start3A_213 = tpu.memref_slice %arg9[%dma_start3A_206, %dma_start3A_212] : memref<25x100xi32, #tpu.memory_space<vmem>> -> memref<1x100xi32, #tpu.memory_space<vmem>>
    %dma_start3A_214 = tpu.memref_squeeze %dma_start3A_213 : memref<1x100xi32, #tpu.memory_space<vmem>> -> memref<100xi32, #tpu.memory_space<vmem>>
    %dma_start3A_215 = arith.constant 0 : i32
    %dma_start3A_216 = arith.constant 0 : i32
    %dma_start3A_217 = tpu.memref_slice %arg2[%dma_start3A_215, %dma_start3A_216] : memref<10000x128xf32, #tpu.memory_space<hbm>> -> memref<10000x128xf32, #tpu.memory_space<hbm>>
    tpu.enqueue_indirect_dma source(%dma_start3A_217 : memref<10000x128xf32, #tpu.memory_space<hbm>>) target(%dma_start3A_211 : memref<100x128xf32, #tpu.memory_space<vmem>>) offsets(%dma_start3A_214 : memref<100xi32, #tpu.memory_space<vmem>>) semaphore(%arg13 : memref<!tpu.dma_semaphore, #tpu.memory_space<semaphore_mem>>)
    %run_scoped3A_218 = arith.constant 0 : i32
    %run_scoped3A_219 = arith.constant 24 : i32
    "tpu.region"() ({
      %run_scoped3A_242 = tpu.sem_alloc : memref<!tpu.dma_semaphore, #tpu.memory_space<semaphore_mem>>
      %dma_start3A_243 = arith.constant 0 : i32
      %dma_start3A_244 = arith.constant 0 : i32
      %dma_start3A_245 = tpu.memref_slice %arg11[%run_scoped3A_218, %dma_start3A_243, %dma_start3A_244] : memref<2x100x128xf32, #tpu.memory_space<vmem>> -> memref<1x100x128xf32, #tpu.memory_space<vmem>>
      %dma_start3A_246 = tpu.memref_squeeze %dma_start3A_245 : memref<1x100x128xf32, #tpu.memory_space<vmem>> -> memref<100x128xf32, #tpu.memory_space<vmem>>
      %dma_start3A_247 = arith.constant 0 : i32
      %dma_start3A_248 = tpu.memref_slice %arg8[%run_scoped3A_219, %dma_start3A_247] : memref<25x100xi32, #tpu.memory_space<vmem>> -> memref<1x100xi32, #tpu.memory_space<vmem>>
      %dma_start3A_249 = tpu.memref_squeeze %dma_start3A_248 : memref<1x100xi32, #tpu.memory_space<vmem>> -> memref<100xi32, #tpu.memory_space<vmem>>
      %dma_start3A_250 = arith.constant 0 : i32
      %dma_start3A_251 = arith.constant 0 : i32
      %dma_start3A_252 = tpu.memref_slice %arg15[%dma_start3A_250, %dma_start3A_251] : memref<10240x128xf32, #tpu.memory_space<vmem_shared>> -> memref<10240x128xf32, #tpu.memory_space<vmem_shared>>
      tpu.enqueue_indirect_dma source(%dma_start3A_246 : memref<100x128xf32, #tpu.memory_space<vmem>>) target(%dma_start3A_252 : memref<10240x128xf32, #tpu.memory_space<vmem_shared>>) offsets(%dma_start3A_249 : memref<100xi32, #tpu.memory_space<vmem>>) semaphore(%run_scoped3A_242 : memref<!tpu.dma_semaphore, #tpu.memory_space<semaphore_mem>>) {add = true}
      %dma_wait3A_253 = arith.constant 0 : i32
      %dma_wait3A_254 = arith.constant 0 : i32
      %dma_wait3A_255 = tpu.memref_slice %arg11[%run_scoped3A_218, %dma_wait3A_253, %dma_wait3A_254] : memref<2x100x128xf32, #tpu.memory_space<vmem>> -> memref<1x100x128xf32, #tpu.memory_space<vmem>>
      %dma_wait3A_256 = tpu.memref_squeeze %dma_wait3A_255 : memref<1x100x128xf32, #tpu.memory_space<vmem>> -> memref<100x128xf32, #tpu.memory_space<vmem>>
      %dma_wait3A_257 = arith.constant 0 : i32
      %dma_wait3A_258 = tpu.memref_slice %arg8[%run_scoped3A_219, %dma_wait3A_257] : memref<25x100xi32, #tpu.memory_space<vmem>> -> memref<1x100xi32, #tpu.memory_space<vmem>>
      %dma_wait3A_259 = tpu.memref_squeeze %dma_wait3A_258 : memref<1x100xi32, #tpu.memory_space<vmem>> -> memref<100xi32, #tpu.memory_space<vmem>>
      %dma_wait3A_260 = arith.constant 0 : i32
      %dma_wait3A_261 = arith.constant 0 : i32
      %dma_wait3A_262 = tpu.memref_slice %arg15[%dma_wait3A_260, %dma_wait3A_261] : memref<10240x128xf32, #tpu.memory_space<vmem_shared>> -> memref<10240x128xf32, #tpu.memory_space<vmem_shared>>
      tpu.wait_indirect_dma semaphore(%run_scoped3A_242 : memref<!tpu.dma_semaphore, #tpu.memory_space<semaphore_mem>>) src(%dma_wait3A_256 : memref<100x128xf32, #tpu.memory_space<vmem>>) dst(%dma_wait3A_262 : memref<10240x128xf32, #tpu.memory_space<vmem_shared>>)
      tpu.yield
    }) : () -> ()
    %scan3A_220 = arith.constant 1 : i32
    %scan3A_221 = arith.constant 0 : i32
    %scan3A_222 = arith.constant 0 : i32
    %scan3A_223 = arith.constant 12 : i32
    %scan3A_224 = arith.addi %scan3A_222, %scan3A_223 : i32
    %scan3A_225 = arith.constant 1 : i32
    scf.for %scan3A_242 = %scan3A_222 to %scan3A_224 step %scan3A_225  : i32 {
      %mul3A_243 = arith.constant 2 : i32
      %mul3A_244 = arith.muli %scan3A_242, %mul3A_243 : i32
      %add3A_245 = arith.constant 0 : i32
      %add3A_246 = arith.addi %add3A_245, %mul3A_244 : i32
      %dma_wait3A_247 = arith.constant 0 : i32
      %dma_wait3A_248 = arith.constant 0 : i32
      %dma_wait3A_249 = tpu.memref_slice %arg11[%scan3A_220, %dma_wait3A_247, %dma_wait3A_248] : memref<2x100x128xf32, #tpu.memory_space<vmem>> -> memref<1x100x128xf32, #tpu.memory_space<vmem>>
      %dma_wait3A_250 = tpu.memref_squeeze %dma_wait3A_249 : memref<1x100x128xf32, #tpu.memory_space<vmem>> -> memref<100x128xf32, #tpu.memory_space<vmem>>
      %dma_wait3A_251 = arith.constant 0 : i32
      %dma_wait3A_252 = tpu.memref_slice %arg9[%add3A_246, %dma_wait3A_251] : memref<25x100xi32, #tpu.memory_space<vmem>> -> memref<1x100xi32, #tpu.memory_space<vmem>>
      %dma_wait3A_253 = tpu.memref_squeeze %dma_wait3A_252 : memref<1x100xi32, #tpu.memory_space<vmem>> -> memref<100xi32, #tpu.memory_space<vmem>>
      %dma_wait3A_254 = arith.constant 0 : i32
      %dma_wait3A_255 = arith.constant 0 : i32
      %dma_wait3A_256 = tpu.memref_slice %arg2[%dma_wait3A_254, %dma_wait3A_255] : memref<10000x128xf32, #tpu.memory_space<hbm>> -> memref<10000x128xf32, #tpu.memory_space<hbm>>
      tpu.wait_indirect_dma semaphore(%arg13 : memref<!tpu.dma_semaphore, #tpu.memory_space<semaphore_mem>>) src(%dma_wait3A_256 : memref<10000x128xf32, #tpu.memory_space<hbm>>) dst(%dma_wait3A_250 : memref<100x128xf32, #tpu.memory_space<vmem>>)
      %add3A_257 = arith.constant 1 : i32
      %add3A_258 = arith.addi %add3A_246, %add3A_257 : i32
      %dma_start3A_259 = arith.constant 0 : i32
      %dma_start3A_260 = arith.constant 0 : i32
      %dma_start3A_261 = tpu.memref_slice %arg11[%scan3A_221, %dma_start3A_259, %dma_start3A_260] : memref<2x100x128xf32, #tpu.memory_space<vmem>> -> memref<1x100x128xf32, #tpu.memory_space<vmem>>
      %dma_start3A_262 = tpu.memref_squeeze %dma_start3A_261 : memref<1x100x128xf32, #tpu.memory_space<vmem>> -> memref<100x128xf32, #tpu.memory_space<vmem>>
      %dma_start3A_263 = arith.constant 0 : i32
      %dma_start3A_264 = tpu.memref_slice %arg9[%add3A_258, %dma_start3A_263] : memref<25x100xi32, #tpu.memory_space<vmem>> -> memref<1x100xi32, #tpu.memory_space<vmem>>
      %dma_start3A_265 = tpu.memref_squeeze %dma_start3A_264 : memref<1x100xi32, #tpu.memory_space<vmem>> -> memref<100xi32, #tpu.memory_space<vmem>>
      %dma_start3A_266 = arith.constant 0 : i32
      %dma_start3A_267 = arith.constant 0 : i32
      %dma_start3A_268 = tpu.memref_slice %arg2[%dma_start3A_266, %dma_start3A_267] : memref<10000x128xf32, #tpu.memory_space<hbm>> -> memref<10000x128xf32, #tpu.memory_space<hbm>>
      tpu.enqueue_indirect_dma source(%dma_start3A_268 : memref<10000x128xf32, #tpu.memory_space<hbm>>) target(%dma_start3A_262 : memref<100x128xf32, #tpu.memory_space<vmem>>) offsets(%dma_start3A_265 : memref<100xi32, #tpu.memory_space<vmem>>) semaphore(%arg12 : memref<!tpu.dma_semaphore, #tpu.memory_space<semaphore_mem>>)
      "tpu.region"() ({
        %run_scoped3A_295 = tpu.sem_alloc : memref<!tpu.dma_semaphore, #tpu.memory_space<semaphore_mem>>
        %dma_start3A_296 = arith.constant 0 : i32
        %dma_start3A_297 = arith.constant 0 : i32
        %dma_start3A_298 = tpu.memref_slice %arg11[%scan3A_220, %dma_start3A_296, %dma_start3A_297] : memref<2x100x128xf32, #tpu.memory_space<vmem>> -> memref<1x100x128xf32, #tpu.memory_space<vmem>>
        %dma_start3A_299 = tpu.memref_squeeze %dma_start3A_298 : memref<1x100x128xf32, #tpu.memory_space<vmem>> -> memref<100x128xf32, #tpu.memory_space<vmem>>
        %dma_start3A_300 = arith.constant 0 : i32
        %dma_start3A_301 = tpu.memref_slice %arg10[%add3A_246, %dma_start3A_300] : memref<25x100xi32, #tpu.memory_space<vmem>> -> memref<1x100xi32, #tpu.memory_space<vmem>>
        %dma_start3A_302 = tpu.memref_squeeze %dma_start3A_301 : memref<1x100xi32, #tpu.memory_space<vmem>> -> memref<100xi32, #tpu.memory_space<vmem>>
        %dma_start3A_303 = arith.constant 0 : i32
        %dma_start3A_304 = arith.constant 0 : i32
        %dma_start3A_305 = tpu.memref_slice %arg15[%dma_start3A_303, %dma_start3A_304] : memref<10240x128xf32, #tpu.memory_space<vmem_shared>> -> memref<10240x128xf32, #tpu.memory_space<vmem_shared>>
        tpu.enqueue_indirect_dma source(%dma_start3A_299 : memref<100x128xf32, #tpu.memory_space<vmem>>) target(%dma_start3A_305 : memref<10240x128xf32, #tpu.memory_space<vmem_shared>>) offsets(%dma_start3A_302 : memref<100xi32, #tpu.memory_space<vmem>>) semaphore(%run_scoped3A_295 : memref<!tpu.dma_semaphore, #tpu.memory_space<semaphore_mem>>) {add = true}
        %dma_wait3A_306 = arith.constant 0 : i32
        %dma_wait3A_307 = arith.constant 0 : i32
        %dma_wait3A_308 = tpu.memref_slice %arg11[%scan3A_220, %dma_wait3A_306, %dma_wait3A_307] : memref<2x100x128xf32, #tpu.memory_space<vmem>> -> memref<1x100x128xf32, #tpu.memory_space<vmem>>
        %dma_wait3A_309 = tpu.memref_squeeze %dma_wait3A_308 : memref<1x100x128xf32, #tpu.memory_space<vmem>> -> memref<100x128xf32, #tpu.memory_space<vmem>>
        %dma_wait3A_310 = arith.constant 0 : i32
        %dma_wait3A_311 = tpu.memref_slice %arg10[%add3A_246, %dma_wait3A_310] : memref<25x100xi32, #tpu.memory_space<vmem>> -> memref<1x100xi32, #tpu.memory_space<vmem>>
        %dma_wait3A_312 = tpu.memref_squeeze %dma_wait3A_311 : memref<1x100xi32, #tpu.memory_space<vmem>> -> memref<100xi32, #tpu.memory_space<vmem>>
        %dma_wait3A_313 = arith.constant 0 : i32
        %dma_wait3A_314 = arith.constant 0 : i32
        %dma_wait3A_315 = tpu.memref_slice %arg15[%dma_wait3A_313, %dma_wait3A_314] : memref<10240x128xf32, #tpu.memory_space<vmem_shared>> -> memref<10240x128xf32, #tpu.memory_space<vmem_shared>>
        tpu.wait_indirect_dma semaphore(%run_scoped3A_295 : memref<!tpu.dma_semaphore, #tpu.memory_space<semaphore_mem>>) src(%dma_wait3A_309 : memref<100x128xf32, #tpu.memory_space<vmem>>) dst(%dma_wait3A_315 : memref<10240x128xf32, #tpu.memory_space<vmem_shared>>)
        tpu.yield
      }) : () -> ()
      %add3A_269 = arith.constant 1 : i32
      %add3A_270 = arith.addi %add3A_246, %add3A_269 : i32
      %dma_wait3A_271 = arith.constant 0 : i32
      %dma_wait3A_272 = arith.constant 0 : i32
      %dma_wait3A_273 = tpu.memref_slice %arg11[%scan3A_221, %dma_wait3A_271, %dma_wait3A_272] : memref<2x100x128xf32, #tpu.memory_space<vmem>> -> memref<1x100x128xf32, #tpu.memory_space<vmem>>
      %dma_wait3A_274 = tpu.memref_squeeze %dma_wait3A_273 : memref<1x100x128xf32, #tpu.memory_space<vmem>> -> memref<100x128xf32, #tpu.memory_space<vmem>>
      %dma_wait3A_275 = arith.constant 0 : i32
      %dma_wait3A_276 = tpu.memref_slice %arg9[%add3A_270, %dma_wait3A_275] : memref<25x100xi32, #tpu.memory_space<vmem>> -> memref<1x100xi32, #tpu.memory_space<vmem>>
      %dma_wait3A_277 = tpu.memref_squeeze %dma_wait3A_276 : memref<1x100xi32, #tpu.memory_space<vmem>> -> memref<100xi32, #tpu.memory_space<vmem>>
      %dma_wait3A_278 = arith.constant 0 : i32
      %dma_wait3A_279 = arith.constant 0 : i32
      %dma_wait3A_280 = tpu.memref_slice %arg2[%dma_wait3A_278, %dma_wait3A_279] : memref<10000x128xf32, #tpu.memory_space<hbm>> -> memref<10000x128xf32, #tpu.memory_space<hbm>>
      tpu.wait_indirect_dma semaphore(%arg12 : memref<!tpu.dma_semaphore, #tpu.memory_space<semaphore_mem>>) src(%dma_wait3A_280 : memref<10000x128xf32, #tpu.memory_space<hbm>>) dst(%dma_wait3A_274 : memref<100x128xf32, #tpu.memory_space<vmem>>)
      %add3A_281 = arith.constant 2 : i32
      %add3A_282 = arith.addi %add3A_246, %add3A_281 : i32
      %dma_start3A_283 = arith.constant 0 : i32
      %dma_start3A_284 = arith.constant 0 : i32
      %dma_start3A_285 = tpu.memref_slice %arg11[%scan3A_220, %dma_start3A_283, %dma_start3A_284] : memref<2x100x128xf32, #tpu.memory_space<vmem>> -> memref<1x100x128xf32, #tpu.memory_space<vmem>>
      %dma_start3A_286 = tpu.memref_squeeze %dma_start3A_285 : memref<1x100x128xf32, #tpu.memory_space<vmem>> -> memref<100x128xf32, #tpu.memory_space<vmem>>
      %dma_start3A_287 = arith.constant 0 : i32
      %dma_start3A_288 = tpu.memref_slice %arg9[%add3A_282, %dma_start3A_287] : memref<25x100xi32, #tpu.memory_space<vmem>> -> memref<1x100xi32, #tpu.memory_space<vmem>>
      %dma_start3A_289 = tpu.memref_squeeze %dma_start3A_288 : memref<1x100xi32, #tpu.memory_space<vmem>> -> memref<100xi32, #tpu.memory_space<vmem>>
      %dma_start3A_290 = arith.constant 0 : i32
      %dma_start3A_291 = arith.constant 0 : i32
      %dma_start3A_292 = tpu.memref_slice %arg2[%dma_start3A_290, %dma_start3A_291] : memref<10000x128xf32, #tpu.memory_space<hbm>> -> memref<10000x128xf32, #tpu.memory_space<hbm>>
      tpu.enqueue_indirect_dma source(%dma_start3A_292 : memref<10000x128xf32, #tpu.memory_space<hbm>>) target(%dma_start3A_286 : memref<100x128xf32, #tpu.memory_space<vmem>>) offsets(%dma_start3A_289 : memref<100xi32, #tpu.memory_space<vmem>>) semaphore(%arg13 : memref<!tpu.dma_semaphore, #tpu.memory_space<semaphore_mem>>)
      %add3A_293 = arith.constant 1 : i32
      %add3A_294 = arith.addi %add3A_246, %add3A_293 : i32
      "tpu.region"() ({
        %run_scoped3A_295 = tpu.sem_alloc : memref<!tpu.dma_semaphore, #tpu.memory_space<semaphore_mem>>
        %dma_start3A_296 = arith.constant 0 : i32
        %dma_start3A_297 = arith.constant 0 : i32
        %dma_start3A_298 = tpu.memref_slice %arg11[%scan3A_221, %dma_start3A_296, %dma_start3A_297] : memref<2x100x128xf32, #tpu.memory_space<vmem>> -> memref<1x100x128xf32, #tpu.memory_space<vmem>>
        %dma_start3A_299 = tpu.memref_squeeze %dma_start3A_298 : memref<1x100x128xf32, #tpu.memory_space<vmem>> -> memref<100x128xf32, #tpu.memory_space<vmem>>
        %dma_start3A_300 = arith.constant 0 : i32
        %dma_start3A_301 = tpu.memref_slice %arg10[%add3A_294, %dma_start3A_300] : memref<25x100xi32, #tpu.memory_space<vmem>> -> memref<1x100xi32, #tpu.memory_space<vmem>>
        %dma_start3A_302 = tpu.memref_squeeze %dma_start3A_301 : memref<1x100xi32, #tpu.memory_space<vmem>> -> memref<100xi32, #tpu.memory_space<vmem>>
        %dma_start3A_303 = arith.constant 0 : i32
        %dma_start3A_304 = arith.constant 0 : i32
        %dma_start3A_305 = tpu.memref_slice %arg15[%dma_start3A_303, %dma_start3A_304] : memref<10240x128xf32, #tpu.memory_space<vmem_shared>> -> memref<10240x128xf32, #tpu.memory_space<vmem_shared>>
        tpu.enqueue_indirect_dma source(%dma_start3A_299 : memref<100x128xf32, #tpu.memory_space<vmem>>) target(%dma_start3A_305 : memref<10240x128xf32, #tpu.memory_space<vmem_shared>>) offsets(%dma_start3A_302 : memref<100xi32, #tpu.memory_space<vmem>>) semaphore(%run_scoped3A_295 : memref<!tpu.dma_semaphore, #tpu.memory_space<semaphore_mem>>) {add = true}
        %dma_wait3A_306 = arith.constant 0 : i32
        %dma_wait3A_307 = arith.constant 0 : i32
        %dma_wait3A_308 = tpu.memref_slice %arg11[%scan3A_221, %dma_wait3A_306, %dma_wait3A_307] : memref<2x100x128xf32, #tpu.memory_space<vmem>> -> memref<1x100x128xf32, #tpu.memory_space<vmem>>
        %dma_wait3A_309 = tpu.memref_squeeze %dma_wait3A_308 : memref<1x100x128xf32, #tpu.memory_space<vmem>> -> memref<100x128xf32, #tpu.memory_space<vmem>>
        %dma_wait3A_310 = arith.constant 0 : i32
        %dma_wait3A_311 = tpu.memref_slice %arg10[%add3A_294, %dma_wait3A_310] : memref<25x100xi32, #tpu.memory_space<vmem>> -> memref<1x100xi32, #tpu.memory_space<vmem>>
        %dma_wait3A_312 = tpu.memref_squeeze %dma_wait3A_311 : memref<1x100xi32, #tpu.memory_space<vmem>> -> memref<100xi32, #tpu.memory_space<vmem>>
        %dma_wait3A_313 = arith.constant 0 : i32
        %dma_wait3A_314 = arith.constant 0 : i32
        %dma_wait3A_315 = tpu.memref_slice %arg15[%dma_wait3A_313, %dma_wait3A_314] : memref<10240x128xf32, #tpu.memory_space<vmem_shared>> -> memref<10240x128xf32, #tpu.memory_space<vmem_shared>>
        tpu.wait_indirect_dma semaphore(%run_scoped3A_295 : memref<!tpu.dma_semaphore, #tpu.memory_space<semaphore_mem>>) src(%dma_wait3A_309 : memref<100x128xf32, #tpu.memory_space<vmem>>) dst(%dma_wait3A_315 : memref<10240x128xf32, #tpu.memory_space<vmem_shared>>)
        tpu.yield
      }) : () -> ()
    }
    %scan3A_226 = arith.constant 12 : i32
    %dma_wait3A_227 = arith.constant 24 : i32
    %dma_wait3A_228 = arith.constant 1 : i32
    %dma_wait3A_229 = arith.constant 0 : i32
    %dma_wait3A_230 = arith.constant 0 : i32
    %dma_wait3A_231 = tpu.memref_slice %arg11[%dma_wait3A_228, %dma_wait3A_229, %dma_wait3A_230] : memref<2x100x128xf32, #tpu.memory_space<vmem>> -> memref<1x100x128xf32, #tpu.memory_space<vmem>>
    %dma_wait3A_232 = tpu.memref_squeeze %dma_wait3A_231 : memref<1x100x128xf32, #tpu.memory_space<vmem>> -> memref<100x128xf32, #tpu.memory_space<vmem>>
    %dma_wait3A_233 = arith.constant 0 : i32
    %dma_wait3A_234 = tpu.memref_slice %arg9[%dma_wait3A_227, %dma_wait3A_233] : memref<25x100xi32, #tpu.memory_space<vmem>> -> memref<1x100xi32, #tpu.memory_space<vmem>>
    %dma_wait3A_235 = tpu.memref_squeeze %dma_wait3A_234 : memref<1x100xi32, #tpu.memory_space<vmem>> -> memref<100xi32, #tpu.memory_space<vmem>>
    %dma_wait3A_236 = arith.constant 0 : i32
    %dma_wait3A_237 = arith.constant 0 : i32
    %dma_wait3A_238 = tpu.memref_slice %arg2[%dma_wait3A_236, %dma_wait3A_237] : memref<10000x128xf32, #tpu.memory_space<hbm>> -> memref<10000x128xf32, #tpu.memory_space<hbm>>
    tpu.wait_indirect_dma semaphore(%arg13 : memref<!tpu.dma_semaphore, #tpu.memory_space<semaphore_mem>>) src(%dma_wait3A_238 : memref<10000x128xf32, #tpu.memory_space<hbm>>) dst(%dma_wait3A_232 : memref<100x128xf32, #tpu.memory_space<vmem>>)
    %run_scoped3A_239 = arith.constant 1 : i32
    %run_scoped3A_240 = arith.constant 24 : i32
    "tpu.region"() ({
      %run_scoped3A_242 = tpu.sem_alloc : memref<!tpu.dma_semaphore, #tpu.memory_space<semaphore_mem>>
      %dma_start3A_243 = arith.constant 0 : i32
      %dma_start3A_244 = arith.constant 0 : i32
      %dma_start3A_245 = tpu.memref_slice %arg11[%run_scoped3A_239, %dma_start3A_243, %dma_start3A_244] : memref<2x100x128xf32, #tpu.memory_space<vmem>> -> memref<1x100x128xf32, #tpu.memory_space<vmem>>
      %dma_start3A_246 = tpu.memref_squeeze %dma_start3A_245 : memref<1x100x128xf32, #tpu.memory_space<vmem>> -> memref<100x128xf32, #tpu.memory_space<vmem>>
      %dma_start3A_247 = arith.constant 0 : i32
      %dma_start3A_248 = tpu.memref_slice %arg10[%run_scoped3A_240, %dma_start3A_247] : memref<25x100xi32, #tpu.memory_space<vmem>> -> memref<1x100xi32, #tpu.memory_space<vmem>>
      %dma_start3A_249 = tpu.memref_squeeze %dma_start3A_248 : memref<1x100xi32, #tpu.memory_space<vmem>> -> memref<100xi32, #tpu.memory_space<vmem>>
      %dma_start3A_250 = arith.constant 0 : i32
      %dma_start3A_251 = arith.constant 0 : i32
      %dma_start3A_252 = tpu.memref_slice %arg15[%dma_start3A_250, %dma_start3A_251] : memref<10240x128xf32, #tpu.memory_space<vmem_shared>> -> memref<10240x128xf32, #tpu.memory_space<vmem_shared>>
      tpu.enqueue_indirect_dma source(%dma_start3A_246 : memref<100x128xf32, #tpu.memory_space<vmem>>) target(%dma_start3A_252 : memref<10240x128xf32, #tpu.memory_space<vmem_shared>>) offsets(%dma_start3A_249 : memref<100xi32, #tpu.memory_space<vmem>>) semaphore(%run_scoped3A_242 : memref<!tpu.dma_semaphore, #tpu.memory_space<semaphore_mem>>) {add = true}
      %dma_wait3A_253 = arith.constant 0 : i32
      %dma_wait3A_254 = arith.constant 0 : i32
      %dma_wait3A_255 = tpu.memref_slice %arg11[%run_scoped3A_239, %dma_wait3A_253, %dma_wait3A_254] : memref<2x100x128xf32, #tpu.memory_space<vmem>> -> memref<1x100x128xf32, #tpu.memory_space<vmem>>
      %dma_wait3A_256 = tpu.memref_squeeze %dma_wait3A_255 : memref<1x100x128xf32, #tpu.memory_space<vmem>> -> memref<100x128xf32, #tpu.memory_space<vmem>>
      %dma_wait3A_257 = arith.constant 0 : i32
      %dma_wait3A_258 = tpu.memref_slice %arg10[%run_scoped3A_240, %dma_wait3A_257] : memref<25x100xi32, #tpu.memory_space<vmem>> -> memref<1x100xi32, #tpu.memory_space<vmem>>
      %dma_wait3A_259 = tpu.memref_squeeze %dma_wait3A_258 : memref<1x100xi32, #tpu.memory_space<vmem>> -> memref<100xi32, #tpu.memory_space<vmem>>
      %dma_wait3A_260 = arith.constant 0 : i32
      %dma_wait3A_261 = arith.constant 0 : i32
      %dma_wait3A_262 = tpu.memref_slice %arg15[%dma_wait3A_260, %dma_wait3A_261] : memref<10240x128xf32, #tpu.memory_space<vmem_shared>> -> memref<10240x128xf32, #tpu.memory_space<vmem_shared>>
      tpu.wait_indirect_dma semaphore(%run_scoped3A_242 : memref<!tpu.dma_semaphore, #tpu.memory_space<semaphore_mem>>) src(%dma_wait3A_256 : memref<100x128xf32, #tpu.memory_space<vmem>>) dst(%dma_wait3A_262 : memref<10240x128xf32, #tpu.memory_space<vmem_shared>>)
      tpu.yield
    }) : () -> ()
    %barrier3A_241 = arith.constant 0 : index
    tpu.barrier barrier_id(%barrier3A_241)
    "tpu.region"() ({
      %run_scoped3A_242 = tpu.sem_alloc : memref<!tpu.dma_semaphore, #tpu.memory_space<semaphore_mem>>
      %dma_start3A_243 = arith.constant 0 : i32
      %dma_start3A_244 = arith.constant 0 : i32
      %dma_start3A_245 = tpu.memref_slice %arg6[%add3A, %dma_start3A_243, %dma_start3A_244] : memref<32x640x128xf32, #tpu.memory_space<hbm>> -> memref<1x640x128xf32, #tpu.memory_space<hbm>>
      %dma_start3A_246 = tpu.memref_squeeze %dma_start3A_245 : memref<1x640x128xf32, #tpu.memory_space<hbm>> -> memref<640x128xf32, #tpu.memory_space<hbm>>
      %dma_start3A_247 = arith.constant 0 : i32
      %dma_start3A_248 = tpu.memref_slice %arg15[%mul3A_2, %dma_start3A_247] : memref<10240x128xf32, #tpu.memory_space<vmem_shared>> -> memref<640x128xf32, #tpu.memory_space<vmem_shared>>
      tpu.enqueue_dma source(%dma_start3A_248 : memref<640x128xf32, #tpu.memory_space<vmem_shared>>) target(%dma_start3A_246 : memref<640x128xf32, #tpu.memory_space<hbm>>) target_semaphore(%run_scoped3A_242 : memref<!tpu.dma_semaphore, #tpu.memory_space<semaphore_mem>>)
      %dma_wait3A_249 = arith.constant 0 : i32
      %dma_wait3A_250 = arith.constant 0 : i32
      %dma_wait3A_251 = tpu.memref_slice %arg6[%add3A, %dma_wait3A_249, %dma_wait3A_250] : memref<32x640x128xf32, #tpu.memory_space<hbm>> -> memref<1x640x128xf32, #tpu.memory_space<hbm>>
      %dma_wait3A_252 = tpu.memref_squeeze %dma_wait3A_251 : memref<1x640x128xf32, #tpu.memory_space<hbm>> -> memref<640x128xf32, #tpu.memory_space<hbm>>
      %dma_wait3A_253 = arith.constant 0 : i32
      %dma_wait3A_254 = tpu.memref_slice %arg15[%mul3A_2, %dma_wait3A_253] : memref<10240x128xf32, #tpu.memory_space<vmem_shared>> -> memref<640x128xf32, #tpu.memory_space<vmem_shared>>
      tpu.wait_dma2 semaphore(%run_scoped3A_242 : memref<!tpu.dma_semaphore, #tpu.memory_space<semaphore_mem>>) src(%dma_wait3A_254 : memref<640x128xf32, #tpu.memory_space<vmem_shared>>) dst(%dma_wait3A_252 : memref<640x128xf32, #tpu.memory_space<hbm>>)
      tpu.yield
    }) : () -> ()
    return
  }
}

#map = affine_map<(d0, d1) -> (0, 0, 0)>
#map1 = affine_map<(d0, d1) -> (0, 0)>
module attributes {stable_mosaic.version = 14 : i64} {
  func.func @_sc_deg_body(%arg0: i32, %arg1: i32, %arg2: memref<32x125x80xi32, #tpu.memory_space<hbm>>, %arg3: memref<32x10240xf32, #tpu.memory_space<hbm>>, %arg4: memref<125x80xi32, #tpu.memory_space<vmem>>, %arg5: memref<10240xf32, #tpu.memory_space<vmem>>) attributes {dimension_semantics = [#tpu.dimension_semantics<core_parallel>, #tpu.dimension_semantics<subcore_parallel>], iteration_bounds = array<i64: 2, 16>, scalar_prefetch = 0 : i64, scratch_operands = 2 : i64, tpu.core_type = #tpu.core_type<sc_vector_subcore>, window_params = [{transform_indices = #map}, {transform_indices = #map1}]} {
    %mul3A = arith.constant 16 : i32
    %mul3A_0 = arith.muli %arg0, %mul3A : i32
    %add3A = arith.addi %mul3A_0, %arg1 : i32
    "tpu.region"() ({
      %run_scoped3A = tpu.sem_alloc : memref<!tpu.dma_semaphore, #tpu.memory_space<semaphore_mem>>
      %dma_start3A = arith.constant 0 : i32
      %dma_start3A_11 = arith.constant 0 : i32
      %dma_start3A_12 = tpu.memref_slice %arg2[%add3A, %dma_start3A, %dma_start3A_11] : memref<32x125x80xi32, #tpu.memory_space<hbm>> -> memref<1x125x80xi32, #tpu.memory_space<hbm>>
      %dma_start3A_13 = tpu.memref_squeeze %dma_start3A_12 : memref<1x125x80xi32, #tpu.memory_space<hbm>> -> memref<125x80xi32, #tpu.memory_space<hbm>>
      %dma_start3A_14 = arith.constant 0 : i32
      %dma_start3A_15 = arith.constant 0 : i32
      %dma_start3A_16 = tpu.memref_slice %arg2[%add3A, %dma_start3A_14, %dma_start3A_15] : memref<32x125x80xi32, #tpu.memory_space<hbm>> -> memref<1x125x80xi32, #tpu.memory_space<hbm>>
      %dma_start3A_17 = tpu.memref_squeeze %dma_start3A_16 : memref<1x125x80xi32, #tpu.memory_space<hbm>> -> memref<125x80xi32, #tpu.memory_space<hbm>>
      tpu.enqueue_dma source(%dma_start3A_17 : memref<125x80xi32, #tpu.memory_space<hbm>>) target(%arg4 : memref<125x80xi32, #tpu.memory_space<vmem>>) target_semaphore(%run_scoped3A : memref<!tpu.dma_semaphore, #tpu.memory_space<semaphore_mem>>)
      %dma_wait3A = arith.constant 0 : i32
      %dma_wait3A_18 = arith.constant 0 : i32
      %dma_wait3A_19 = tpu.memref_slice %arg2[%add3A, %dma_wait3A, %dma_wait3A_18] : memref<32x125x80xi32, #tpu.memory_space<hbm>> -> memref<1x125x80xi32, #tpu.memory_space<hbm>>
      %dma_wait3A_20 = tpu.memref_squeeze %dma_wait3A_19 : memref<1x125x80xi32, #tpu.memory_space<hbm>> -> memref<125x80xi32, #tpu.memory_space<hbm>>
      %dma_wait3A_21 = arith.constant 0 : i32
      %dma_wait3A_22 = arith.constant 0 : i32
      %dma_wait3A_23 = tpu.memref_slice %arg2[%add3A, %dma_wait3A_21, %dma_wait3A_22] : memref<32x125x80xi32, #tpu.memory_space<hbm>> -> memref<1x125x80xi32, #tpu.memory_space<hbm>>
      %dma_wait3A_24 = tpu.memref_squeeze %dma_wait3A_23 : memref<1x125x80xi32, #tpu.memory_space<hbm>> -> memref<125x80xi32, #tpu.memory_space<hbm>>
      tpu.wait_dma2 semaphore(%run_scoped3A : memref<!tpu.dma_semaphore, #tpu.memory_space<semaphore_mem>>) src(%dma_wait3A_24 : memref<125x80xi32, #tpu.memory_space<hbm>>) dst(%arg4 : memref<125x80xi32, #tpu.memory_space<vmem>>)
      tpu.yield
    }) : () -> ()
    %scan3A = arith.constant 0 : i32
    %scan3A_1 = arith.constant 640 : i32
    %scan3A_2 = arith.addi %scan3A, %scan3A_1 : i32
    %scan3A_3 = arith.constant 1 : i32
    scf.for %scan3A_11 = %scan3A to %scan3A_2 step %scan3A_3  : i32 {
      %mul3A_12 = arith.constant 16 : i32
      %mul3A_13 = arith.muli %scan3A_11, %mul3A_12 : i32
      %add3A_14 = arith.constant 0 : i32
      %add3A_15 = arith.addi %add3A_14, %mul3A_13 : i32
      %broadcast_in_dim3A_16 = arith.constant 0.000000e+00 : f32
      %broadcast_in_dim3A_17 = vector.broadcast %broadcast_in_dim3A_16 : f32 to vector<16xf32>
      %swap3A = arith.index_cast %add3A_15 : i32 to index
      %swap3A_18 = tpu.vector_load %arg5[%swap3A] {strides = array<i32>} : memref<10240xf32, #tpu.memory_space<vmem>>, vector<16xf32>,
      tpu.vector_store %arg5[%swap3A], %broadcast_in_dim3A_17 {strides = array<i32>} : memref<10240xf32, #tpu.memory_space<vmem>>, vector<16xf32>,
    }
    %scan3A_4 = arith.constant 640 : i32
    %broadcast_in_dim3A = arith.constant 1.000000e+00 : f32
    %broadcast_in_dim3A_5 = vector.broadcast %broadcast_in_dim3A : f32 to vector<16xf32>
    %scan3A_6 = arith.constant 0 : i32
    %scan3A_7 = arith.constant 125 : i32
    %scan3A_8 = arith.addi %scan3A_6, %scan3A_7 : i32
    %scan3A_9 = arith.constant 1 : i32
    scf.for %scan3A_11 = %scan3A_6 to %scan3A_8 step %scan3A_9  : i32 {
      %mul3A_12 = arith.constant 1 : i32
      %mul3A_13 = arith.muli %scan3A_11, %mul3A_12 : i32
      %add3A_14 = arith.constant 0 : i32
      %add3A_15 = arith.addi %add3A_14, %mul3A_13 : i32
      %get3A = arith.index_cast %add3A_15 : i32 to index
      %get3A_16 = arith.constant 0 : index
      %get3A_17 = tpu.vector_load %arg4[%get3A, %get3A_16] {strides = array<i32>} : memref<125x80xi32, #tpu.memory_space<vmem>>, vector<16xi32>,
      tpu.vector_store_idx %arg5[%get3A_17], %broadcast_in_dim3A_5 {add = true} : memref<10240xf32, #tpu.memory_space<vmem>>[vector<16xi32>], vector<16xf32>,
      %get3A_18 = arith.index_cast %add3A_15 : i32 to index
      %get3A_19 = arith.constant 16 : index
      %get3A_20 = tpu.vector_load %arg4[%get3A_18, %get3A_19] {strides = array<i32>} : memref<125x80xi32, #tpu.memory_space<vmem>>, vector<16xi32>,
      tpu.vector_store_idx %arg5[%get3A_20], %broadcast_in_dim3A_5 {add = true} : memref<10240xf32, #tpu.memory_space<vmem>>[vector<16xi32>], vector<16xf32>,
      %get3A_21 = arith.index_cast %add3A_15 : i32 to index
      %get3A_22 = arith.constant 32 : index
      %get3A_23 = tpu.vector_load %arg4[%get3A_21, %get3A_22] {strides = array<i32>} : memref<125x80xi32, #tpu.memory_space<vmem>>, vector<16xi32>,
      tpu.vector_store_idx %arg5[%get3A_23], %broadcast_in_dim3A_5 {add = true} : memref<10240xf32, #tpu.memory_space<vmem>>[vector<16xi32>], vector<16xf32>,
      %get3A_24 = arith.index_cast %add3A_15 : i32 to index
      %get3A_25 = arith.constant 48 : index
      %get3A_26 = tpu.vector_load %arg4[%get3A_24, %get3A_25] {strides = array<i32>} : memref<125x80xi32, #tpu.memory_space<vmem>>, vector<16xi32>,
      tpu.vector_store_idx %arg5[%get3A_26], %broadcast_in_dim3A_5 {add = true} : memref<10240xf32, #tpu.memory_space<vmem>>[vector<16xi32>], vector<16xf32>,
      %get3A_27 = arith.index_cast %add3A_15 : i32 to index
      %get3A_28 = arith.constant 64 : index
      %get3A_29 = tpu.vector_load %arg4[%get3A_27, %get3A_28] {strides = array<i32>} : memref<125x80xi32, #tpu.memory_space<vmem>>, vector<16xi32>,
      tpu.vector_store_idx %arg5[%get3A_29], %broadcast_in_dim3A_5 {add = true} : memref<10240xf32, #tpu.memory_space<vmem>>[vector<16xi32>], vector<16xf32>,
    }
    %scan3A_10 = arith.constant 125 : i32
    "tpu.region"() ({
      %run_scoped3A = tpu.sem_alloc : memref<!tpu.dma_semaphore, #tpu.memory_space<semaphore_mem>>
      %dma_start3A = arith.constant 0 : i32
      %dma_start3A_11 = tpu.memref_slice %arg3[%add3A, %dma_start3A] : memref<32x10240xf32, #tpu.memory_space<hbm>> -> memref<1x10240xf32, #tpu.memory_space<hbm>>
      %dma_start3A_12 = tpu.memref_squeeze %dma_start3A_11 : memref<1x10240xf32, #tpu.memory_space<hbm>> -> memref<10240xf32, #tpu.memory_space<hbm>>
      %dma_start3A_13 = arith.constant 0 : i32
      %dma_start3A_14 = tpu.memref_slice %arg3[%add3A, %dma_start3A_13] : memref<32x10240xf32, #tpu.memory_space<hbm>> -> memref<1x10240xf32, #tpu.memory_space<hbm>>
      %dma_start3A_15 = tpu.memref_squeeze %dma_start3A_14 : memref<1x10240xf32, #tpu.memory_space<hbm>> -> memref<10240xf32, #tpu.memory_space<hbm>>
      tpu.enqueue_dma source(%arg5 : memref<10240xf32, #tpu.memory_space<vmem>>) target(%dma_start3A_15 : memref<10240xf32, #tpu.memory_space<hbm>>) target_semaphore(%run_scoped3A : memref<!tpu.dma_semaphore, #tpu.memory_space<semaphore_mem>>)
      %dma_wait3A = arith.constant 0 : i32
      %dma_wait3A_16 = tpu.memref_slice %arg3[%add3A, %dma_wait3A] : memref<32x10240xf32, #tpu.memory_space<hbm>> -> memref<1x10240xf32, #tpu.memory_space<hbm>>
      %dma_wait3A_17 = tpu.memref_squeeze %dma_wait3A_16 : memref<1x10240xf32, #tpu.memory_space<hbm>> -> memref<10240xf32, #tpu.memory_space<hbm>>
      %dma_wait3A_18 = arith.constant 0 : i32
      %dma_wait3A_19 = tpu.memref_slice %arg3[%add3A, %dma_wait3A_18] : memref<32x10240xf32, #tpu.memory_space<hbm>> -> memref<1x10240xf32, #tpu.memory_space<hbm>>
      %dma_wait3A_20 = tpu.memref_squeeze %dma_wait3A_19 : memref<1x10240xf32, #tpu.memory_space<hbm>> -> memref<10240xf32, #tpu.memory_space<hbm>>
      tpu.wait_dma2 semaphore(%run_scoped3A : memref<!tpu.dma_semaphore, #tpu.memory_space<semaphore_mem>>) src(%arg5 : memref<10240xf32, #tpu.memory_space<vmem>>) dst(%dma_wait3A_20 : memref<10240xf32, #tpu.memory_space<hbm>>)
      tpu.yield
    }) : () -> ()
    return
  }
}

#map = affine_map<(d0, d1) -> (0, 0)>
#map1 = affine_map<(d0, d1) -> (0, 0, 0, 0)>
#map2 = affine_map<(d0, d1) -> (0, 0, 0)>
module attributes {stable_mosaic.version = 14 : i64} {
  func.func @_sc_agg_body(%arg0: i32, %arg1: i32, %arg2: memref<10000x128xf32, #tpu.memory_space<hbm>>, %arg3: memref<32x4x25x100xi32, #tpu.memory_space<hbm>>, %arg4: memref<32x4x25x100xi32, #tpu.memory_space<hbm>>, %arg5: memref<640x128xf32, #tpu.memory_space<hbm>>, %arg6: memref<32x640x128xf32, #tpu.memory_space<hbm>>, %arg7: memref<25x100xi32, #tpu.memory_space<vmem>>, %arg8: memref<25x100xi32, #tpu.memory_space<vmem>>, %arg9: memref<25x100xi32, #tpu.memory_space<vmem>>, %arg10: memref<25x100xi32, #tpu.memory_space<vmem>>, %arg11: memref<2x100x128xf32, #tpu.memory_space<vmem>>, %arg12: memref<!tpu.dma_semaphore, #tpu.memory_space<semaphore_mem>>, %arg13: memref<!tpu.dma_semaphore, #tpu.memory_space<semaphore_mem>>, %arg14: memref<!tpu.dma_semaphore, #tpu.memory_space<semaphore_mem>>, %arg15: memref<10240x128xf32, #tpu.memory_space<vmem_shared>>) attributes {dimension_semantics = [#tpu.dimension_semantics<core_parallel>, #tpu.dimension_semantics<subcore_parallel>], iteration_bounds = array<i64: 2, 16>, scalar_prefetch = 0 : i64, scratch_operands = 9 : i64, tpu.core_type = #tpu.core_type<sc_vector_subcore>, window_params = [{transform_indices = #map}, {transform_indices = #map1}, {transform_indices = #map1}, {transform_indices = #map}, {transform_indices = #map2}]} {
    %mul3A = arith.constant 16 : i32
    %mul3A_0 = arith.muli %arg0, %mul3A : i32
    %add3A = arith.addi %mul3A_0, %arg1 : i32
    %mul3A_1 = arith.constant 640 : i32
    %mul3A_2 = arith.muli %arg1, %mul3A_1 : i32
    "tpu.region"() ({
      %run_scoped3A_242 = tpu.sem_alloc : memref<!tpu.dma_semaphore, #tpu.memory_space<semaphore_mem>>
      %dma_start3A_243 = arith.constant 0 : i32
      %dma_start3A_244 = tpu.memref_slice %arg15[%mul3A_2, %dma_start3A_243] : memref<10240x128xf32, #tpu.memory_space<vmem_shared>> -> memref<640x128xf32, #tpu.memory_space<vmem_shared>>
      tpu.enqueue_dma source(%arg5 : memref<640x128xf32, #tpu.memory_space<hbm>>) target(%dma_start3A_244 : memref<640x128xf32, #tpu.memory_space<vmem_shared>>) target_semaphore(%run_scoped3A_242 : memref<!tpu.dma_semaphore, #tpu.memory_space<semaphore_mem>>)
      %dma_wait3A_245 = arith.constant 0 : i32
      %dma_wait3A_246 = tpu.memref_slice %arg15[%mul3A_2, %dma_wait3A_245] : memref<10240x128xf32, #tpu.memory_space<vmem_shared>> -> memref<640x128xf32, #tpu.memory_space<vmem_shared>>
      tpu.wait_dma2 semaphore(%run_scoped3A_242 : memref<!tpu.dma_semaphore, #tpu.memory_space<semaphore_mem>>) src(%arg5 : memref<640x128xf32, #tpu.memory_space<hbm>>) dst(%dma_wait3A_246 : memref<640x128xf32, #tpu.memory_space<vmem_shared>>)
      tpu.yield
    }) : () -> ()
    %barrier3A = arith.constant 0 : index
    tpu.barrier barrier_id(%barrier3A)
    %run_scoped3A = arith.constant 0 : i32
    "tpu.region"() ({
      %run_scoped3A_242 = tpu.sem_alloc : memref<!tpu.dma_semaphore, #tpu.memory_space<semaphore_mem>>
      %dma_start3A_243 = arith.constant 0 : i32
      %dma_start3A_244 = arith.constant 0 : i32
      %dma_start3A_245 = tpu.memref_slice %arg3[%add3A, %run_scoped3A, %dma_start3A_243, %dma_start3A_244] : memref<32x4x25x100xi32, #tpu.memory_space<hbm>> -> memref<1x1x25x100xi32, #tpu.memory_space<hbm>>
      %dma_start3A_246 = tpu.memref_squeeze %dma_start3A_245 : memref<1x1x25x100xi32, #tpu.memory_space<hbm>> -> memref<25x100xi32, #tpu.memory_space<hbm>>
      %dma_start3A_247 = arith.constant 0 : i32
      %dma_start3A_248 = arith.constant 0 : i32
      %dma_start3A_249 = tpu.memref_slice %arg3[%add3A, %run_scoped3A, %dma_start3A_247, %dma_start3A_248] : memref<32x4x25x100xi32, #tpu.memory_space<hbm>> -> memref<1x1x25x100xi32, #tpu.memory_space<hbm>>
      %dma_start3A_250 = tpu.memref_squeeze %dma_start3A_249 : memref<1x1x25x100xi32, #tpu.memory_space<hbm>> -> memref<25x100xi32, #tpu.memory_space<hbm>>
      tpu.enqueue_dma source(%dma_start3A_250 : memref<25x100xi32, #tpu.memory_space<hbm>>) target(%arg7 : memref<25x100xi32, #tpu.memory_space<vmem>>) target_semaphore(%run_scoped3A_242 : memref<!tpu.dma_semaphore, #tpu.memory_space<semaphore_mem>>)
      %dma_wait3A_251 = arith.constant 0 : i32
      %dma_wait3A_252 = arith.constant 0 : i32
      %dma_wait3A_253 = tpu.memref_slice %arg3[%add3A, %run_scoped3A, %dma_wait3A_251, %dma_wait3A_252] : memref<32x4x25x100xi32, #tpu.memory_space<hbm>> -> memref<1x1x25x100xi32, #tpu.memory_space<hbm>>
      %dma_wait3A_254 = tpu.memref_squeeze %dma_wait3A_253 : memref<1x1x25x100xi32, #tpu.memory_space<hbm>> -> memref<25x100xi32, #tpu.memory_space<hbm>>
      %dma_wait3A_255 = arith.constant 0 : i32
      %dma_wait3A_256 = arith.constant 0 : i32
      %dma_wait3A_257 = tpu.memref_slice %arg3[%add3A, %run_scoped3A, %dma_wait3A_255, %dma_wait3A_256] : memref<32x4x25x100xi32, #tpu.memory_space<hbm>> -> memref<1x1x25x100xi32, #tpu.memory_space<hbm>>
      %dma_wait3A_258 = tpu.memref_squeeze %dma_wait3A_257 : memref<1x1x25x100xi32, #tpu.memory_space<hbm>> -> memref<25x100xi32, #tpu.memory_space<hbm>>
      tpu.wait_dma2 semaphore(%run_scoped3A_242 : memref<!tpu.dma_semaphore, #tpu.memory_space<semaphore_mem>>) src(%dma_wait3A_258 : memref<25x100xi32, #tpu.memory_space<hbm>>) dst(%arg7 : memref<25x100xi32, #tpu.memory_space<vmem>>)
      tpu.yield
    }) : () -> ()
    %run_scoped3A_3 = arith.constant 0 : i32
    "tpu.region"() ({
      %run_scoped3A_242 = tpu.sem_alloc : memref<!tpu.dma_semaphore, #tpu.memory_space<semaphore_mem>>
      %dma_start3A_243 = arith.constant 0 : i32
      %dma_start3A_244 = arith.constant 0 : i32
      %dma_start3A_245 = tpu.memref_slice %arg4[%add3A, %run_scoped3A_3, %dma_start3A_243, %dma_start3A_244] : memref<32x4x25x100xi32, #tpu.memory_space<hbm>> -> memref<1x1x25x100xi32, #tpu.memory_space<hbm>>
      %dma_start3A_246 = tpu.memref_squeeze %dma_start3A_245 : memref<1x1x25x100xi32, #tpu.memory_space<hbm>> -> memref<25x100xi32, #tpu.memory_space<hbm>>
      %dma_start3A_247 = arith.constant 0 : i32
      %dma_start3A_248 = arith.constant 0 : i32
      %dma_start3A_249 = tpu.memref_slice %arg4[%add3A, %run_scoped3A_3, %dma_start3A_247, %dma_start3A_248] : memref<32x4x25x100xi32, #tpu.memory_space<hbm>> -> memref<1x1x25x100xi32, #tpu.memory_space<hbm>>
      %dma_start3A_250 = tpu.memref_squeeze %dma_start3A_249 : memref<1x1x25x100xi32, #tpu.memory_space<hbm>> -> memref<25x100xi32, #tpu.memory_space<hbm>>
      tpu.enqueue_dma source(%dma_start3A_250 : memref<25x100xi32, #tpu.memory_space<hbm>>) target(%arg8 : memref<25x100xi32, #tpu.memory_space<vmem>>) target_semaphore(%run_scoped3A_242 : memref<!tpu.dma_semaphore, #tpu.memory_space<semaphore_mem>>)
      %dma_wait3A_251 = arith.constant 0 : i32
      %dma_wait3A_252 = arith.constant 0 : i32
      %dma_wait3A_253 = tpu.memref_slice %arg4[%add3A, %run_scoped3A_3, %dma_wait3A_251, %dma_wait3A_252] : memref<32x4x25x100xi32, #tpu.memory_space<hbm>> -> memref<1x1x25x100xi32, #tpu.memory_space<hbm>>
      %dma_wait3A_254 = tpu.memref_squeeze %dma_wait3A_253 : memref<1x1x25x100xi32, #tpu.memory_space<hbm>> -> memref<25x100xi32, #tpu.memory_space<hbm>>
      %dma_wait3A_255 = arith.constant 0 : i32
      %dma_wait3A_256 = arith.constant 0 : i32
      %dma_wait3A_257 = tpu.memref_slice %arg4[%add3A, %run_scoped3A_3, %dma_wait3A_255, %dma_wait3A_256] : memref<32x4x25x100xi32, #tpu.memory_space<hbm>> -> memref<1x1x25x100xi32, #tpu.memory_space<hbm>>
      %dma_wait3A_258 = tpu.memref_squeeze %dma_wait3A_257 : memref<1x1x25x100xi32, #tpu.memory_space<hbm>> -> memref<25x100xi32, #tpu.memory_space<hbm>>
      tpu.wait_dma2 semaphore(%run_scoped3A_242 : memref<!tpu.dma_semaphore, #tpu.memory_space<semaphore_mem>>) src(%dma_wait3A_258 : memref<25x100xi32, #tpu.memory_space<hbm>>) dst(%arg8 : memref<25x100xi32, #tpu.memory_space<vmem>>)
      tpu.yield
    }) : () -> ()
    %dma_start3A = arith.constant 0 : i32
    %dma_start3A_4 = arith.constant 0 : i32
    %dma_start3A_5 = arith.constant 0 : i32
    %dma_start3A_6 = arith.constant 0 : i32
    %dma_start3A_7 = tpu.memref_slice %arg11[%dma_start3A_4, %dma_start3A_5, %dma_start3A_6] : memref<2x100x128xf32, #tpu.memory_space<vmem>> -> memref<1x100x128xf32, #tpu.memory_space<vmem>>
    %dma_start3A_8 = tpu.memref_squeeze %dma_start3A_7 : memref<1x100x128xf32, #tpu.memory_space<vmem>> -> memref<100x128xf32, #tpu.memory_space<vmem>>
    %dma_start3A_9 = arith.constant 0 : i32
    %dma_start3A_10 = tpu.memref_slice %arg7[%dma_start3A, %dma_start3A_9] : memref<25x100xi32, #tpu.memory_space<vmem>> -> memref<1x100xi32, #tpu.memory_space<vmem>>
    %dma_start3A_11 = tpu.memref_squeeze %dma_start3A_10 : memref<1x100xi32, #tpu.memory_space<vmem>> -> memref<100xi32, #tpu.memory_space<vmem>>
    %dma_start3A_12 = arith.constant 0 : i32
    %dma_start3A_13 = arith.constant 0 : i32
    %dma_start3A_14 = tpu.memref_slice %arg2[%dma_start3A_12, %dma_start3A_13] : memref<10000x128xf32, #tpu.memory_space<hbm>> -> memref<10000x128xf32, #tpu.memory_space<hbm>>
    tpu.enqueue_indirect_dma source(%dma_start3A_14 : memref<10000x128xf32, #tpu.memory_space<hbm>>) target(%dma_start3A_8 : memref<100x128xf32, #tpu.memory_space<vmem>>) offsets(%dma_start3A_11 : memref<100xi32, #tpu.memory_space<vmem>>) semaphore(%arg12 : memref<!tpu.dma_semaphore, #tpu.memory_space<semaphore_mem>>)
    %dma_start3A_15 = arith.constant 1 : i32
    %dma_start3A_16 = arith.constant 0 : i32
    %dma_start3A_17 = arith.constant 0 : i32
    %dma_start3A_18 = tpu.memref_slice %arg3[%add3A, %dma_start3A_15, %dma_start3A_16, %dma_start3A_17] : memref<32x4x25x100xi32, #tpu.memory_space<hbm>> -> memref<1x1x25x100xi32, #tpu.memory_space<hbm>>
    %dma_start3A_19 = tpu.memref_squeeze %dma_start3A_18 : memref<1x1x25x100xi32, #tpu.memory_space<hbm>> -> memref<25x100xi32, #tpu.memory_space<hbm>>
    %dma_start3A_20 = arith.constant 0 : i32
    %dma_start3A_21 = arith.constant 0 : i32
    %dma_start3A_22 = tpu.memref_slice %arg3[%add3A, %dma_start3A_15, %dma_start3A_20, %dma_start3A_21] : memref<32x4x25x100xi32, #tpu.memory_space<hbm>> -> memref<1x1x25x100xi32, #tpu.memory_space<hbm>>
    %dma_start3A_23 = tpu.memref_squeeze %dma_start3A_22 : memref<1x1x25x100xi32, #tpu.memory_space<hbm>> -> memref<25x100xi32, #tpu.memory_space<hbm>>
    tpu.enqueue_dma source(%dma_start3A_23 : memref<25x100xi32, #tpu.memory_space<hbm>>) target(%arg9 : memref<25x100xi32, #tpu.memory_space<vmem>>) target_semaphore(%arg14 : memref<!tpu.dma_semaphore, #tpu.memory_space<semaphore_mem>>)
    %dma_start3A_24 = arith.constant 1 : i32
    %dma_start3A_25 = arith.constant 0 : i32
    %dma_start3A_26 = arith.constant 0 : i32
    %dma_start3A_27 = tpu.memref_slice %arg4[%add3A, %dma_start3A_24, %dma_start3A_25, %dma_start3A_26] : memref<32x4x25x100xi32, #tpu.memory_space<hbm>> -> memref<1x1x25x100xi32, #tpu.memory_space<hbm>>
    %dma_start3A_28 = tpu.memref_squeeze %dma_start3A_27 : memref<1x1x25x100xi32, #tpu.memory_space<hbm>> -> memref<25x100xi32, #tpu.memory_space<hbm>>
    %dma_start3A_29 = arith.constant 0 : i32
    %dma_start3A_30 = arith.constant 0 : i32
    %dma_start3A_31 = tpu.memref_slice %arg4[%add3A, %dma_start3A_24, %dma_start3A_29, %dma_start3A_30] : memref<32x4x25x100xi32, #tpu.memory_space<hbm>> -> memref<1x1x25x100xi32, #tpu.memory_space<hbm>>
    %dma_start3A_32 = tpu.memref_squeeze %dma_start3A_31 : memref<1x1x25x100xi32, #tpu.memory_space<hbm>> -> memref<25x100xi32, #tpu.memory_space<hbm>>
    tpu.enqueue_dma source(%dma_start3A_32 : memref<25x100xi32, #tpu.memory_space<hbm>>) target(%arg10 : memref<25x100xi32, #tpu.memory_space<vmem>>) target_semaphore(%arg14 : memref<!tpu.dma_semaphore, #tpu.memory_space<semaphore_mem>>)
    %scan3A = arith.constant 0 : i32
    %scan3A_33 = arith.constant 1 : i32
    %scan3A_34 = arith.constant 0 : i32
    %scan3A_35 = arith.constant 12 : i32
    %scan3A_36 = arith.addi %scan3A_34, %scan3A_35 : i32
    %scan3A_37 = arith.constant 1 : i32
    scf.for %scan3A_242 = %scan3A_34 to %scan3A_36 step %scan3A_37  : i32 {
      %mul3A_243 = arith.constant 2 : i32
      %mul3A_244 = arith.muli %scan3A_242, %mul3A_243 : i32
      %add3A_245 = arith.constant 0 : i32
      %add3A_246 = arith.addi %add3A_245, %mul3A_244 : i32
      %dma_wait3A_247 = arith.constant 0 : i32
      %dma_wait3A_248 = arith.constant 0 : i32
      %dma_wait3A_249 = tpu.memref_slice %arg11[%scan3A, %dma_wait3A_247, %dma_wait3A_248] : memref<2x100x128xf32, #tpu.memory_space<vmem>> -> memref<1x100x128xf32, #tpu.memory_space<vmem>>
      %dma_wait3A_250 = tpu.memref_squeeze %dma_wait3A_249 : memref<1x100x128xf32, #tpu.memory_space<vmem>> -> memref<100x128xf32, #tpu.memory_space<vmem>>
      %dma_wait3A_251 = arith.constant 0 : i32
      %dma_wait3A_252 = tpu.memref_slice %arg7[%add3A_246, %dma_wait3A_251] : memref<25x100xi32, #tpu.memory_space<vmem>> -> memref<1x100xi32, #tpu.memory_space<vmem>>
      %dma_wait3A_253 = tpu.memref_squeeze %dma_wait3A_252 : memref<1x100xi32, #tpu.memory_space<vmem>> -> memref<100xi32, #tpu.memory_space<vmem>>
      %dma_wait3A_254 = arith.constant 0 : i32
      %dma_wait3A_255 = arith.constant 0 : i32
      %dma_wait3A_256 = tpu.memref_slice %arg2[%dma_wait3A_254, %dma_wait3A_255] : memref<10000x128xf32, #tpu.memory_space<hbm>> -> memref<10000x128xf32, #tpu.memory_space<hbm>>
      tpu.wait_indirect_dma semaphore(%arg12 : memref<!tpu.dma_semaphore, #tpu.memory_space<semaphore_mem>>) src(%dma_wait3A_256 : memref<10000x128xf32, #tpu.memory_space<hbm>>) dst(%dma_wait3A_250 : memref<100x128xf32, #tpu.memory_space<vmem>>)
      %add3A_257 = arith.constant 1 : i32
      %add3A_258 = arith.addi %add3A_246, %add3A_257 : i32
      %dma_start3A_259 = arith.constant 0 : i32
      %dma_start3A_260 = arith.constant 0 : i32
      %dma_start3A_261 = tpu.memref_slice %arg11[%scan3A_33, %dma_start3A_259, %dma_start3A_260] : memref<2x100x128xf32, #tpu.memory_space<vmem>> -> memref<1x100x128xf32, #tpu.memory_space<vmem>>
      %dma_start3A_262 = tpu.memref_squeeze %dma_start3A_261 : memref<1x100x128xf32, #tpu.memory_space<vmem>> -> memref<100x128xf32, #tpu.memory_space<vmem>>
      %dma_start3A_263 = arith.constant 0 : i32
      %dma_start3A_264 = tpu.memref_slice %arg7[%add3A_258, %dma_start3A_263] : memref<25x100xi32, #tpu.memory_space<vmem>> -> memref<1x100xi32, #tpu.memory_space<vmem>>
      %dma_start3A_265 = tpu.memref_squeeze %dma_start3A_264 : memref<1x100xi32, #tpu.memory_space<vmem>> -> memref<100xi32, #tpu.memory_space<vmem>>
      %dma_start3A_266 = arith.constant 0 : i32
      %dma_start3A_267 = arith.constant 0 : i32
      %dma_start3A_268 = tpu.memref_slice %arg2[%dma_start3A_266, %dma_start3A_267] : memref<10000x128xf32, #tpu.memory_space<hbm>> -> memref<10000x128xf32, #tpu.memory_space<hbm>>
      tpu.enqueue_indirect_dma source(%dma_start3A_268 : memref<10000x128xf32, #tpu.memory_space<hbm>>) target(%dma_start3A_262 : memref<100x128xf32, #tpu.memory_space<vmem>>) offsets(%dma_start3A_265 : memref<100xi32, #tpu.memory_space<vmem>>) semaphore(%arg13 : memref<!tpu.dma_semaphore, #tpu.memory_space<semaphore_mem>>)
      "tpu.region"() ({
        %run_scoped3A_295 = tpu.sem_alloc : memref<!tpu.dma_semaphore, #tpu.memory_space<semaphore_mem>>
        %dma_start3A_296 = arith.constant 0 : i32
        %dma_start3A_297 = arith.constant 0 : i32
        %dma_start3A_298 = tpu.memref_slice %arg11[%scan3A, %dma_start3A_296, %dma_start3A_297] : memref<2x100x128xf32, #tpu.memory_space<vmem>> -> memref<1x100x128xf32, #tpu.memory_space<vmem>>
        %dma_start3A_299 = tpu.memref_squeeze %dma_start3A_298 : memref<1x100x128xf32, #tpu.memory_space<vmem>> -> memref<100x128xf32, #tpu.memory_space<vmem>>
        %dma_start3A_300 = arith.constant 0 : i32
        %dma_start3A_301 = tpu.memref_slice %arg8[%add3A_246, %dma_start3A_300] : memref<25x100xi32, #tpu.memory_space<vmem>> -> memref<1x100xi32, #tpu.memory_space<vmem>>
        %dma_start3A_302 = tpu.memref_squeeze %dma_start3A_301 : memref<1x100xi32, #tpu.memory_space<vmem>> -> memref<100xi32, #tpu.memory_space<vmem>>
        %dma_start3A_303 = arith.constant 0 : i32
        %dma_start3A_304 = arith.constant 0 : i32
        %dma_start3A_305 = tpu.memref_slice %arg15[%dma_start3A_303, %dma_start3A_304] : memref<10240x128xf32, #tpu.memory_space<vmem_shared>> -> memref<10240x128xf32, #tpu.memory_space<vmem_shared>>
        tpu.enqueue_indirect_dma source(%dma_start3A_299 : memref<100x128xf32, #tpu.memory_space<vmem>>) target(%dma_start3A_305 : memref<10240x128xf32, #tpu.memory_space<vmem_shared>>) offsets(%dma_start3A_302 : memref<100xi32, #tpu.memory_space<vmem>>) semaphore(%run_scoped3A_295 : memref<!tpu.dma_semaphore, #tpu.memory_space<semaphore_mem>>) {add = true}
        %dma_wait3A_306 = arith.constant 0 : i32
        %dma_wait3A_307 = arith.constant 0 : i32
        %dma_wait3A_308 = tpu.memref_slice %arg11[%scan3A, %dma_wait3A_306, %dma_wait3A_307] : memref<2x100x128xf32, #tpu.memory_space<vmem>> -> memref<1x100x128xf32, #tpu.memory_space<vmem>>
        %dma_wait3A_309 = tpu.memref_squeeze %dma_wait3A_308 : memref<1x100x128xf32, #tpu.memory_space<vmem>> -> memref<100x128xf32, #tpu.memory_space<vmem>>
        %dma_wait3A_310 = arith.constant 0 : i32
        %dma_wait3A_311 = tpu.memref_slice %arg8[%add3A_246, %dma_wait3A_310] : memref<25x100xi32, #tpu.memory_space<vmem>> -> memref<1x100xi32, #tpu.memory_space<vmem>>
        %dma_wait3A_312 = tpu.memref_squeeze %dma_wait3A_311 : memref<1x100xi32, #tpu.memory_space<vmem>> -> memref<100xi32, #tpu.memory_space<vmem>>
        %dma_wait3A_313 = arith.constant 0 : i32
        %dma_wait3A_314 = arith.constant 0 : i32
        %dma_wait3A_315 = tpu.memref_slice %arg15[%dma_wait3A_313, %dma_wait3A_314] : memref<10240x128xf32, #tpu.memory_space<vmem_shared>> -> memref<10240x128xf32, #tpu.memory_space<vmem_shared>>
        tpu.wait_indirect_dma semaphore(%run_scoped3A_295 : memref<!tpu.dma_semaphore, #tpu.memory_space<semaphore_mem>>) src(%dma_wait3A_309 : memref<100x128xf32, #tpu.memory_space<vmem>>) dst(%dma_wait3A_315 : memref<10240x128xf32, #tpu.memory_space<vmem_shared>>)
        tpu.yield
      }) : () -> ()
      %add3A_269 = arith.constant 1 : i32
      %add3A_270 = arith.addi %add3A_246, %add3A_269 : i32
      %dma_wait3A_271 = arith.constant 0 : i32
      %dma_wait3A_272 = arith.constant 0 : i32
      %dma_wait3A_273 = tpu.memref_slice %arg11[%scan3A_33, %dma_wait3A_271, %dma_wait3A_272] : memref<2x100x128xf32, #tpu.memory_space<vmem>> -> memref<1x100x128xf32, #tpu.memory_space<vmem>>
      %dma_wait3A_274 = tpu.memref_squeeze %dma_wait3A_273 : memref<1x100x128xf32, #tpu.memory_space<vmem>> -> memref<100x128xf32, #tpu.memory_space<vmem>>
      %dma_wait3A_275 = arith.constant 0 : i32
      %dma_wait3A_276 = tpu.memref_slice %arg7[%add3A_270, %dma_wait3A_275] : memref<25x100xi32, #tpu.memory_space<vmem>> -> memref<1x100xi32, #tpu.memory_space<vmem>>
      %dma_wait3A_277 = tpu.memref_squeeze %dma_wait3A_276 : memref<1x100xi32, #tpu.memory_space<vmem>> -> memref<100xi32, #tpu.memory_space<vmem>>
      %dma_wait3A_278 = arith.constant 0 : i32
      %dma_wait3A_279 = arith.constant 0 : i32
      %dma_wait3A_280 = tpu.memref_slice %arg2[%dma_wait3A_278, %dma_wait3A_279] : memref<10000x128xf32, #tpu.memory_space<hbm>> -> memref<10000x128xf32, #tpu.memory_space<hbm>>
      tpu.wait_indirect_dma semaphore(%arg13 : memref<!tpu.dma_semaphore, #tpu.memory_space<semaphore_mem>>) src(%dma_wait3A_280 : memref<10000x128xf32, #tpu.memory_space<hbm>>) dst(%dma_wait3A_274 : memref<100x128xf32, #tpu.memory_space<vmem>>)
      %add3A_281 = arith.constant 2 : i32
      %add3A_282 = arith.addi %add3A_246, %add3A_281 : i32
      %dma_start3A_283 = arith.constant 0 : i32
      %dma_start3A_284 = arith.constant 0 : i32
      %dma_start3A_285 = tpu.memref_slice %arg11[%scan3A, %dma_start3A_283, %dma_start3A_284] : memref<2x100x128xf32, #tpu.memory_space<vmem>> -> memref<1x100x128xf32, #tpu.memory_space<vmem>>
      %dma_start3A_286 = tpu.memref_squeeze %dma_start3A_285 : memref<1x100x128xf32, #tpu.memory_space<vmem>> -> memref<100x128xf32, #tpu.memory_space<vmem>>
      %dma_start3A_287 = arith.constant 0 : i32
      %dma_start3A_288 = tpu.memref_slice %arg7[%add3A_282, %dma_start3A_287] : memref<25x100xi32, #tpu.memory_space<vmem>> -> memref<1x100xi32, #tpu.memory_space<vmem>>
      %dma_start3A_289 = tpu.memref_squeeze %dma_start3A_288 : memref<1x100xi32, #tpu.memory_space<vmem>> -> memref<100xi32, #tpu.memory_space<vmem>>
      %dma_start3A_290 = arith.constant 0 : i32
      %dma_start3A_291 = arith.constant 0 : i32
      %dma_start3A_292 = tpu.memref_slice %arg2[%dma_start3A_290, %dma_start3A_291] : memref<10000x128xf32, #tpu.memory_space<hbm>> -> memref<10000x128xf32, #tpu.memory_space<hbm>>
      tpu.enqueue_indirect_dma source(%dma_start3A_292 : memref<10000x128xf32, #tpu.memory_space<hbm>>) target(%dma_start3A_286 : memref<100x128xf32, #tpu.memory_space<vmem>>) offsets(%dma_start3A_289 : memref<100xi32, #tpu.memory_space<vmem>>) semaphore(%arg12 : memref<!tpu.dma_semaphore, #tpu.memory_space<semaphore_mem>>)
      %add3A_293 = arith.constant 1 : i32
      %add3A_294 = arith.addi %add3A_246, %add3A_293 : i32
      "tpu.region"() ({
        %run_scoped3A_295 = tpu.sem_alloc : memref<!tpu.dma_semaphore, #tpu.memory_space<semaphore_mem>>
        %dma_start3A_296 = arith.constant 0 : i32
        %dma_start3A_297 = arith.constant 0 : i32
        %dma_start3A_298 = tpu.memref_slice %arg11[%scan3A_33, %dma_start3A_296, %dma_start3A_297] : memref<2x100x128xf32, #tpu.memory_space<vmem>> -> memref<1x100x128xf32, #tpu.memory_space<vmem>>
        %dma_start3A_299 = tpu.memref_squeeze %dma_start3A_298 : memref<1x100x128xf32, #tpu.memory_space<vmem>> -> memref<100x128xf32, #tpu.memory_space<vmem>>
        %dma_start3A_300 = arith.constant 0 : i32
        %dma_start3A_301 = tpu.memref_slice %arg8[%add3A_294, %dma_start3A_300] : memref<25x100xi32, #tpu.memory_space<vmem>> -> memref<1x100xi32, #tpu.memory_space<vmem>>
        %dma_start3A_302 = tpu.memref_squeeze %dma_start3A_301 : memref<1x100xi32, #tpu.memory_space<vmem>> -> memref<100xi32, #tpu.memory_space<vmem>>
        %dma_start3A_303 = arith.constant 0 : i32
        %dma_start3A_304 = arith.constant 0 : i32
        %dma_start3A_305 = tpu.memref_slice %arg15[%dma_start3A_303, %dma_start3A_304] : memref<10240x128xf32, #tpu.memory_space<vmem_shared>> -> memref<10240x128xf32, #tpu.memory_space<vmem_shared>>
        tpu.enqueue_indirect_dma source(%dma_start3A_299 : memref<100x128xf32, #tpu.memory_space<vmem>>) target(%dma_start3A_305 : memref<10240x128xf32, #tpu.memory_space<vmem_shared>>) offsets(%dma_start3A_302 : memref<100xi32, #tpu.memory_space<vmem>>) semaphore(%run_scoped3A_295 : memref<!tpu.dma_semaphore, #tpu.memory_space<semaphore_mem>>) {add = true}
        %dma_wait3A_306 = arith.constant 0 : i32
        %dma_wait3A_307 = arith.constant 0 : i32
        %dma_wait3A_308 = tpu.memref_slice %arg11[%scan3A_33, %dma_wait3A_306, %dma_wait3A_307] : memref<2x100x128xf32, #tpu.memory_space<vmem>> -> memref<1x100x128xf32, #tpu.memory_space<vmem>>
        %dma_wait3A_309 = tpu.memref_squeeze %dma_wait3A_308 : memref<1x100x128xf32, #tpu.memory_space<vmem>> -> memref<100x128xf32, #tpu.memory_space<vmem>>
        %dma_wait3A_310 = arith.constant 0 : i32
        %dma_wait3A_311 = tpu.memref_slice %arg8[%add3A_294, %dma_wait3A_310] : memref<25x100xi32, #tpu.memory_space<vmem>> -> memref<1x100xi32, #tpu.memory_space<vmem>>
        %dma_wait3A_312 = tpu.memref_squeeze %dma_wait3A_311 : memref<1x100xi32, #tpu.memory_space<vmem>> -> memref<100xi32, #tpu.memory_space<vmem>>
        %dma_wait3A_313 = arith.constant 0 : i32
        %dma_wait3A_314 = arith.constant 0 : i32
        %dma_wait3A_315 = tpu.memref_slice %arg15[%dma_wait3A_313, %dma_wait3A_314] : memref<10240x128xf32, #tpu.memory_space<vmem_shared>> -> memref<10240x128xf32, #tpu.memory_space<vmem_shared>>
        tpu.wait_indirect_dma semaphore(%run_scoped3A_295 : memref<!tpu.dma_semaphore, #tpu.memory_space<semaphore_mem>>) src(%dma_wait3A_309 : memref<100x128xf32, #tpu.memory_space<vmem>>) dst(%dma_wait3A_315 : memref<10240x128xf32, #tpu.memory_space<vmem_shared>>)
        tpu.yield
      }) : () -> ()
    }
    %scan3A_38 = arith.constant 12 : i32
    %dma_wait3A = arith.constant 24 : i32
    %dma_wait3A_39 = arith.constant 0 : i32
    %dma_wait3A_40 = arith.constant 0 : i32
    %dma_wait3A_41 = arith.constant 0 : i32
    %dma_wait3A_42 = tpu.memref_slice %arg11[%dma_wait3A_39, %dma_wait3A_40, %dma_wait3A_41] : memref<2x100x128xf32, #tpu.memory_space<vmem>> -> memref<1x100x128xf32, #tpu.memory_space<vmem>>
    %dma_wait3A_43 = tpu.memref_squeeze %dma_wait3A_42 : memref<1x100x128xf32, #tpu.memory_space<vmem>> -> memref<100x128xf32, #tpu.memory_space<vmem>>
    %dma_wait3A_44 = arith.constant 0 : i32
    %dma_wait3A_45 = tpu.memref_slice %arg7[%dma_wait3A, %dma_wait3A_44] : memref<25x100xi32, #tpu.memory_space<vmem>> -> memref<1x100xi32, #tpu.memory_space<vmem>>
    %dma_wait3A_46 = tpu.memref_squeeze %dma_wait3A_45 : memref<1x100xi32, #tpu.memory_space<vmem>> -> memref<100xi32, #tpu.memory_space<vmem>>
    %dma_wait3A_47 = arith.constant 0 : i32
    %dma_wait3A_48 = arith.constant 0 : i32
    %dma_wait3A_49 = tpu.memref_slice %arg2[%dma_wait3A_47, %dma_wait3A_48] : memref<10000x128xf32, #tpu.memory_space<hbm>> -> memref<10000x128xf32, #tpu.memory_space<hbm>>
    tpu.wait_indirect_dma semaphore(%arg12 : memref<!tpu.dma_semaphore, #tpu.memory_space<semaphore_mem>>) src(%dma_wait3A_49 : memref<10000x128xf32, #tpu.memory_space<hbm>>) dst(%dma_wait3A_43 : memref<100x128xf32, #tpu.memory_space<vmem>>)
    %dma_wait3A_50 = arith.constant 1 : i32
    %dma_wait3A_51 = arith.constant 0 : i32
    %dma_wait3A_52 = arith.constant 0 : i32
    %dma_wait3A_53 = tpu.memref_slice %arg3[%add3A, %dma_wait3A_50, %dma_wait3A_51, %dma_wait3A_52] : memref<32x4x25x100xi32, #tpu.memory_space<hbm>> -> memref<1x1x25x100xi32, #tpu.memory_space<hbm>>
    %dma_wait3A_54 = tpu.memref_squeeze %dma_wait3A_53 : memref<1x1x25x100xi32, #tpu.memory_space<hbm>> -> memref<25x100xi32, #tpu.memory_space<hbm>>
    %dma_wait3A_55 = arith.constant 0 : i32
    %dma_wait3A_56 = arith.constant 0 : i32
    %dma_wait3A_57 = tpu.memref_slice %arg3[%add3A, %dma_wait3A_50, %dma_wait3A_55, %dma_wait3A_56] : memref<32x4x25x100xi32, #tpu.memory_space<hbm>> -> memref<1x1x25x100xi32, #tpu.memory_space<hbm>>
    %dma_wait3A_58 = tpu.memref_squeeze %dma_wait3A_57 : memref<1x1x25x100xi32, #tpu.memory_space<hbm>> -> memref<25x100xi32, #tpu.memory_space<hbm>>
    tpu.wait_dma2 semaphore(%arg14 : memref<!tpu.dma_semaphore, #tpu.memory_space<semaphore_mem>>) src(%dma_wait3A_58 : memref<25x100xi32, #tpu.memory_space<hbm>>) dst(%arg9 : memref<25x100xi32, #tpu.memory_space<vmem>>)
    %dma_wait3A_59 = arith.constant 1 : i32
    %dma_wait3A_60 = arith.constant 0 : i32
    %dma_wait3A_61 = arith.constant 0 : i32
    %dma_wait3A_62 = tpu.memref_slice %arg4[%add3A, %dma_wait3A_59, %dma_wait3A_60, %dma_wait3A_61] : memref<32x4x25x100xi32, #tpu.memory_space<hbm>> -> memref<1x1x25x100xi32, #tpu.memory_space<hbm>>
    %dma_wait3A_63 = tpu.memref_squeeze %dma_wait3A_62 : memref<1x1x25x100xi32, #tpu.memory_space<hbm>> -> memref<25x100xi32, #tpu.memory_space<hbm>>
    %dma_wait3A_64 = arith.constant 0 : i32
    %dma_wait3A_65 = arith.constant 0 : i32
    %dma_wait3A_66 = tpu.memref_slice %arg4[%add3A, %dma_wait3A_59, %dma_wait3A_64, %dma_wait3A_65] : memref<32x4x25x100xi32, #tpu.memory_space<hbm>> -> memref<1x1x25x100xi32, #tpu.memory_space<hbm>>
    %dma_wait3A_67 = tpu.memref_squeeze %dma_wait3A_66 : memref<1x1x25x100xi32, #tpu.memory_space<hbm>> -> memref<25x100xi32, #tpu.memory_space<hbm>>
    tpu.wait_dma2 semaphore(%arg14 : memref<!tpu.dma_semaphore, #tpu.memory_space<semaphore_mem>>) src(%dma_wait3A_67 : memref<25x100xi32, #tpu.memory_space<hbm>>) dst(%arg10 : memref<25x100xi32, #tpu.memory_space<vmem>>)
    %dma_start3A_68 = arith.constant 0 : i32
    %dma_start3A_69 = arith.constant 1 : i32
    %dma_start3A_70 = arith.constant 0 : i32
    %dma_start3A_71 = arith.constant 0 : i32
    %dma_start3A_72 = tpu.memref_slice %arg11[%dma_start3A_69, %dma_start3A_70, %dma_start3A_71] : memref<2x100x128xf32, #tpu.memory_space<vmem>> -> memref<1x100x128xf32, #tpu.memory_space<vmem>>
    %dma_start3A_73 = tpu.memref_squeeze %dma_start3A_72 : memref<1x100x128xf32, #tpu.memory_space<vmem>> -> memref<100x128xf32, #tpu.memory_space<vmem>>
    %dma_start3A_74 = arith.constant 0 : i32
    %dma_start3A_75 = tpu.memref_slice %arg9[%dma_start3A_68, %dma_start3A_74] : memref<25x100xi32, #tpu.memory_space<vmem>> -> memref<1x100xi32, #tpu.memory_space<vmem>>
    %dma_start3A_76 = tpu.memref_squeeze %dma_start3A_75 : memref<1x100xi32, #tpu.memory_space<vmem>> -> memref<100xi32, #tpu.memory_space<vmem>>
    %dma_start3A_77 = arith.constant 0 : i32
    %dma_start3A_78 = arith.constant 0 : i32
    %dma_start3A_79 = tpu.memref_slice %arg2[%dma_start3A_77, %dma_start3A_78] : memref<10000x128xf32, #tpu.memory_space<hbm>> -> memref<10000x128xf32, #tpu.memory_space<hbm>>
    tpu.enqueue_indirect_dma source(%dma_start3A_79 : memref<10000x128xf32, #tpu.memory_space<hbm>>) target(%dma_start3A_73 : memref<100x128xf32, #tpu.memory_space<vmem>>) offsets(%dma_start3A_76 : memref<100xi32, #tpu.memory_space<vmem>>) semaphore(%arg13 : memref<!tpu.dma_semaphore, #tpu.memory_space<semaphore_mem>>)
    %run_scoped3A_80 = arith.constant 0 : i32
    %run_scoped3A_81 = arith.constant 24 : i32
    "tpu.region"() ({
      %run_scoped3A_242 = tpu.sem_alloc : memref<!tpu.dma_semaphore, #tpu.memory_space<semaphore_mem>>
      %dma_start3A_243 = arith.constant 0 : i32
      %dma_start3A_244 = arith.constant 0 : i32
      %dma_start3A_245 = tpu.memref_slice %arg11[%run_scoped3A_80, %dma_start3A_243, %dma_start3A_244] : memref<2x100x128xf32, #tpu.memory_space<vmem>> -> memref<1x100x128xf32, #tpu.memory_space<vmem>>
      %dma_start3A_246 = tpu.memref_squeeze %dma_start3A_245 : memref<1x100x128xf32, #tpu.memory_space<vmem>> -> memref<100x128xf32, #tpu.memory_space<vmem>>
      %dma_start3A_247 = arith.constant 0 : i32
      %dma_start3A_248 = tpu.memref_slice %arg8[%run_scoped3A_81, %dma_start3A_247] : memref<25x100xi32, #tpu.memory_space<vmem>> -> memref<1x100xi32, #tpu.memory_space<vmem>>
      %dma_start3A_249 = tpu.memref_squeeze %dma_start3A_248 : memref<1x100xi32, #tpu.memory_space<vmem>> -> memref<100xi32, #tpu.memory_space<vmem>>
      %dma_start3A_250 = arith.constant 0 : i32
      %dma_start3A_251 = arith.constant 0 : i32
      %dma_start3A_252 = tpu.memref_slice %arg15[%dma_start3A_250, %dma_start3A_251] : memref<10240x128xf32, #tpu.memory_space<vmem_shared>> -> memref<10240x128xf32, #tpu.memory_space<vmem_shared>>
      tpu.enqueue_indirect_dma source(%dma_start3A_246 : memref<100x128xf32, #tpu.memory_space<vmem>>) target(%dma_start3A_252 : memref<10240x128xf32, #tpu.memory_space<vmem_shared>>) offsets(%dma_start3A_249 : memref<100xi32, #tpu.memory_space<vmem>>) semaphore(%run_scoped3A_242 : memref<!tpu.dma_semaphore, #tpu.memory_space<semaphore_mem>>) {add = true}
      %dma_wait3A_253 = arith.constant 0 : i32
      %dma_wait3A_254 = arith.constant 0 : i32
      %dma_wait3A_255 = tpu.memref_slice %arg11[%run_scoped3A_80, %dma_wait3A_253, %dma_wait3A_254] : memref<2x100x128xf32, #tpu.memory_space<vmem>> -> memref<1x100x128xf32, #tpu.memory_space<vmem>>
      %dma_wait3A_256 = tpu.memref_squeeze %dma_wait3A_255 : memref<1x100x128xf32, #tpu.memory_space<vmem>> -> memref<100x128xf32, #tpu.memory_space<vmem>>
      %dma_wait3A_257 = arith.constant 0 : i32
      %dma_wait3A_258 = tpu.memref_slice %arg8[%run_scoped3A_81, %dma_wait3A_257] : memref<25x100xi32, #tpu.memory_space<vmem>> -> memref<1x100xi32, #tpu.memory_space<vmem>>
      %dma_wait3A_259 = tpu.memref_squeeze %dma_wait3A_258 : memref<1x100xi32, #tpu.memory_space<vmem>> -> memref<100xi32, #tpu.memory_space<vmem>>
      %dma_wait3A_260 = arith.constant 0 : i32
      %dma_wait3A_261 = arith.constant 0 : i32
      %dma_wait3A_262 = tpu.memref_slice %arg15[%dma_wait3A_260, %dma_wait3A_261] : memref<10240x128xf32, #tpu.memory_space<vmem_shared>> -> memref<10240x128xf32, #tpu.memory_space<vmem_shared>>
      tpu.wait_indirect_dma semaphore(%run_scoped3A_242 : memref<!tpu.dma_semaphore, #tpu.memory_space<semaphore_mem>>) src(%dma_wait3A_256 : memref<100x128xf32, #tpu.memory_space<vmem>>) dst(%dma_wait3A_262 : memref<10240x128xf32, #tpu.memory_space<vmem_shared>>)
      tpu.yield
    }) : () -> ()
    %dma_start3A_82 = arith.constant 2 : i32
    %dma_start3A_83 = arith.constant 0 : i32
    %dma_start3A_84 = arith.constant 0 : i32
    %dma_start3A_85 = tpu.memref_slice %arg3[%add3A, %dma_start3A_82, %dma_start3A_83, %dma_start3A_84] : memref<32x4x25x100xi32, #tpu.memory_space<hbm>> -> memref<1x1x25x100xi32, #tpu.memory_space<hbm>>
    %dma_start3A_86 = tpu.memref_squeeze %dma_start3A_85 : memref<1x1x25x100xi32, #tpu.memory_space<hbm>> -> memref<25x100xi32, #tpu.memory_space<hbm>>
    %dma_start3A_87 = arith.constant 0 : i32
    %dma_start3A_88 = arith.constant 0 : i32
    %dma_start3A_89 = tpu.memref_slice %arg3[%add3A, %dma_start3A_82, %dma_start3A_87, %dma_start3A_88] : memref<32x4x25x100xi32, #tpu.memory_space<hbm>> -> memref<1x1x25x100xi32, #tpu.memory_space<hbm>>
    %dma_start3A_90 = tpu.memref_squeeze %dma_start3A_89 : memref<1x1x25x100xi32, #tpu.memory_space<hbm>> -> memref<25x100xi32, #tpu.memory_space<hbm>>
    tpu.enqueue_dma source(%dma_start3A_90 : memref<25x100xi32, #tpu.memory_space<hbm>>) target(%arg7 : memref<25x100xi32, #tpu.memory_space<vmem>>) target_semaphore(%arg14 : memref<!tpu.dma_semaphore, #tpu.memory_space<semaphore_mem>>)
    %dma_start3A_91 = arith.constant 2 : i32
    %dma_start3A_92 = arith.constant 0 : i32
    %dma_start3A_93 = arith.constant 0 : i32
    %dma_start3A_94 = tpu.memref_slice %arg4[%add3A, %dma_start3A_91, %dma_start3A_92, %dma_start3A_93] : memref<32x4x25x100xi32, #tpu.memory_space<hbm>> -> memref<1x1x25x100xi32, #tpu.memory_space<hbm>>
    %dma_start3A_95 = tpu.memref_squeeze %dma_start3A_94 : memref<1x1x25x100xi32, #tpu.memory_space<hbm>> -> memref<25x100xi32, #tpu.memory_space<hbm>>
    %dma_start3A_96 = arith.constant 0 : i32
    %dma_start3A_97 = arith.constant 0 : i32
    %dma_start3A_98 = tpu.memref_slice %arg4[%add3A, %dma_start3A_91, %dma_start3A_96, %dma_start3A_97] : memref<32x4x25x100xi32, #tpu.memory_space<hbm>> -> memref<1x1x25x100xi32, #tpu.memory_space<hbm>>
    %dma_start3A_99 = tpu.memref_squeeze %dma_start3A_98 : memref<1x1x25x100xi32, #tpu.memory_space<hbm>> -> memref<25x100xi32, #tpu.memory_space<hbm>>
    tpu.enqueue_dma source(%dma_start3A_99 : memref<25x100xi32, #tpu.memory_space<hbm>>) target(%arg8 : memref<25x100xi32, #tpu.memory_space<vmem>>) target_semaphore(%arg14 : memref<!tpu.dma_semaphore, #tpu.memory_space<semaphore_mem>>)
    %scan3A_100 = arith.constant 1 : i32
    %scan3A_101 = arith.constant 0 : i32
    %scan3A_102 = arith.constant 0 : i32
    %scan3A_103 = arith.constant 12 : i32
    %scan3A_104 = arith.addi %scan3A_102, %scan3A_103 : i32
    %scan3A_105 = arith.constant 1 : i32
    scf.for %scan3A_242 = %scan3A_102 to %scan3A_104 step %scan3A_105  : i32 {
      %mul3A_243 = arith.constant 2 : i32
      %mul3A_244 = arith.muli %scan3A_242, %mul3A_243 : i32
      %add3A_245 = arith.constant 0 : i32
      %add3A_246 = arith.addi %add3A_245, %mul3A_244 : i32
      %dma_wait3A_247 = arith.constant 0 : i32
      %dma_wait3A_248 = arith.constant 0 : i32
      %dma_wait3A_249 = tpu.memref_slice %arg11[%scan3A_100, %dma_wait3A_247, %dma_wait3A_248] : memref<2x100x128xf32, #tpu.memory_space<vmem>> -> memref<1x100x128xf32, #tpu.memory_space<vmem>>
      %dma_wait3A_250 = tpu.memref_squeeze %dma_wait3A_249 : memref<1x100x128xf32, #tpu.memory_space<vmem>> -> memref<100x128xf32, #tpu.memory_space<vmem>>
      %dma_wait3A_251 = arith.constant 0 : i32
      %dma_wait3A_252 = tpu.memref_slice %arg9[%add3A_246, %dma_wait3A_251] : memref<25x100xi32, #tpu.memory_space<vmem>> -> memref<1x100xi32, #tpu.memory_space<vmem>>
      %dma_wait3A_253 = tpu.memref_squeeze %dma_wait3A_252 : memref<1x100xi32, #tpu.memory_space<vmem>> -> memref<100xi32, #tpu.memory_space<vmem>>
      %dma_wait3A_254 = arith.constant 0 : i32
      %dma_wait3A_255 = arith.constant 0 : i32
      %dma_wait3A_256 = tpu.memref_slice %arg2[%dma_wait3A_254, %dma_wait3A_255] : memref<10000x128xf32, #tpu.memory_space<hbm>> -> memref<10000x128xf32, #tpu.memory_space<hbm>>
      tpu.wait_indirect_dma semaphore(%arg13 : memref<!tpu.dma_semaphore, #tpu.memory_space<semaphore_mem>>) src(%dma_wait3A_256 : memref<10000x128xf32, #tpu.memory_space<hbm>>) dst(%dma_wait3A_250 : memref<100x128xf32, #tpu.memory_space<vmem>>)
      %add3A_257 = arith.constant 1 : i32
      %add3A_258 = arith.addi %add3A_246, %add3A_257 : i32
      %dma_start3A_259 = arith.constant 0 : i32
      %dma_start3A_260 = arith.constant 0 : i32
      %dma_start3A_261 = tpu.memref_slice %arg11[%scan3A_101, %dma_start3A_259, %dma_start3A_260] : memref<2x100x128xf32, #tpu.memory_space<vmem>> -> memref<1x100x128xf32, #tpu.memory_space<vmem>>
      %dma_start3A_262 = tpu.memref_squeeze %dma_start3A_261 : memref<1x100x128xf32, #tpu.memory_space<vmem>> -> memref<100x128xf32, #tpu.memory_space<vmem>>
      %dma_start3A_263 = arith.constant 0 : i32
      %dma_start3A_264 = tpu.memref_slice %arg9[%add3A_258, %dma_start3A_263] : memref<25x100xi32, #tpu.memory_space<vmem>> -> memref<1x100xi32, #tpu.memory_space<vmem>>
      %dma_start3A_265 = tpu.memref_squeeze %dma_start3A_264 : memref<1x100xi32, #tpu.memory_space<vmem>> -> memref<100xi32, #tpu.memory_space<vmem>>
      %dma_start3A_266 = arith.constant 0 : i32
      %dma_start3A_267 = arith.constant 0 : i32
      %dma_start3A_268 = tpu.memref_slice %arg2[%dma_start3A_266, %dma_start3A_267] : memref<10000x128xf32, #tpu.memory_space<hbm>> -> memref<10000x128xf32, #tpu.memory_space<hbm>>
      tpu.enqueue_indirect_dma source(%dma_start3A_268 : memref<10000x128xf32, #tpu.memory_space<hbm>>) target(%dma_start3A_262 : memref<100x128xf32, #tpu.memory_space<vmem>>) offsets(%dma_start3A_265 : memref<100xi32, #tpu.memory_space<vmem>>) semaphore(%arg12 : memref<!tpu.dma_semaphore, #tpu.memory_space<semaphore_mem>>)
      "tpu.region"() ({
        %run_scoped3A_295 = tpu.sem_alloc : memref<!tpu.dma_semaphore, #tpu.memory_space<semaphore_mem>>
        %dma_start3A_296 = arith.constant 0 : i32
        %dma_start3A_297 = arith.constant 0 : i32
        %dma_start3A_298 = tpu.memref_slice %arg11[%scan3A_100, %dma_start3A_296, %dma_start3A_297] : memref<2x100x128xf32, #tpu.memory_space<vmem>> -> memref<1x100x128xf32, #tpu.memory_space<vmem>>
        %dma_start3A_299 = tpu.memref_squeeze %dma_start3A_298 : memref<1x100x128xf32, #tpu.memory_space<vmem>> -> memref<100x128xf32, #tpu.memory_space<vmem>>
        %dma_start3A_300 = arith.constant 0 : i32
        %dma_start3A_301 = tpu.memref_slice %arg10[%add3A_246, %dma_start3A_300] : memref<25x100xi32, #tpu.memory_space<vmem>> -> memref<1x100xi32, #tpu.memory_space<vmem>>
        %dma_start3A_302 = tpu.memref_squeeze %dma_start3A_301 : memref<1x100xi32, #tpu.memory_space<vmem>> -> memref<100xi32, #tpu.memory_space<vmem>>
        %dma_start3A_303 = arith.constant 0 : i32
        %dma_start3A_304 = arith.constant 0 : i32
        %dma_start3A_305 = tpu.memref_slice %arg15[%dma_start3A_303, %dma_start3A_304] : memref<10240x128xf32, #tpu.memory_space<vmem_shared>> -> memref<10240x128xf32, #tpu.memory_space<vmem_shared>>
        tpu.enqueue_indirect_dma source(%dma_start3A_299 : memref<100x128xf32, #tpu.memory_space<vmem>>) target(%dma_start3A_305 : memref<10240x128xf32, #tpu.memory_space<vmem_shared>>) offsets(%dma_start3A_302 : memref<100xi32, #tpu.memory_space<vmem>>) semaphore(%run_scoped3A_295 : memref<!tpu.dma_semaphore, #tpu.memory_space<semaphore_mem>>) {add = true}
        %dma_wait3A_306 = arith.constant 0 : i32
        %dma_wait3A_307 = arith.constant 0 : i32
        %dma_wait3A_308 = tpu.memref_slice %arg11[%scan3A_100, %dma_wait3A_306, %dma_wait3A_307] : memref<2x100x128xf32, #tpu.memory_space<vmem>> -> memref<1x100x128xf32, #tpu.memory_space<vmem>>
        %dma_wait3A_309 = tpu.memref_squeeze %dma_wait3A_308 : memref<1x100x128xf32, #tpu.memory_space<vmem>> -> memref<100x128xf32, #tpu.memory_space<vmem>>
        %dma_wait3A_310 = arith.constant 0 : i32
        %dma_wait3A_311 = tpu.memref_slice %arg10[%add3A_246, %dma_wait3A_310] : memref<25x100xi32, #tpu.memory_space<vmem>> -> memref<1x100xi32, #tpu.memory_space<vmem>>
        %dma_wait3A_312 = tpu.memref_squeeze %dma_wait3A_311 : memref<1x100xi32, #tpu.memory_space<vmem>> -> memref<100xi32, #tpu.memory_space<vmem>>
        %dma_wait3A_313 = arith.constant 0 : i32
        %dma_wait3A_314 = arith.constant 0 : i32
        %dma_wait3A_315 = tpu.memref_slice %arg15[%dma_wait3A_313, %dma_wait3A_314] : memref<10240x128xf32, #tpu.memory_space<vmem_shared>> -> memref<10240x128xf32, #tpu.memory_space<vmem_shared>>
        tpu.wait_indirect_dma semaphore(%run_scoped3A_295 : memref<!tpu.dma_semaphore, #tpu.memory_space<semaphore_mem>>) src(%dma_wait3A_309 : memref<100x128xf32, #tpu.memory_space<vmem>>) dst(%dma_wait3A_315 : memref<10240x128xf32, #tpu.memory_space<vmem_shared>>)
        tpu.yield
      }) : () -> ()
      %add3A_269 = arith.constant 1 : i32
      %add3A_270 = arith.addi %add3A_246, %add3A_269 : i32
      %dma_wait3A_271 = arith.constant 0 : i32
      %dma_wait3A_272 = arith.constant 0 : i32
      %dma_wait3A_273 = tpu.memref_slice %arg11[%scan3A_101, %dma_wait3A_271, %dma_wait3A_272] : memref<2x100x128xf32, #tpu.memory_space<vmem>> -> memref<1x100x128xf32, #tpu.memory_space<vmem>>
      %dma_wait3A_274 = tpu.memref_squeeze %dma_wait3A_273 : memref<1x100x128xf32, #tpu.memory_space<vmem>> -> memref<100x128xf32, #tpu.memory_space<vmem>>
      %dma_wait3A_275 = arith.constant 0 : i32
      %dma_wait3A_276 = tpu.memref_slice %arg9[%add3A_270, %dma_wait3A_275] : memref<25x100xi32, #tpu.memory_space<vmem>> -> memref<1x100xi32, #tpu.memory_space<vmem>>
      %dma_wait3A_277 = tpu.memref_squeeze %dma_wait3A_276 : memref<1x100xi32, #tpu.memory_space<vmem>> -> memref<100xi32, #tpu.memory_space<vmem>>
      %dma_wait3A_278 = arith.constant 0 : i32
      %dma_wait3A_279 = arith.constant 0 : i32
      %dma_wait3A_280 = tpu.memref_slice %arg2[%dma_wait3A_278, %dma_wait3A_279] : memref<10000x128xf32, #tpu.memory_space<hbm>> -> memref<10000x128xf32, #tpu.memory_space<hbm>>
      tpu.wait_indirect_dma semaphore(%arg12 : memref<!tpu.dma_semaphore, #tpu.memory_space<semaphore_mem>>) src(%dma_wait3A_280 : memref<10000x128xf32, #tpu.memory_space<hbm>>) dst(%dma_wait3A_274 : memref<100x128xf32, #tpu.memory_space<vmem>>)
      %add3A_281 = arith.constant 2 : i32
      %add3A_282 = arith.addi %add3A_246, %add3A_281 : i32
      %dma_start3A_283 = arith.constant 0 : i32
      %dma_start3A_284 = arith.constant 0 : i32
      %dma_start3A_285 = tpu.memref_slice %arg11[%scan3A_100, %dma_start3A_283, %dma_start3A_284] : memref<2x100x128xf32, #tpu.memory_space<vmem>> -> memref<1x100x128xf32, #tpu.memory_space<vmem>>
      %dma_start3A_286 = tpu.memref_squeeze %dma_start3A_285 : memref<1x100x128xf32, #tpu.memory_space<vmem>> -> memref<100x128xf32, #tpu.memory_space<vmem>>
      %dma_start3A_287 = arith.constant 0 : i32
      %dma_start3A_288 = tpu.memref_slice %arg9[%add3A_282, %dma_start3A_287] : memref<25x100xi32, #tpu.memory_space<vmem>> -> memref<1x100xi32, #tpu.memory_space<vmem>>
      %dma_start3A_289 = tpu.memref_squeeze %dma_start3A_288 : memref<1x100xi32, #tpu.memory_space<vmem>> -> memref<100xi32, #tpu.memory_space<vmem>>
      %dma_start3A_290 = arith.constant 0 : i32
      %dma_start3A_291 = arith.constant 0 : i32
      %dma_start3A_292 = tpu.memref_slice %arg2[%dma_start3A_290, %dma_start3A_291] : memref<10000x128xf32, #tpu.memory_space<hbm>> -> memref<10000x128xf32, #tpu.memory_space<hbm>>
      tpu.enqueue_indirect_dma source(%dma_start3A_292 : memref<10000x128xf32, #tpu.memory_space<hbm>>) target(%dma_start3A_286 : memref<100x128xf32, #tpu.memory_space<vmem>>) offsets(%dma_start3A_289 : memref<100xi32, #tpu.memory_space<vmem>>) semaphore(%arg13 : memref<!tpu.dma_semaphore, #tpu.memory_space<semaphore_mem>>)
      %add3A_293 = arith.constant 1 : i32
      %add3A_294 = arith.addi %add3A_246, %add3A_293 : i32
      "tpu.region"() ({
        %run_scoped3A_295 = tpu.sem_alloc : memref<!tpu.dma_semaphore, #tpu.memory_space<semaphore_mem>>
        %dma_start3A_296 = arith.constant 0 : i32
        %dma_start3A_297 = arith.constant 0 : i32
        %dma_start3A_298 = tpu.memref_slice %arg11[%scan3A_101, %dma_start3A_296, %dma_start3A_297] : memref<2x100x128xf32, #tpu.memory_space<vmem>> -> memref<1x100x128xf32, #tpu.memory_space<vmem>>
        %dma_start3A_299 = tpu.memref_squeeze %dma_start3A_298 : memref<1x100x128xf32, #tpu.memory_space<vmem>> -> memref<100x128xf32, #tpu.memory_space<vmem>>
        %dma_start3A_300 = arith.constant 0 : i32
        %dma_start3A_301 = tpu.memref_slice %arg10[%add3A_294, %dma_start3A_300] : memref<25x100xi32, #tpu.memory_space<vmem>> -> memref<1x100xi32, #tpu.memory_space<vmem>>
        %dma_start3A_302 = tpu.memref_squeeze %dma_start3A_301 : memref<1x100xi32, #tpu.memory_space<vmem>> -> memref<100xi32, #tpu.memory_space<vmem>>
        %dma_start3A_303 = arith.constant 0 : i32
        %dma_start3A_304 = arith.constant 0 : i32
        %dma_start3A_305 = tpu.memref_slice %arg15[%dma_start3A_303, %dma_start3A_304] : memref<10240x128xf32, #tpu.memory_space<vmem_shared>> -> memref<10240x128xf32, #tpu.memory_space<vmem_shared>>
        tpu.enqueue_indirect_dma source(%dma_start3A_299 : memref<100x128xf32, #tpu.memory_space<vmem>>) target(%dma_start3A_305 : memref<10240x128xf32, #tpu.memory_space<vmem_shared>>) offsets(%dma_start3A_302 : memref<100xi32, #tpu.memory_space<vmem>>) semaphore(%run_scoped3A_295 : memref<!tpu.dma_semaphore, #tpu.memory_space<semaphore_mem>>) {add = true}
        %dma_wait3A_306 = arith.constant 0 : i32
        %dma_wait3A_307 = arith.constant 0 : i32
        %dma_wait3A_308 = tpu.memref_slice %arg11[%scan3A_101, %dma_wait3A_306, %dma_wait3A_307] : memref<2x100x128xf32, #tpu.memory_space<vmem>> -> memref<1x100x128xf32, #tpu.memory_space<vmem>>
        %dma_wait3A_309 = tpu.memref_squeeze %dma_wait3A_308 : memref<1x100x128xf32, #tpu.memory_space<vmem>> -> memref<100x128xf32, #tpu.memory_space<vmem>>
        %dma_wait3A_310 = arith.constant 0 : i32
        %dma_wait3A_311 = tpu.memref_slice %arg10[%add3A_294, %dma_wait3A_310] : memref<25x100xi32, #tpu.memory_space<vmem>> -> memref<1x100xi32, #tpu.memory_space<vmem>>
        %dma_wait3A_312 = tpu.memref_squeeze %dma_wait3A_311 : memref<1x100xi32, #tpu.memory_space<vmem>> -> memref<100xi32, #tpu.memory_space<vmem>>
        %dma_wait3A_313 = arith.constant 0 : i32
        %dma_wait3A_314 = arith.constant 0 : i32
        %dma_wait3A_315 = tpu.memref_slice %arg15[%dma_wait3A_313, %dma_wait3A_314] : memref<10240x128xf32, #tpu.memory_space<vmem_shared>> -> memref<10240x128xf32, #tpu.memory_space<vmem_shared>>
        tpu.wait_indirect_dma semaphore(%run_scoped3A_295 : memref<!tpu.dma_semaphore, #tpu.memory_space<semaphore_mem>>) src(%dma_wait3A_309 : memref<100x128xf32, #tpu.memory_space<vmem>>) dst(%dma_wait3A_315 : memref<10240x128xf32, #tpu.memory_space<vmem_shared>>)
        tpu.yield
      }) : () -> ()
    }
    %scan3A_106 = arith.constant 12 : i32
    %dma_wait3A_107 = arith.constant 24 : i32
    %dma_wait3A_108 = arith.constant 1 : i32
    %dma_wait3A_109 = arith.constant 0 : i32
    %dma_wait3A_110 = arith.constant 0 : i32
    %dma_wait3A_111 = tpu.memref_slice %arg11[%dma_wait3A_108, %dma_wait3A_109, %dma_wait3A_110] : memref<2x100x128xf32, #tpu.memory_space<vmem>> -> memref<1x100x128xf32, #tpu.memory_space<vmem>>
    %dma_wait3A_112 = tpu.memref_squeeze %dma_wait3A_111 : memref<1x100x128xf32, #tpu.memory_space<vmem>> -> memref<100x128xf32, #tpu.memory_space<vmem>>
    %dma_wait3A_113 = arith.constant 0 : i32
    %dma_wait3A_114 = tpu.memref_slice %arg9[%dma_wait3A_107, %dma_wait3A_113] : memref<25x100xi32, #tpu.memory_space<vmem>> -> memref<1x100xi32, #tpu.memory_space<vmem>>
    %dma_wait3A_115 = tpu.memref_squeeze %dma_wait3A_114 : memref<1x100xi32, #tpu.memory_space<vmem>> -> memref<100xi32, #tpu.memory_space<vmem>>
    %dma_wait3A_116 = arith.constant 0 : i32
    %dma_wait3A_117 = arith.constant 0 : i32
    %dma_wait3A_118 = tpu.memref_slice %arg2[%dma_wait3A_116, %dma_wait3A_117] : memref<10000x128xf32, #tpu.memory_space<hbm>> -> memref<10000x128xf32, #tpu.memory_space<hbm>>
    tpu.wait_indirect_dma semaphore(%arg13 : memref<!tpu.dma_semaphore, #tpu.memory_space<semaphore_mem>>) src(%dma_wait3A_118 : memref<10000x128xf32, #tpu.memory_space<hbm>>) dst(%dma_wait3A_112 : memref<100x128xf32, #tpu.memory_space<vmem>>)
    %dma_wait3A_119 = arith.constant 2 : i32
    %dma_wait3A_120 = arith.constant 0 : i32
    %dma_wait3A_121 = arith.constant 0 : i32
    %dma_wait3A_122 = tpu.memref_slice %arg3[%add3A, %dma_wait3A_119, %dma_wait3A_120, %dma_wait3A_121] : memref<32x4x25x100xi32, #tpu.memory_space<hbm>> -> memref<1x1x25x100xi32, #tpu.memory_space<hbm>>
    %dma_wait3A_123 = tpu.memref_squeeze %dma_wait3A_122 : memref<1x1x25x100xi32, #tpu.memory_space<hbm>> -> memref<25x100xi32, #tpu.memory_space<hbm>>
    %dma_wait3A_124 = arith.constant 0 : i32
    %dma_wait3A_125 = arith.constant 0 : i32
    %dma_wait3A_126 = tpu.memref_slice %arg3[%add3A, %dma_wait3A_119, %dma_wait3A_124, %dma_wait3A_125] : memref<32x4x25x100xi32, #tpu.memory_space<hbm>> -> memref<1x1x25x100xi32, #tpu.memory_space<hbm>>
    %dma_wait3A_127 = tpu.memref_squeeze %dma_wait3A_126 : memref<1x1x25x100xi32, #tpu.memory_space<hbm>> -> memref<25x100xi32, #tpu.memory_space<hbm>>
    tpu.wait_dma2 semaphore(%arg14 : memref<!tpu.dma_semaphore, #tpu.memory_space<semaphore_mem>>) src(%dma_wait3A_127 : memref<25x100xi32, #tpu.memory_space<hbm>>) dst(%arg7 : memref<25x100xi32, #tpu.memory_space<vmem>>)
    %dma_wait3A_128 = arith.constant 2 : i32
    %dma_wait3A_129 = arith.constant 0 : i32
    %dma_wait3A_130 = arith.constant 0 : i32
    %dma_wait3A_131 = tpu.memref_slice %arg4[%add3A, %dma_wait3A_128, %dma_wait3A_129, %dma_wait3A_130] : memref<32x4x25x100xi32, #tpu.memory_space<hbm>> -> memref<1x1x25x100xi32, #tpu.memory_space<hbm>>
    %dma_wait3A_132 = tpu.memref_squeeze %dma_wait3A_131 : memref<1x1x25x100xi32, #tpu.memory_space<hbm>> -> memref<25x100xi32, #tpu.memory_space<hbm>>
    %dma_wait3A_133 = arith.constant 0 : i32
    %dma_wait3A_134 = arith.constant 0 : i32
    %dma_wait3A_135 = tpu.memref_slice %arg4[%add3A, %dma_wait3A_128, %dma_wait3A_133, %dma_wait3A_134] : memref<32x4x25x100xi32, #tpu.memory_space<hbm>> -> memref<1x1x25x100xi32, #tpu.memory_space<hbm>>
    %dma_wait3A_136 = tpu.memref_squeeze %dma_wait3A_135 : memref<1x1x25x100xi32, #tpu.memory_space<hbm>> -> memref<25x100xi32, #tpu.memory_space<hbm>>
    tpu.wait_dma2 semaphore(%arg14 : memref<!tpu.dma_semaphore, #tpu.memory_space<semaphore_mem>>) src(%dma_wait3A_136 : memref<25x100xi32, #tpu.memory_space<hbm>>) dst(%arg8 : memref<25x100xi32, #tpu.memory_space<vmem>>)
    %dma_start3A_137 = arith.constant 0 : i32
    %dma_start3A_138 = arith.constant 0 : i32
    %dma_start3A_139 = arith.constant 0 : i32
    %dma_start3A_140 = arith.constant 0 : i32
    %dma_start3A_141 = tpu.memref_slice %arg11[%dma_start3A_138, %dma_start3A_139, %dma_start3A_140] : memref<2x100x128xf32, #tpu.memory_space<vmem>> -> memref<1x100x128xf32, #tpu.memory_space<vmem>>
    %dma_start3A_142 = tpu.memref_squeeze %dma_start3A_141 : memref<1x100x128xf32, #tpu.memory_space<vmem>> -> memref<100x128xf32, #tpu.memory_space<vmem>>
    %dma_start3A_143 = arith.constant 0 : i32
    %dma_start3A_144 = tpu.memref_slice %arg7[%dma_start3A_137, %dma_start3A_143] : memref<25x100xi32, #tpu.memory_space<vmem>> -> memref<1x100xi32, #tpu.memory_space<vmem>>
    %dma_start3A_145 = tpu.memref_squeeze %dma_start3A_144 : memref<1x100xi32, #tpu.memory_space<vmem>> -> memref<100xi32, #tpu.memory_space<vmem>>
    %dma_start3A_146 = arith.constant 0 : i32
    %dma_start3A_147 = arith.constant 0 : i32
    %dma_start3A_148 = tpu.memref_slice %arg2[%dma_start3A_146, %dma_start3A_147] : memref<10000x128xf32, #tpu.memory_space<hbm>> -> memref<10000x128xf32, #tpu.memory_space<hbm>>
    tpu.enqueue_indirect_dma source(%dma_start3A_148 : memref<10000x128xf32, #tpu.memory_space<hbm>>) target(%dma_start3A_142 : memref<100x128xf32, #tpu.memory_space<vmem>>) offsets(%dma_start3A_145 : memref<100xi32, #tpu.memory_space<vmem>>) semaphore(%arg12 : memref<!tpu.dma_semaphore, #tpu.memory_space<semaphore_mem>>)
    %run_scoped3A_149 = arith.constant 1 : i32
    %run_scoped3A_150 = arith.constant 24 : i32
    "tpu.region"() ({
      %run_scoped3A_242 = tpu.sem_alloc : memref<!tpu.dma_semaphore, #tpu.memory_space<semaphore_mem>>
      %dma_start3A_243 = arith.constant 0 : i32
      %dma_start3A_244 = arith.constant 0 : i32
      %dma_start3A_245 = tpu.memref_slice %arg11[%run_scoped3A_149, %dma_start3A_243, %dma_start3A_244] : memref<2x100x128xf32, #tpu.memory_space<vmem>> -> memref<1x100x128xf32, #tpu.memory_space<vmem>>
      %dma_start3A_246 = tpu.memref_squeeze %dma_start3A_245 : memref<1x100x128xf32, #tpu.memory_space<vmem>> -> memref<100x128xf32, #tpu.memory_space<vmem>>
      %dma_start3A_247 = arith.constant 0 : i32
      %dma_start3A_248 = tpu.memref_slice %arg10[%run_scoped3A_150, %dma_start3A_247] : memref<25x100xi32, #tpu.memory_space<vmem>> -> memref<1x100xi32, #tpu.memory_space<vmem>>
      %dma_start3A_249 = tpu.memref_squeeze %dma_start3A_248 : memref<1x100xi32, #tpu.memory_space<vmem>> -> memref<100xi32, #tpu.memory_space<vmem>>
      %dma_start3A_250 = arith.constant 0 : i32
      %dma_start3A_251 = arith.constant 0 : i32
      %dma_start3A_252 = tpu.memref_slice %arg15[%dma_start3A_250, %dma_start3A_251] : memref<10240x128xf32, #tpu.memory_space<vmem_shared>> -> memref<10240x128xf32, #tpu.memory_space<vmem_shared>>
      tpu.enqueue_indirect_dma source(%dma_start3A_246 : memref<100x128xf32, #tpu.memory_space<vmem>>) target(%dma_start3A_252 : memref<10240x128xf32, #tpu.memory_space<vmem_shared>>) offsets(%dma_start3A_249 : memref<100xi32, #tpu.memory_space<vmem>>) semaphore(%run_scoped3A_242 : memref<!tpu.dma_semaphore, #tpu.memory_space<semaphore_mem>>) {add = true}
      %dma_wait3A_253 = arith.constant 0 : i32
      %dma_wait3A_254 = arith.constant 0 : i32
      %dma_wait3A_255 = tpu.memref_slice %arg11[%run_scoped3A_149, %dma_wait3A_253, %dma_wait3A_254] : memref<2x100x128xf32, #tpu.memory_space<vmem>> -> memref<1x100x128xf32, #tpu.memory_space<vmem>>
      %dma_wait3A_256 = tpu.memref_squeeze %dma_wait3A_255 : memref<1x100x128xf32, #tpu.memory_space<vmem>> -> memref<100x128xf32, #tpu.memory_space<vmem>>
      %dma_wait3A_257 = arith.constant 0 : i32
      %dma_wait3A_258 = tpu.memref_slice %arg10[%run_scoped3A_150, %dma_wait3A_257] : memref<25x100xi32, #tpu.memory_space<vmem>> -> memref<1x100xi32, #tpu.memory_space<vmem>>
      %dma_wait3A_259 = tpu.memref_squeeze %dma_wait3A_258 : memref<1x100xi32, #tpu.memory_space<vmem>> -> memref<100xi32, #tpu.memory_space<vmem>>
      %dma_wait3A_260 = arith.constant 0 : i32
      %dma_wait3A_261 = arith.constant 0 : i32
      %dma_wait3A_262 = tpu.memref_slice %arg15[%dma_wait3A_260, %dma_wait3A_261] : memref<10240x128xf32, #tpu.memory_space<vmem_shared>> -> memref<10240x128xf32, #tpu.memory_space<vmem_shared>>
      tpu.wait_indirect_dma semaphore(%run_scoped3A_242 : memref<!tpu.dma_semaphore, #tpu.memory_space<semaphore_mem>>) src(%dma_wait3A_256 : memref<100x128xf32, #tpu.memory_space<vmem>>) dst(%dma_wait3A_262 : memref<10240x128xf32, #tpu.memory_space<vmem_shared>>)
      tpu.yield
    }) : () -> ()
    %dma_start3A_151 = arith.constant 3 : i32
    %dma_start3A_152 = arith.constant 0 : i32
    %dma_start3A_153 = arith.constant 0 : i32
    %dma_start3A_154 = tpu.memref_slice %arg3[%add3A, %dma_start3A_151, %dma_start3A_152, %dma_start3A_153] : memref<32x4x25x100xi32, #tpu.memory_space<hbm>> -> memref<1x1x25x100xi32, #tpu.memory_space<hbm>>
    %dma_start3A_155 = tpu.memref_squeeze %dma_start3A_154 : memref<1x1x25x100xi32, #tpu.memory_space<hbm>> -> memref<25x100xi32, #tpu.memory_space<hbm>>
    %dma_start3A_156 = arith.constant 0 : i32
    %dma_start3A_157 = arith.constant 0 : i32
    %dma_start3A_158 = tpu.memref_slice %arg3[%add3A, %dma_start3A_151, %dma_start3A_156, %dma_start3A_157] : memref<32x4x25x100xi32, #tpu.memory_space<hbm>> -> memref<1x1x25x100xi32, #tpu.memory_space<hbm>>
    %dma_start3A_159 = tpu.memref_squeeze %dma_start3A_158 : memref<1x1x25x100xi32, #tpu.memory_space<hbm>> -> memref<25x100xi32, #tpu.memory_space<hbm>>
    tpu.enqueue_dma source(%dma_start3A_159 : memref<25x100xi32, #tpu.memory_space<hbm>>) target(%arg9 : memref<25x100xi32, #tpu.memory_space<vmem>>) target_semaphore(%arg14 : memref<!tpu.dma_semaphore, #tpu.memory_space<semaphore_mem>>)
    %dma_start3A_160 = arith.constant 3 : i32
    %dma_start3A_161 = arith.constant 0 : i32
    %dma_start3A_162 = arith.constant 0 : i32
    %dma_start3A_163 = tpu.memref_slice %arg4[%add3A, %dma_start3A_160, %dma_start3A_161, %dma_start3A_162] : memref<32x4x25x100xi32, #tpu.memory_space<hbm>> -> memref<1x1x25x100xi32, #tpu.memory_space<hbm>>
    %dma_start3A_164 = tpu.memref_squeeze %dma_start3A_163 : memref<1x1x25x100xi32, #tpu.memory_space<hbm>> -> memref<25x100xi32, #tpu.memory_space<hbm>>
    %dma_start3A_165 = arith.constant 0 : i32
    %dma_start3A_166 = arith.constant 0 : i32
    %dma_start3A_167 = tpu.memref_slice %arg4[%add3A, %dma_start3A_160, %dma_start3A_165, %dma_start3A_166] : memref<32x4x25x100xi32, #tpu.memory_space<hbm>> -> memref<1x1x25x100xi32, #tpu.memory_space<hbm>>
    %dma_start3A_168 = tpu.memref_squeeze %dma_start3A_167 : memref<1x1x25x100xi32, #tpu.memory_space<hbm>> -> memref<25x100xi32, #tpu.memory_space<hbm>>
    tpu.enqueue_dma source(%dma_start3A_168 : memref<25x100xi32, #tpu.memory_space<hbm>>) target(%arg10 : memref<25x100xi32, #tpu.memory_space<vmem>>) target_semaphore(%arg14 : memref<!tpu.dma_semaphore, #tpu.memory_space<semaphore_mem>>)
    %scan3A_169 = arith.constant 0 : i32
    %scan3A_170 = arith.constant 1 : i32
    %scan3A_171 = arith.constant 0 : i32
    %scan3A_172 = arith.constant 12 : i32
    %scan3A_173 = arith.addi %scan3A_171, %scan3A_172 : i32
    %scan3A_174 = arith.constant 1 : i32
    scf.for %scan3A_242 = %scan3A_171 to %scan3A_173 step %scan3A_174  : i32 {
      %mul3A_243 = arith.constant 2 : i32
      %mul3A_244 = arith.muli %scan3A_242, %mul3A_243 : i32
      %add3A_245 = arith.constant 0 : i32
      %add3A_246 = arith.addi %add3A_245, %mul3A_244 : i32
      %dma_wait3A_247 = arith.constant 0 : i32
      %dma_wait3A_248 = arith.constant 0 : i32
      %dma_wait3A_249 = tpu.memref_slice %arg11[%scan3A_169, %dma_wait3A_247, %dma_wait3A_248] : memref<2x100x128xf32, #tpu.memory_space<vmem>> -> memref<1x100x128xf32, #tpu.memory_space<vmem>>
      %dma_wait3A_250 = tpu.memref_squeeze %dma_wait3A_249 : memref<1x100x128xf32, #tpu.memory_space<vmem>> -> memref<100x128xf32, #tpu.memory_space<vmem>>
      %dma_wait3A_251 = arith.constant 0 : i32
      %dma_wait3A_252 = tpu.memref_slice %arg7[%add3A_246, %dma_wait3A_251] : memref<25x100xi32, #tpu.memory_space<vmem>> -> memref<1x100xi32, #tpu.memory_space<vmem>>
      %dma_wait3A_253 = tpu.memref_squeeze %dma_wait3A_252 : memref<1x100xi32, #tpu.memory_space<vmem>> -> memref<100xi32, #tpu.memory_space<vmem>>
      %dma_wait3A_254 = arith.constant 0 : i32
      %dma_wait3A_255 = arith.constant 0 : i32
      %dma_wait3A_256 = tpu.memref_slice %arg2[%dma_wait3A_254, %dma_wait3A_255] : memref<10000x128xf32, #tpu.memory_space<hbm>> -> memref<10000x128xf32, #tpu.memory_space<hbm>>
      tpu.wait_indirect_dma semaphore(%arg12 : memref<!tpu.dma_semaphore, #tpu.memory_space<semaphore_mem>>) src(%dma_wait3A_256 : memref<10000x128xf32, #tpu.memory_space<hbm>>) dst(%dma_wait3A_250 : memref<100x128xf32, #tpu.memory_space<vmem>>)
      %add3A_257 = arith.constant 1 : i32
      %add3A_258 = arith.addi %add3A_246, %add3A_257 : i32
      %dma_start3A_259 = arith.constant 0 : i32
      %dma_start3A_260 = arith.constant 0 : i32
      %dma_start3A_261 = tpu.memref_slice %arg11[%scan3A_170, %dma_start3A_259, %dma_start3A_260] : memref<2x100x128xf32, #tpu.memory_space<vmem>> -> memref<1x100x128xf32, #tpu.memory_space<vmem>>
      %dma_start3A_262 = tpu.memref_squeeze %dma_start3A_261 : memref<1x100x128xf32, #tpu.memory_space<vmem>> -> memref<100x128xf32, #tpu.memory_space<vmem>>
      %dma_start3A_263 = arith.constant 0 : i32
      %dma_start3A_264 = tpu.memref_slice %arg7[%add3A_258, %dma_start3A_263] : memref<25x100xi32, #tpu.memory_space<vmem>> -> memref<1x100xi32, #tpu.memory_space<vmem>>
      %dma_start3A_265 = tpu.memref_squeeze %dma_start3A_264 : memref<1x100xi32, #tpu.memory_space<vmem>> -> memref<100xi32, #tpu.memory_space<vmem>>
      %dma_start3A_266 = arith.constant 0 : i32
      %dma_start3A_267 = arith.constant 0 : i32
      %dma_start3A_268 = tpu.memref_slice %arg2[%dma_start3A_266, %dma_start3A_267] : memref<10000x128xf32, #tpu.memory_space<hbm>> -> memref<10000x128xf32, #tpu.memory_space<hbm>>
      tpu.enqueue_indirect_dma source(%dma_start3A_268 : memref<10000x128xf32, #tpu.memory_space<hbm>>) target(%dma_start3A_262 : memref<100x128xf32, #tpu.memory_space<vmem>>) offsets(%dma_start3A_265 : memref<100xi32, #tpu.memory_space<vmem>>) semaphore(%arg13 : memref<!tpu.dma_semaphore, #tpu.memory_space<semaphore_mem>>)
      "tpu.region"() ({
        %run_scoped3A_295 = tpu.sem_alloc : memref<!tpu.dma_semaphore, #tpu.memory_space<semaphore_mem>>
        %dma_start3A_296 = arith.constant 0 : i32
        %dma_start3A_297 = arith.constant 0 : i32
        %dma_start3A_298 = tpu.memref_slice %arg11[%scan3A_169, %dma_start3A_296, %dma_start3A_297] : memref<2x100x128xf32, #tpu.memory_space<vmem>> -> memref<1x100x128xf32, #tpu.memory_space<vmem>>
        %dma_start3A_299 = tpu.memref_squeeze %dma_start3A_298 : memref<1x100x128xf32, #tpu.memory_space<vmem>> -> memref<100x128xf32, #tpu.memory_space<vmem>>
        %dma_start3A_300 = arith.constant 0 : i32
        %dma_start3A_301 = tpu.memref_slice %arg8[%add3A_246, %dma_start3A_300] : memref<25x100xi32, #tpu.memory_space<vmem>> -> memref<1x100xi32, #tpu.memory_space<vmem>>
        %dma_start3A_302 = tpu.memref_squeeze %dma_start3A_301 : memref<1x100xi32, #tpu.memory_space<vmem>> -> memref<100xi32, #tpu.memory_space<vmem>>
        %dma_start3A_303 = arith.constant 0 : i32
        %dma_start3A_304 = arith.constant 0 : i32
        %dma_start3A_305 = tpu.memref_slice %arg15[%dma_start3A_303, %dma_start3A_304] : memref<10240x128xf32, #tpu.memory_space<vmem_shared>> -> memref<10240x128xf32, #tpu.memory_space<vmem_shared>>
        tpu.enqueue_indirect_dma source(%dma_start3A_299 : memref<100x128xf32, #tpu.memory_space<vmem>>) target(%dma_start3A_305 : memref<10240x128xf32, #tpu.memory_space<vmem_shared>>) offsets(%dma_start3A_302 : memref<100xi32, #tpu.memory_space<vmem>>) semaphore(%run_scoped3A_295 : memref<!tpu.dma_semaphore, #tpu.memory_space<semaphore_mem>>) {add = true}
        %dma_wait3A_306 = arith.constant 0 : i32
        %dma_wait3A_307 = arith.constant 0 : i32
        %dma_wait3A_308 = tpu.memref_slice %arg11[%scan3A_169, %dma_wait3A_306, %dma_wait3A_307] : memref<2x100x128xf32, #tpu.memory_space<vmem>> -> memref<1x100x128xf32, #tpu.memory_space<vmem>>
        %dma_wait3A_309 = tpu.memref_squeeze %dma_wait3A_308 : memref<1x100x128xf32, #tpu.memory_space<vmem>> -> memref<100x128xf32, #tpu.memory_space<vmem>>
        %dma_wait3A_310 = arith.constant 0 : i32
        %dma_wait3A_311 = tpu.memref_slice %arg8[%add3A_246, %dma_wait3A_310] : memref<25x100xi32, #tpu.memory_space<vmem>> -> memref<1x100xi32, #tpu.memory_space<vmem>>
        %dma_wait3A_312 = tpu.memref_squeeze %dma_wait3A_311 : memref<1x100xi32, #tpu.memory_space<vmem>> -> memref<100xi32, #tpu.memory_space<vmem>>
        %dma_wait3A_313 = arith.constant 0 : i32
        %dma_wait3A_314 = arith.constant 0 : i32
        %dma_wait3A_315 = tpu.memref_slice %arg15[%dma_wait3A_313, %dma_wait3A_314] : memref<10240x128xf32, #tpu.memory_space<vmem_shared>> -> memref<10240x128xf32, #tpu.memory_space<vmem_shared>>
        tpu.wait_indirect_dma semaphore(%run_scoped3A_295 : memref<!tpu.dma_semaphore, #tpu.memory_space<semaphore_mem>>) src(%dma_wait3A_309 : memref<100x128xf32, #tpu.memory_space<vmem>>) dst(%dma_wait3A_315 : memref<10240x128xf32, #tpu.memory_space<vmem_shared>>)
        tpu.yield
      }) : () -> ()
      %add3A_269 = arith.constant 1 : i32
      %add3A_270 = arith.addi %add3A_246, %add3A_269 : i32
      %dma_wait3A_271 = arith.constant 0 : i32
      %dma_wait3A_272 = arith.constant 0 : i32
      %dma_wait3A_273 = tpu.memref_slice %arg11[%scan3A_170, %dma_wait3A_271, %dma_wait3A_272] : memref<2x100x128xf32, #tpu.memory_space<vmem>> -> memref<1x100x128xf32, #tpu.memory_space<vmem>>
      %dma_wait3A_274 = tpu.memref_squeeze %dma_wait3A_273 : memref<1x100x128xf32, #tpu.memory_space<vmem>> -> memref<100x128xf32, #tpu.memory_space<vmem>>
      %dma_wait3A_275 = arith.constant 0 : i32
      %dma_wait3A_276 = tpu.memref_slice %arg7[%add3A_270, %dma_wait3A_275] : memref<25x100xi32, #tpu.memory_space<vmem>> -> memref<1x100xi32, #tpu.memory_space<vmem>>
      %dma_wait3A_277 = tpu.memref_squeeze %dma_wait3A_276 : memref<1x100xi32, #tpu.memory_space<vmem>> -> memref<100xi32, #tpu.memory_space<vmem>>
      %dma_wait3A_278 = arith.constant 0 : i32
      %dma_wait3A_279 = arith.constant 0 : i32
      %dma_wait3A_280 = tpu.memref_slice %arg2[%dma_wait3A_278, %dma_wait3A_279] : memref<10000x128xf32, #tpu.memory_space<hbm>> -> memref<10000x128xf32, #tpu.memory_space<hbm>>
      tpu.wait_indirect_dma semaphore(%arg13 : memref<!tpu.dma_semaphore, #tpu.memory_space<semaphore_mem>>) src(%dma_wait3A_280 : memref<10000x128xf32, #tpu.memory_space<hbm>>) dst(%dma_wait3A_274 : memref<100x128xf32, #tpu.memory_space<vmem>>)
      %add3A_281 = arith.constant 2 : i32
      %add3A_282 = arith.addi %add3A_246, %add3A_281 : i32
      %dma_start3A_283 = arith.constant 0 : i32
      %dma_start3A_284 = arith.constant 0 : i32
      %dma_start3A_285 = tpu.memref_slice %arg11[%scan3A_169, %dma_start3A_283, %dma_start3A_284] : memref<2x100x128xf32, #tpu.memory_space<vmem>> -> memref<1x100x128xf32, #tpu.memory_space<vmem>>
      %dma_start3A_286 = tpu.memref_squeeze %dma_start3A_285 : memref<1x100x128xf32, #tpu.memory_space<vmem>> -> memref<100x128xf32, #tpu.memory_space<vmem>>
      %dma_start3A_287 = arith.constant 0 : i32
      %dma_start3A_288 = tpu.memref_slice %arg7[%add3A_282, %dma_start3A_287] : memref<25x100xi32, #tpu.memory_space<vmem>> -> memref<1x100xi32, #tpu.memory_space<vmem>>
      %dma_start3A_289 = tpu.memref_squeeze %dma_start3A_288 : memref<1x100xi32, #tpu.memory_space<vmem>> -> memref<100xi32, #tpu.memory_space<vmem>>
      %dma_start3A_290 = arith.constant 0 : i32
      %dma_start3A_291 = arith.constant 0 : i32
      %dma_start3A_292 = tpu.memref_slice %arg2[%dma_start3A_290, %dma_start3A_291] : memref<10000x128xf32, #tpu.memory_space<hbm>> -> memref<10000x128xf32, #tpu.memory_space<hbm>>
      tpu.enqueue_indirect_dma source(%dma_start3A_292 : memref<10000x128xf32, #tpu.memory_space<hbm>>) target(%dma_start3A_286 : memref<100x128xf32, #tpu.memory_space<vmem>>) offsets(%dma_start3A_289 : memref<100xi32, #tpu.memory_space<vmem>>) semaphore(%arg12 : memref<!tpu.dma_semaphore, #tpu.memory_space<semaphore_mem>>)
      %add3A_293 = arith.constant 1 : i32
      %add3A_294 = arith.addi %add3A_246, %add3A_293 : i32
      "tpu.region"() ({
        %run_scoped3A_295 = tpu.sem_alloc : memref<!tpu.dma_semaphore, #tpu.memory_space<semaphore_mem>>
        %dma_start3A_296 = arith.constant 0 : i32
        %dma_start3A_297 = arith.constant 0 : i32
        %dma_start3A_298 = tpu.memref_slice %arg11[%scan3A_170, %dma_start3A_296, %dma_start3A_297] : memref<2x100x128xf32, #tpu.memory_space<vmem>> -> memref<1x100x128xf32, #tpu.memory_space<vmem>>
        %dma_start3A_299 = tpu.memref_squeeze %dma_start3A_298 : memref<1x100x128xf32, #tpu.memory_space<vmem>> -> memref<100x128xf32, #tpu.memory_space<vmem>>
        %dma_start3A_300 = arith.constant 0 : i32
        %dma_start3A_301 = tpu.memref_slice %arg8[%add3A_294, %dma_start3A_300] : memref<25x100xi32, #tpu.memory_space<vmem>> -> memref<1x100xi32, #tpu.memory_space<vmem>>
        %dma_start3A_302 = tpu.memref_squeeze %dma_start3A_301 : memref<1x100xi32, #tpu.memory_space<vmem>> -> memref<100xi32, #tpu.memory_space<vmem>>
        %dma_start3A_303 = arith.constant 0 : i32
        %dma_start3A_304 = arith.constant 0 : i32
        %dma_start3A_305 = tpu.memref_slice %arg15[%dma_start3A_303, %dma_start3A_304] : memref<10240x128xf32, #tpu.memory_space<vmem_shared>> -> memref<10240x128xf32, #tpu.memory_space<vmem_shared>>
        tpu.enqueue_indirect_dma source(%dma_start3A_299 : memref<100x128xf32, #tpu.memory_space<vmem>>) target(%dma_start3A_305 : memref<10240x128xf32, #tpu.memory_space<vmem_shared>>) offsets(%dma_start3A_302 : memref<100xi32, #tpu.memory_space<vmem>>) semaphore(%run_scoped3A_295 : memref<!tpu.dma_semaphore, #tpu.memory_space<semaphore_mem>>) {add = true}
        %dma_wait3A_306 = arith.constant 0 : i32
        %dma_wait3A_307 = arith.constant 0 : i32
        %dma_wait3A_308 = tpu.memref_slice %arg11[%scan3A_170, %dma_wait3A_306, %dma_wait3A_307] : memref<2x100x128xf32, #tpu.memory_space<vmem>> -> memref<1x100x128xf32, #tpu.memory_space<vmem>>
        %dma_wait3A_309 = tpu.memref_squeeze %dma_wait3A_308 : memref<1x100x128xf32, #tpu.memory_space<vmem>> -> memref<100x128xf32, #tpu.memory_space<vmem>>
        %dma_wait3A_310 = arith.constant 0 : i32
        %dma_wait3A_311 = tpu.memref_slice %arg8[%add3A_294, %dma_wait3A_310] : memref<25x100xi32, #tpu.memory_space<vmem>> -> memref<1x100xi32, #tpu.memory_space<vmem>>
        %dma_wait3A_312 = tpu.memref_squeeze %dma_wait3A_311 : memref<1x100xi32, #tpu.memory_space<vmem>> -> memref<100xi32, #tpu.memory_space<vmem>>
        %dma_wait3A_313 = arith.constant 0 : i32
        %dma_wait3A_314 = arith.constant 0 : i32
        %dma_wait3A_315 = tpu.memref_slice %arg15[%dma_wait3A_313, %dma_wait3A_314] : memref<10240x128xf32, #tpu.memory_space<vmem_shared>> -> memref<10240x128xf32, #tpu.memory_space<vmem_shared>>
        tpu.wait_indirect_dma semaphore(%run_scoped3A_295 : memref<!tpu.dma_semaphore, #tpu.memory_space<semaphore_mem>>) src(%dma_wait3A_309 : memref<100x128xf32, #tpu.memory_space<vmem>>) dst(%dma_wait3A_315 : memref<10240x128xf32, #tpu.memory_space<vmem_shared>>)
        tpu.yield
      }) : () -> ()
    }
    %scan3A_175 = arith.constant 12 : i32
    %dma_wait3A_176 = arith.constant 24 : i32
    %dma_wait3A_177 = arith.constant 0 : i32
    %dma_wait3A_178 = arith.constant 0 : i32
    %dma_wait3A_179 = arith.constant 0 : i32
    %dma_wait3A_180 = tpu.memref_slice %arg11[%dma_wait3A_177, %dma_wait3A_178, %dma_wait3A_179] : memref<2x100x128xf32, #tpu.memory_space<vmem>> -> memref<1x100x128xf32, #tpu.memory_space<vmem>>
    %dma_wait3A_181 = tpu.memref_squeeze %dma_wait3A_180 : memref<1x100x128xf32, #tpu.memory_space<vmem>> -> memref<100x128xf32, #tpu.memory_space<vmem>>
    %dma_wait3A_182 = arith.constant 0 : i32
    %dma_wait3A_183 = tpu.memref_slice %arg7[%dma_wait3A_176, %dma_wait3A_182] : memref<25x100xi32, #tpu.memory_space<vmem>> -> memref<1x100xi32, #tpu.memory_space<vmem>>
    %dma_wait3A_184 = tpu.memref_squeeze %dma_wait3A_183 : memref<1x100xi32, #tpu.memory_space<vmem>> -> memref<100xi32, #tpu.memory_space<vmem>>
    %dma_wait3A_185 = arith.constant 0 : i32
    %dma_wait3A_186 = arith.constant 0 : i32
    %dma_wait3A_187 = tpu.memref_slice %arg2[%dma_wait3A_185, %dma_wait3A_186] : memref<10000x128xf32, #tpu.memory_space<hbm>> -> memref<10000x128xf32, #tpu.memory_space<hbm>>
    tpu.wait_indirect_dma semaphore(%arg12 : memref<!tpu.dma_semaphore, #tpu.memory_space<semaphore_mem>>) src(%dma_wait3A_187 : memref<10000x128xf32, #tpu.memory_space<hbm>>) dst(%dma_wait3A_181 : memref<100x128xf32, #tpu.memory_space<vmem>>)
    %dma_wait3A_188 = arith.constant 3 : i32
    %dma_wait3A_189 = arith.constant 0 : i32
    %dma_wait3A_190 = arith.constant 0 : i32
    %dma_wait3A_191 = tpu.memref_slice %arg3[%add3A, %dma_wait3A_188, %dma_wait3A_189, %dma_wait3A_190] : memref<32x4x25x100xi32, #tpu.memory_space<hbm>> -> memref<1x1x25x100xi32, #tpu.memory_space<hbm>>
    %dma_wait3A_192 = tpu.memref_squeeze %dma_wait3A_191 : memref<1x1x25x100xi32, #tpu.memory_space<hbm>> -> memref<25x100xi32, #tpu.memory_space<hbm>>
    %dma_wait3A_193 = arith.constant 0 : i32
    %dma_wait3A_194 = arith.constant 0 : i32
    %dma_wait3A_195 = tpu.memref_slice %arg3[%add3A, %dma_wait3A_188, %dma_wait3A_193, %dma_wait3A_194] : memref<32x4x25x100xi32, #tpu.memory_space<hbm>> -> memref<1x1x25x100xi32, #tpu.memory_space<hbm>>
    %dma_wait3A_196 = tpu.memref_squeeze %dma_wait3A_195 : memref<1x1x25x100xi32, #tpu.memory_space<hbm>> -> memref<25x100xi32, #tpu.memory_space<hbm>>
    tpu.wait_dma2 semaphore(%arg14 : memref<!tpu.dma_semaphore, #tpu.memory_space<semaphore_mem>>) src(%dma_wait3A_196 : memref<25x100xi32, #tpu.memory_space<hbm>>) dst(%arg9 : memref<25x100xi32, #tpu.memory_space<vmem>>)
    %dma_wait3A_197 = arith.constant 3 : i32
    %dma_wait3A_198 = arith.constant 0 : i32
    %dma_wait3A_199 = arith.constant 0 : i32
    %dma_wait3A_200 = tpu.memref_slice %arg4[%add3A, %dma_wait3A_197, %dma_wait3A_198, %dma_wait3A_199] : memref<32x4x25x100xi32, #tpu.memory_space<hbm>> -> memref<1x1x25x100xi32, #tpu.memory_space<hbm>>
    %dma_wait3A_201 = tpu.memref_squeeze %dma_wait3A_200 : memref<1x1x25x100xi32, #tpu.memory_space<hbm>> -> memref<25x100xi32, #tpu.memory_space<hbm>>
    %dma_wait3A_202 = arith.constant 0 : i32
    %dma_wait3A_203 = arith.constant 0 : i32
    %dma_wait3A_204 = tpu.memref_slice %arg4[%add3A, %dma_wait3A_197, %dma_wait3A_202, %dma_wait3A_203] : memref<32x4x25x100xi32, #tpu.memory_space<hbm>> -> memref<1x1x25x100xi32, #tpu.memory_space<hbm>>
    %dma_wait3A_205 = tpu.memref_squeeze %dma_wait3A_204 : memref<1x1x25x100xi32, #tpu.memory_space<hbm>> -> memref<25x100xi32, #tpu.memory_space<hbm>>
    tpu.wait_dma2 semaphore(%arg14 : memref<!tpu.dma_semaphore, #tpu.memory_space<semaphore_mem>>) src(%dma_wait3A_205 : memref<25x100xi32, #tpu.memory_space<hbm>>) dst(%arg10 : memref<25x100xi32, #tpu.memory_space<vmem>>)
    %dma_start3A_206 = arith.constant 0 : i32
    %dma_start3A_207 = arith.constant 1 : i32
    %dma_start3A_208 = arith.constant 0 : i32
    %dma_start3A_209 = arith.constant 0 : i32
    %dma_start3A_210 = tpu.memref_slice %arg11[%dma_start3A_207, %dma_start3A_208, %dma_start3A_209] : memref<2x100x128xf32, #tpu.memory_space<vmem>> -> memref<1x100x128xf32, #tpu.memory_space<vmem>>
    %dma_start3A_211 = tpu.memref_squeeze %dma_start3A_210 : memref<1x100x128xf32, #tpu.memory_space<vmem>> -> memref<100x128xf32, #tpu.memory_space<vmem>>
    %dma_start3A_212 = arith.constant 0 : i32
    %dma_start3A_213 = tpu.memref_slice %arg9[%dma_start3A_206, %dma_start3A_212] : memref<25x100xi32, #tpu.memory_space<vmem>> -> memref<1x100xi32, #tpu.memory_space<vmem>>
    %dma_start3A_214 = tpu.memref_squeeze %dma_start3A_213 : memref<1x100xi32, #tpu.memory_space<vmem>> -> memref<100xi32, #tpu.memory_space<vmem>>
    %dma_start3A_215 = arith.constant 0 : i32
    %dma_start3A_216 = arith.constant 0 : i32
    %dma_start3A_217 = tpu.memref_slice %arg2[%dma_start3A_215, %dma_start3A_216] : memref<10000x128xf32, #tpu.memory_space<hbm>> -> memref<10000x128xf32, #tpu.memory_space<hbm>>
    tpu.enqueue_indirect_dma source(%dma_start3A_217 : memref<10000x128xf32, #tpu.memory_space<hbm>>) target(%dma_start3A_211 : memref<100x128xf32, #tpu.memory_space<vmem>>) offsets(%dma_start3A_214 : memref<100xi32, #tpu.memory_space<vmem>>) semaphore(%arg13 : memref<!tpu.dma_semaphore, #tpu.memory_space<semaphore_mem>>)
    %run_scoped3A_218 = arith.constant 0 : i32
    %run_scoped3A_219 = arith.constant 24 : i32
    "tpu.region"() ({
      %run_scoped3A_242 = tpu.sem_alloc : memref<!tpu.dma_semaphore, #tpu.memory_space<semaphore_mem>>
      %dma_start3A_243 = arith.constant 0 : i32
      %dma_start3A_244 = arith.constant 0 : i32
      %dma_start3A_245 = tpu.memref_slice %arg11[%run_scoped3A_218, %dma_start3A_243, %dma_start3A_244] : memref<2x100x128xf32, #tpu.memory_space<vmem>> -> memref<1x100x128xf32, #tpu.memory_space<vmem>>
      %dma_start3A_246 = tpu.memref_squeeze %dma_start3A_245 : memref<1x100x128xf32, #tpu.memory_space<vmem>> -> memref<100x128xf32, #tpu.memory_space<vmem>>
      %dma_start3A_247 = arith.constant 0 : i32
      %dma_start3A_248 = tpu.memref_slice %arg8[%run_scoped3A_219, %dma_start3A_247] : memref<25x100xi32, #tpu.memory_space<vmem>> -> memref<1x100xi32, #tpu.memory_space<vmem>>
      %dma_start3A_249 = tpu.memref_squeeze %dma_start3A_248 : memref<1x100xi32, #tpu.memory_space<vmem>> -> memref<100xi32, #tpu.memory_space<vmem>>
      %dma_start3A_250 = arith.constant 0 : i32
      %dma_start3A_251 = arith.constant 0 : i32
      %dma_start3A_252 = tpu.memref_slice %arg15[%dma_start3A_250, %dma_start3A_251] : memref<10240x128xf32, #tpu.memory_space<vmem_shared>> -> memref<10240x128xf32, #tpu.memory_space<vmem_shared>>
      tpu.enqueue_indirect_dma source(%dma_start3A_246 : memref<100x128xf32, #tpu.memory_space<vmem>>) target(%dma_start3A_252 : memref<10240x128xf32, #tpu.memory_space<vmem_shared>>) offsets(%dma_start3A_249 : memref<100xi32, #tpu.memory_space<vmem>>) semaphore(%run_scoped3A_242 : memref<!tpu.dma_semaphore, #tpu.memory_space<semaphore_mem>>) {add = true}
      %dma_wait3A_253 = arith.constant 0 : i32
      %dma_wait3A_254 = arith.constant 0 : i32
      %dma_wait3A_255 = tpu.memref_slice %arg11[%run_scoped3A_218, %dma_wait3A_253, %dma_wait3A_254] : memref<2x100x128xf32, #tpu.memory_space<vmem>> -> memref<1x100x128xf32, #tpu.memory_space<vmem>>
      %dma_wait3A_256 = tpu.memref_squeeze %dma_wait3A_255 : memref<1x100x128xf32, #tpu.memory_space<vmem>> -> memref<100x128xf32, #tpu.memory_space<vmem>>
      %dma_wait3A_257 = arith.constant 0 : i32
      %dma_wait3A_258 = tpu.memref_slice %arg8[%run_scoped3A_219, %dma_wait3A_257] : memref<25x100xi32, #tpu.memory_space<vmem>> -> memref<1x100xi32, #tpu.memory_space<vmem>>
      %dma_wait3A_259 = tpu.memref_squeeze %dma_wait3A_258 : memref<1x100xi32, #tpu.memory_space<vmem>> -> memref<100xi32, #tpu.memory_space<vmem>>
      %dma_wait3A_260 = arith.constant 0 : i32
      %dma_wait3A_261 = arith.constant 0 : i32
      %dma_wait3A_262 = tpu.memref_slice %arg15[%dma_wait3A_260, %dma_wait3A_261] : memref<10240x128xf32, #tpu.memory_space<vmem_shared>> -> memref<10240x128xf32, #tpu.memory_space<vmem_shared>>
      tpu.wait_indirect_dma semaphore(%run_scoped3A_242 : memref<!tpu.dma_semaphore, #tpu.memory_space<semaphore_mem>>) src(%dma_wait3A_256 : memref<100x128xf32, #tpu.memory_space<vmem>>) dst(%dma_wait3A_262 : memref<10240x128xf32, #tpu.memory_space<vmem_shared>>)
      tpu.yield
    }) : () -> ()
    %scan3A_220 = arith.constant 1 : i32
    %scan3A_221 = arith.constant 0 : i32
    %scan3A_222 = arith.constant 0 : i32
    %scan3A_223 = arith.constant 12 : i32
    %scan3A_224 = arith.addi %scan3A_222, %scan3A_223 : i32
    %scan3A_225 = arith.constant 1 : i32
    scf.for %scan3A_242 = %scan3A_222 to %scan3A_224 step %scan3A_225  : i32 {
      %mul3A_243 = arith.constant 2 : i32
      %mul3A_244 = arith.muli %scan3A_242, %mul3A_243 : i32
      %add3A_245 = arith.constant 0 : i32
      %add3A_246 = arith.addi %add3A_245, %mul3A_244 : i32
      %dma_wait3A_247 = arith.constant 0 : i32
      %dma_wait3A_248 = arith.constant 0 : i32
      %dma_wait3A_249 = tpu.memref_slice %arg11[%scan3A_220, %dma_wait3A_247, %dma_wait3A_248] : memref<2x100x128xf32, #tpu.memory_space<vmem>> -> memref<1x100x128xf32, #tpu.memory_space<vmem>>
      %dma_wait3A_250 = tpu.memref_squeeze %dma_wait3A_249 : memref<1x100x128xf32, #tpu.memory_space<vmem>> -> memref<100x128xf32, #tpu.memory_space<vmem>>
      %dma_wait3A_251 = arith.constant 0 : i32
      %dma_wait3A_252 = tpu.memref_slice %arg9[%add3A_246, %dma_wait3A_251] : memref<25x100xi32, #tpu.memory_space<vmem>> -> memref<1x100xi32, #tpu.memory_space<vmem>>
      %dma_wait3A_253 = tpu.memref_squeeze %dma_wait3A_252 : memref<1x100xi32, #tpu.memory_space<vmem>> -> memref<100xi32, #tpu.memory_space<vmem>>
      %dma_wait3A_254 = arith.constant 0 : i32
      %dma_wait3A_255 = arith.constant 0 : i32
      %dma_wait3A_256 = tpu.memref_slice %arg2[%dma_wait3A_254, %dma_wait3A_255] : memref<10000x128xf32, #tpu.memory_space<hbm>> -> memref<10000x128xf32, #tpu.memory_space<hbm>>
      tpu.wait_indirect_dma semaphore(%arg13 : memref<!tpu.dma_semaphore, #tpu.memory_space<semaphore_mem>>) src(%dma_wait3A_256 : memref<10000x128xf32, #tpu.memory_space<hbm>>) dst(%dma_wait3A_250 : memref<100x128xf32, #tpu.memory_space<vmem>>)
      %add3A_257 = arith.constant 1 : i32
      %add3A_258 = arith.addi %add3A_246, %add3A_257 : i32
      %dma_start3A_259 = arith.constant 0 : i32
      %dma_start3A_260 = arith.constant 0 : i32
      %dma_start3A_261 = tpu.memref_slice %arg11[%scan3A_221, %dma_start3A_259, %dma_start3A_260] : memref<2x100x128xf32, #tpu.memory_space<vmem>> -> memref<1x100x128xf32, #tpu.memory_space<vmem>>
      %dma_start3A_262 = tpu.memref_squeeze %dma_start3A_261 : memref<1x100x128xf32, #tpu.memory_space<vmem>> -> memref<100x128xf32, #tpu.memory_space<vmem>>
      %dma_start3A_263 = arith.constant 0 : i32
      %dma_start3A_264 = tpu.memref_slice %arg9[%add3A_258, %dma_start3A_263] : memref<25x100xi32, #tpu.memory_space<vmem>> -> memref<1x100xi32, #tpu.memory_space<vmem>>
      %dma_start3A_265 = tpu.memref_squeeze %dma_start3A_264 : memref<1x100xi32, #tpu.memory_space<vmem>> -> memref<100xi32, #tpu.memory_space<vmem>>
      %dma_start3A_266 = arith.constant 0 : i32
      %dma_start3A_267 = arith.constant 0 : i32
      %dma_start3A_268 = tpu.memref_slice %arg2[%dma_start3A_266, %dma_start3A_267] : memref<10000x128xf32, #tpu.memory_space<hbm>> -> memref<10000x128xf32, #tpu.memory_space<hbm>>
      tpu.enqueue_indirect_dma source(%dma_start3A_268 : memref<10000x128xf32, #tpu.memory_space<hbm>>) target(%dma_start3A_262 : memref<100x128xf32, #tpu.memory_space<vmem>>) offsets(%dma_start3A_265 : memref<100xi32, #tpu.memory_space<vmem>>) semaphore(%arg12 : memref<!tpu.dma_semaphore, #tpu.memory_space<semaphore_mem>>)
      "tpu.region"() ({
        %run_scoped3A_295 = tpu.sem_alloc : memref<!tpu.dma_semaphore, #tpu.memory_space<semaphore_mem>>
        %dma_start3A_296 = arith.constant 0 : i32
        %dma_start3A_297 = arith.constant 0 : i32
        %dma_start3A_298 = tpu.memref_slice %arg11[%scan3A_220, %dma_start3A_296, %dma_start3A_297] : memref<2x100x128xf32, #tpu.memory_space<vmem>> -> memref<1x100x128xf32, #tpu.memory_space<vmem>>
        %dma_start3A_299 = tpu.memref_squeeze %dma_start3A_298 : memref<1x100x128xf32, #tpu.memory_space<vmem>> -> memref<100x128xf32, #tpu.memory_space<vmem>>
        %dma_start3A_300 = arith.constant 0 : i32
        %dma_start3A_301 = tpu.memref_slice %arg10[%add3A_246, %dma_start3A_300] : memref<25x100xi32, #tpu.memory_space<vmem>> -> memref<1x100xi32, #tpu.memory_space<vmem>>
        %dma_start3A_302 = tpu.memref_squeeze %dma_start3A_301 : memref<1x100xi32, #tpu.memory_space<vmem>> -> memref<100xi32, #tpu.memory_space<vmem>>
        %dma_start3A_303 = arith.constant 0 : i32
        %dma_start3A_304 = arith.constant 0 : i32
        %dma_start3A_305 = tpu.memref_slice %arg15[%dma_start3A_303, %dma_start3A_304] : memref<10240x128xf32, #tpu.memory_space<vmem_shared>> -> memref<10240x128xf32, #tpu.memory_space<vmem_shared>>
        tpu.enqueue_indirect_dma source(%dma_start3A_299 : memref<100x128xf32, #tpu.memory_space<vmem>>) target(%dma_start3A_305 : memref<10240x128xf32, #tpu.memory_space<vmem_shared>>) offsets(%dma_start3A_302 : memref<100xi32, #tpu.memory_space<vmem>>) semaphore(%run_scoped3A_295 : memref<!tpu.dma_semaphore, #tpu.memory_space<semaphore_mem>>) {add = true}
        %dma_wait3A_306 = arith.constant 0 : i32
        %dma_wait3A_307 = arith.constant 0 : i32
        %dma_wait3A_308 = tpu.memref_slice %arg11[%scan3A_220, %dma_wait3A_306, %dma_wait3A_307] : memref<2x100x128xf32, #tpu.memory_space<vmem>> -> memref<1x100x128xf32, #tpu.memory_space<vmem>>
        %dma_wait3A_309 = tpu.memref_squeeze %dma_wait3A_308 : memref<1x100x128xf32, #tpu.memory_space<vmem>> -> memref<100x128xf32, #tpu.memory_space<vmem>>
        %dma_wait3A_310 = arith.constant 0 : i32
        %dma_wait3A_311 = tpu.memref_slice %arg10[%add3A_246, %dma_wait3A_310] : memref<25x100xi32, #tpu.memory_space<vmem>> -> memref<1x100xi32, #tpu.memory_space<vmem>>
        %dma_wait3A_312 = tpu.memref_squeeze %dma_wait3A_311 : memref<1x100xi32, #tpu.memory_space<vmem>> -> memref<100xi32, #tpu.memory_space<vmem>>
        %dma_wait3A_313 = arith.constant 0 : i32
        %dma_wait3A_314 = arith.constant 0 : i32
        %dma_wait3A_315 = tpu.memref_slice %arg15[%dma_wait3A_313, %dma_wait3A_314] : memref<10240x128xf32, #tpu.memory_space<vmem_shared>> -> memref<10240x128xf32, #tpu.memory_space<vmem_shared>>
        tpu.wait_indirect_dma semaphore(%run_scoped3A_295 : memref<!tpu.dma_semaphore, #tpu.memory_space<semaphore_mem>>) src(%dma_wait3A_309 : memref<100x128xf32, #tpu.memory_space<vmem>>) dst(%dma_wait3A_315 : memref<10240x128xf32, #tpu.memory_space<vmem_shared>>)
        tpu.yield
      }) : () -> ()
      %add3A_269 = arith.constant 1 : i32
      %add3A_270 = arith.addi %add3A_246, %add3A_269 : i32
      %dma_wait3A_271 = arith.constant 0 : i32
      %dma_wait3A_272 = arith.constant 0 : i32
      %dma_wait3A_273 = tpu.memref_slice %arg11[%scan3A_221, %dma_wait3A_271, %dma_wait3A_272] : memref<2x100x128xf32, #tpu.memory_space<vmem>> -> memref<1x100x128xf32, #tpu.memory_space<vmem>>
      %dma_wait3A_274 = tpu.memref_squeeze %dma_wait3A_273 : memref<1x100x128xf32, #tpu.memory_space<vmem>> -> memref<100x128xf32, #tpu.memory_space<vmem>>
      %dma_wait3A_275 = arith.constant 0 : i32
      %dma_wait3A_276 = tpu.memref_slice %arg9[%add3A_270, %dma_wait3A_275] : memref<25x100xi32, #tpu.memory_space<vmem>> -> memref<1x100xi32, #tpu.memory_space<vmem>>
      %dma_wait3A_277 = tpu.memref_squeeze %dma_wait3A_276 : memref<1x100xi32, #tpu.memory_space<vmem>> -> memref<100xi32, #tpu.memory_space<vmem>>
      %dma_wait3A_278 = arith.constant 0 : i32
      %dma_wait3A_279 = arith.constant 0 : i32
      %dma_wait3A_280 = tpu.memref_slice %arg2[%dma_wait3A_278, %dma_wait3A_279] : memref<10000x128xf32, #tpu.memory_space<hbm>> -> memref<10000x128xf32, #tpu.memory_space<hbm>>
      tpu.wait_indirect_dma semaphore(%arg12 : memref<!tpu.dma_semaphore, #tpu.memory_space<semaphore_mem>>) src(%dma_wait3A_280 : memref<10000x128xf32, #tpu.memory_space<hbm>>) dst(%dma_wait3A_274 : memref<100x128xf32, #tpu.memory_space<vmem>>)
      %add3A_281 = arith.constant 2 : i32
      %add3A_282 = arith.addi %add3A_246, %add3A_281 : i32
      %dma_start3A_283 = arith.constant 0 : i32
      %dma_start3A_284 = arith.constant 0 : i32
      %dma_start3A_285 = tpu.memref_slice %arg11[%scan3A_220, %dma_start3A_283, %dma_start3A_284] : memref<2x100x128xf32, #tpu.memory_space<vmem>> -> memref<1x100x128xf32, #tpu.memory_space<vmem>>
      %dma_start3A_286 = tpu.memref_squeeze %dma_start3A_285 : memref<1x100x128xf32, #tpu.memory_space<vmem>> -> memref<100x128xf32, #tpu.memory_space<vmem>>
      %dma_start3A_287 = arith.constant 0 : i32
      %dma_start3A_288 = tpu.memref_slice %arg9[%add3A_282, %dma_start3A_287] : memref<25x100xi32, #tpu.memory_space<vmem>> -> memref<1x100xi32, #tpu.memory_space<vmem>>
      %dma_start3A_289 = tpu.memref_squeeze %dma_start3A_288 : memref<1x100xi32, #tpu.memory_space<vmem>> -> memref<100xi32, #tpu.memory_space<vmem>>
      %dma_start3A_290 = arith.constant 0 : i32
      %dma_start3A_291 = arith.constant 0 : i32
      %dma_start3A_292 = tpu.memref_slice %arg2[%dma_start3A_290, %dma_start3A_291] : memref<10000x128xf32, #tpu.memory_space<hbm>> -> memref<10000x128xf32, #tpu.memory_space<hbm>>
      tpu.enqueue_indirect_dma source(%dma_start3A_292 : memref<10000x128xf32, #tpu.memory_space<hbm>>) target(%dma_start3A_286 : memref<100x128xf32, #tpu.memory_space<vmem>>) offsets(%dma_start3A_289 : memref<100xi32, #tpu.memory_space<vmem>>) semaphore(%arg13 : memref<!tpu.dma_semaphore, #tpu.memory_space<semaphore_mem>>)
      %add3A_293 = arith.constant 1 : i32
      %add3A_294 = arith.addi %add3A_246, %add3A_293 : i32
      "tpu.region"() ({
        %run_scoped3A_295 = tpu.sem_alloc : memref<!tpu.dma_semaphore, #tpu.memory_space<semaphore_mem>>
        %dma_start3A_296 = arith.constant 0 : i32
        %dma_start3A_297 = arith.constant 0 : i32
        %dma_start3A_298 = tpu.memref_slice %arg11[%scan3A_221, %dma_start3A_296, %dma_start3A_297] : memref<2x100x128xf32, #tpu.memory_space<vmem>> -> memref<1x100x128xf32, #tpu.memory_space<vmem>>
        %dma_start3A_299 = tpu.memref_squeeze %dma_start3A_298 : memref<1x100x128xf32, #tpu.memory_space<vmem>> -> memref<100x128xf32, #tpu.memory_space<vmem>>
        %dma_start3A_300 = arith.constant 0 : i32
        %dma_start3A_301 = tpu.memref_slice %arg10[%add3A_294, %dma_start3A_300] : memref<25x100xi32, #tpu.memory_space<vmem>> -> memref<1x100xi32, #tpu.memory_space<vmem>>
        %dma_start3A_302 = tpu.memref_squeeze %dma_start3A_301 : memref<1x100xi32, #tpu.memory_space<vmem>> -> memref<100xi32, #tpu.memory_space<vmem>>
        %dma_start3A_303 = arith.constant 0 : i32
        %dma_start3A_304 = arith.constant 0 : i32
        %dma_start3A_305 = tpu.memref_slice %arg15[%dma_start3A_303, %dma_start3A_304] : memref<10240x128xf32, #tpu.memory_space<vmem_shared>> -> memref<10240x128xf32, #tpu.memory_space<vmem_shared>>
        tpu.enqueue_indirect_dma source(%dma_start3A_299 : memref<100x128xf32, #tpu.memory_space<vmem>>) target(%dma_start3A_305 : memref<10240x128xf32, #tpu.memory_space<vmem_shared>>) offsets(%dma_start3A_302 : memref<100xi32, #tpu.memory_space<vmem>>) semaphore(%run_scoped3A_295 : memref<!tpu.dma_semaphore, #tpu.memory_space<semaphore_mem>>) {add = true}
        %dma_wait3A_306 = arith.constant 0 : i32
        %dma_wait3A_307 = arith.constant 0 : i32
        %dma_wait3A_308 = tpu.memref_slice %arg11[%scan3A_221, %dma_wait3A_306, %dma_wait3A_307] : memref<2x100x128xf32, #tpu.memory_space<vmem>> -> memref<1x100x128xf32, #tpu.memory_space<vmem>>
        %dma_wait3A_309 = tpu.memref_squeeze %dma_wait3A_308 : memref<1x100x128xf32, #tpu.memory_space<vmem>> -> memref<100x128xf32, #tpu.memory_space<vmem>>
        %dma_wait3A_310 = arith.constant 0 : i32
        %dma_wait3A_311 = tpu.memref_slice %arg10[%add3A_294, %dma_wait3A_310] : memref<25x100xi32, #tpu.memory_space<vmem>> -> memref<1x100xi32, #tpu.memory_space<vmem>>
        %dma_wait3A_312 = tpu.memref_squeeze %dma_wait3A_311 : memref<1x100xi32, #tpu.memory_space<vmem>> -> memref<100xi32, #tpu.memory_space<vmem>>
        %dma_wait3A_313 = arith.constant 0 : i32
        %dma_wait3A_314 = arith.constant 0 : i32
        %dma_wait3A_315 = tpu.memref_slice %arg15[%dma_wait3A_313, %dma_wait3A_314] : memref<10240x128xf32, #tpu.memory_space<vmem_shared>> -> memref<10240x128xf32, #tpu.memory_space<vmem_shared>>
        tpu.wait_indirect_dma semaphore(%run_scoped3A_295 : memref<!tpu.dma_semaphore, #tpu.memory_space<semaphore_mem>>) src(%dma_wait3A_309 : memref<100x128xf32, #tpu.memory_space<vmem>>) dst(%dma_wait3A_315 : memref<10240x128xf32, #tpu.memory_space<vmem_shared>>)
        tpu.yield
      }) : () -> ()
    }
    %scan3A_226 = arith.constant 12 : i32
    %dma_wait3A_227 = arith.constant 24 : i32
    %dma_wait3A_228 = arith.constant 1 : i32
    %dma_wait3A_229 = arith.constant 0 : i32
    %dma_wait3A_230 = arith.constant 0 : i32
    %dma_wait3A_231 = tpu.memref_slice %arg11[%dma_wait3A_228, %dma_wait3A_229, %dma_wait3A_230] : memref<2x100x128xf32, #tpu.memory_space<vmem>> -> memref<1x100x128xf32, #tpu.memory_space<vmem>>
    %dma_wait3A_232 = tpu.memref_squeeze %dma_wait3A_231 : memref<1x100x128xf32, #tpu.memory_space<vmem>> -> memref<100x128xf32, #tpu.memory_space<vmem>>
    %dma_wait3A_233 = arith.constant 0 : i32
    %dma_wait3A_234 = tpu.memref_slice %arg9[%dma_wait3A_227, %dma_wait3A_233] : memref<25x100xi32, #tpu.memory_space<vmem>> -> memref<1x100xi32, #tpu.memory_space<vmem>>
    %dma_wait3A_235 = tpu.memref_squeeze %dma_wait3A_234 : memref<1x100xi32, #tpu.memory_space<vmem>> -> memref<100xi32, #tpu.memory_space<vmem>>
    %dma_wait3A_236 = arith.constant 0 : i32
    %dma_wait3A_237 = arith.constant 0 : i32
    %dma_wait3A_238 = tpu.memref_slice %arg2[%dma_wait3A_236, %dma_wait3A_237] : memref<10000x128xf32, #tpu.memory_space<hbm>> -> memref<10000x128xf32, #tpu.memory_space<hbm>>
    tpu.wait_indirect_dma semaphore(%arg13 : memref<!tpu.dma_semaphore, #tpu.memory_space<semaphore_mem>>) src(%dma_wait3A_238 : memref<10000x128xf32, #tpu.memory_space<hbm>>) dst(%dma_wait3A_232 : memref<100x128xf32, #tpu.memory_space<vmem>>)
    %run_scoped3A_239 = arith.constant 1 : i32
    %run_scoped3A_240 = arith.constant 24 : i32
    "tpu.region"() ({
      %run_scoped3A_242 = tpu.sem_alloc : memref<!tpu.dma_semaphore, #tpu.memory_space<semaphore_mem>>
      %dma_start3A_243 = arith.constant 0 : i32
      %dma_start3A_244 = arith.constant 0 : i32
      %dma_start3A_245 = tpu.memref_slice %arg11[%run_scoped3A_239, %dma_start3A_243, %dma_start3A_244] : memref<2x100x128xf32, #tpu.memory_space<vmem>> -> memref<1x100x128xf32, #tpu.memory_space<vmem>>
      %dma_start3A_246 = tpu.memref_squeeze %dma_start3A_245 : memref<1x100x128xf32, #tpu.memory_space<vmem>> -> memref<100x128xf32, #tpu.memory_space<vmem>>
      %dma_start3A_247 = arith.constant 0 : i32
      %dma_start3A_248 = tpu.memref_slice %arg10[%run_scoped3A_240, %dma_start3A_247] : memref<25x100xi32, #tpu.memory_space<vmem>> -> memref<1x100xi32, #tpu.memory_space<vmem>>
      %dma_start3A_249 = tpu.memref_squeeze %dma_start3A_248 : memref<1x100xi32, #tpu.memory_space<vmem>> -> memref<100xi32, #tpu.memory_space<vmem>>
      %dma_start3A_250 = arith.constant 0 : i32
      %dma_start3A_251 = arith.constant 0 : i32
      %dma_start3A_252 = tpu.memref_slice %arg15[%dma_start3A_250, %dma_start3A_251] : memref<10240x128xf32, #tpu.memory_space<vmem_shared>> -> memref<10240x128xf32, #tpu.memory_space<vmem_shared>>
      tpu.enqueue_indirect_dma source(%dma_start3A_246 : memref<100x128xf32, #tpu.memory_space<vmem>>) target(%dma_start3A_252 : memref<10240x128xf32, #tpu.memory_space<vmem_shared>>) offsets(%dma_start3A_249 : memref<100xi32, #tpu.memory_space<vmem>>) semaphore(%run_scoped3A_242 : memref<!tpu.dma_semaphore, #tpu.memory_space<semaphore_mem>>) {add = true}
      %dma_wait3A_253 = arith.constant 0 : i32
      %dma_wait3A_254 = arith.constant 0 : i32
      %dma_wait3A_255 = tpu.memref_slice %arg11[%run_scoped3A_239, %dma_wait3A_253, %dma_wait3A_254] : memref<2x100x128xf32, #tpu.memory_space<vmem>> -> memref<1x100x128xf32, #tpu.memory_space<vmem>>
      %dma_wait3A_256 = tpu.memref_squeeze %dma_wait3A_255 : memref<1x100x128xf32, #tpu.memory_space<vmem>> -> memref<100x128xf32, #tpu.memory_space<vmem>>
      %dma_wait3A_257 = arith.constant 0 : i32
      %dma_wait3A_258 = tpu.memref_slice %arg10[%run_scoped3A_240, %dma_wait3A_257] : memref<25x100xi32, #tpu.memory_space<vmem>> -> memref<1x100xi32, #tpu.memory_space<vmem>>
      %dma_wait3A_259 = tpu.memref_squeeze %dma_wait3A_258 : memref<1x100xi32, #tpu.memory_space<vmem>> -> memref<100xi32, #tpu.memory_space<vmem>>
      %dma_wait3A_260 = arith.constant 0 : i32
      %dma_wait3A_261 = arith.constant 0 : i32
      %dma_wait3A_262 = tpu.memref_slice %arg15[%dma_wait3A_260, %dma_wait3A_261] : memref<10240x128xf32, #tpu.memory_space<vmem_shared>> -> memref<10240x128xf32, #tpu.memory_space<vmem_shared>>
      tpu.wait_indirect_dma semaphore(%run_scoped3A_242 : memref<!tpu.dma_semaphore, #tpu.memory_space<semaphore_mem>>) src(%dma_wait3A_256 : memref<100x128xf32, #tpu.memory_space<vmem>>) dst(%dma_wait3A_262 : memref<10240x128xf32, #tpu.memory_space<vmem_shared>>)
      tpu.yield
    }) : () -> ()
    %barrier3A_241 = arith.constant 0 : index
    tpu.barrier barrier_id(%barrier3A_241)
    "tpu.region"() ({
      %run_scoped3A_242 = tpu.sem_alloc : memref<!tpu.dma_semaphore, #tpu.memory_space<semaphore_mem>>
      %dma_start3A_243 = arith.constant 0 : i32
      %dma_start3A_244 = arith.constant 0 : i32
      %dma_start3A_245 = tpu.memref_slice %arg6[%add3A, %dma_start3A_243, %dma_start3A_244] : memref<32x640x128xf32, #tpu.memory_space<hbm>> -> memref<1x640x128xf32, #tpu.memory_space<hbm>>
      %dma_start3A_246 = tpu.memref_squeeze %dma_start3A_245 : memref<1x640x128xf32, #tpu.memory_space<hbm>> -> memref<640x128xf32, #tpu.memory_space<hbm>>
      %dma_start3A_247 = arith.constant 0 : i32
      %dma_start3A_248 = tpu.memref_slice %arg15[%mul3A_2, %dma_start3A_247] : memref<10240x128xf32, #tpu.memory_space<vmem_shared>> -> memref<640x128xf32, #tpu.memory_space<vmem_shared>>
      tpu.enqueue_dma source(%dma_start3A_248 : memref<640x128xf32, #tpu.memory_space<vmem_shared>>) target(%dma_start3A_246 : memref<640x128xf32, #tpu.memory_space<hbm>>) target_semaphore(%run_scoped3A_242 : memref<!tpu.dma_semaphore, #tpu.memory_space<semaphore_mem>>)
      %dma_wait3A_249 = arith.constant 0 : i32
      %dma_wait3A_250 = arith.constant 0 : i32
      %dma_wait3A_251 = tpu.memref_slice %arg6[%add3A, %dma_wait3A_249, %dma_wait3A_250] : memref<32x640x128xf32, #tpu.memory_space<hbm>> -> memref<1x640x128xf32, #tpu.memory_space<hbm>>
      %dma_wait3A_252 = tpu.memref_squeeze %dma_wait3A_251 : memref<1x640x128xf32, #tpu.memory_space<hbm>> -> memref<640x128xf32, #tpu.memory_space<hbm>>
      %dma_wait3A_253 = arith.constant 0 : i32
      %dma_wait3A_254 = tpu.memref_slice %arg15[%mul3A_2, %dma_wait3A_253] : memref<10240x128xf32, #tpu.memory_space<vmem_shared>> -> memref<640x128xf32, #tpu.memory_space<vmem_shared>>
      tpu.wait_dma2 semaphore(%run_scoped3A_242 : memref<!tpu.dma_semaphore, #tpu.memory_space<semaphore_mem>>) src(%dma_wait3A_254 : memref<640x128xf32, #tpu.memory_space<vmem_shared>>) dst(%dma_wait3A_252 : memref<640x128xf32, #tpu.memory_space<hbm>>)
      tpu.yield
    }) : () -> ()
    return
  }
}

module attributes {stable_mosaic.version = 14 : i64} {
  func.func @_lambda_(%arg0: memref<20480x128xf32, #tpu.memory_space<vmem>>, %arg1: memref<32x10240xf32, #tpu.memory_space<vmem>>, %arg2: memref<10000x128xf32, #tpu.memory_space<vmem>>, %arg3: memref<128x128xf32, #tpu.memory_space<vmem>>, %arg4: memref<1x128xf32, #tpu.memory_space<vmem>>, %arg5: memref<128x128xf32, #tpu.memory_space<vmem>>, %arg6: memref<1x128xf32, #tpu.memory_space<vmem>>, %arg7: memref<1x128xf32, #tpu.memory_space<vmem>>, %arg8: memref<10000x128xf32, #tpu.memory_space<vmem>>) attributes {dimension_semantics = [], scalar_prefetch = 0 : i64, scratch_operands = 0 : i64, tpu.core_type = #tpu.core_type<tc>} {
    %get3A = arith.constant 0 : index
    %get3A_0 = arith.constant 0 : index
    %get3A_1 = vector.load %arg0[%get3A, %get3A_0] : memref<20480x128xf32, #tpu.memory_space<vmem>>, vector<10000x128xf32>
    %get3A_2 = arith.constant 10240 : index
    %get3A_3 = arith.constant 0 : index
    %get3A_4 = vector.load %arg0[%get3A_2, %get3A_3] : memref<20480x128xf32, #tpu.memory_space<vmem>>, vector<10000x128xf32>
    %add3A = arith.addf %get3A_1, %get3A_4 : vector<10000x128xf32>
    %get3A_5 = arith.constant 0 : index
    %get3A_6 = arith.constant 0 : index
    %get3A_7 = vector.load %arg1[%get3A_5, %get3A_6] : memref<32x10240xf32, #tpu.memory_space<vmem>>, vector<32x10240xf32>
    %reduce_sum3A = arith.constant dense<0.000000e+00> : vector<10240xf32>
    %reduce_sum3A_8 = vector.multi_reduction <add>, %get3A_7, %reduce_sum3A [0] : vector<32x10240xf32> to vector<10240xf32>
    %reshape3A = vector.shape_cast %reduce_sum3A_8 : vector<10240xf32> to vector<10240x1xf32>
    %slice3A = vector.extract_strided_slice %reshape3A {offsets = [0, 0], sizes = [10000, 1], strides = [1, 1]} : vector<10240x1xf32> to vector<10000x1xf32>
    %jit3A = arith.constant 1.000000e+00 : f32
    %max3A = vector.broadcast %jit3A : f32 to vector<10000x1xf32>
    %max3A_9 = arith.maximumf %max3A, %slice3A : vector<10000x1xf32>
    %div3A = vector.broadcast %max3A_9 : vector<10000x1xf32> to vector<10000x128xf32>
    %div3A_10 = arith.divf %add3A, %div3A : vector<10000x128xf32>
    %get3A_11 = arith.constant 0 : index
    %get3A_12 = arith.constant 0 : index
    %get3A_13 = vector.load %arg3[%get3A_11, %get3A_12] : memref<128x128xf32, #tpu.memory_space<vmem>>, vector<128x128xf32>
    %dot_general3A = arith.constant dense<0.000000e+00> : vector<10000x128xf32>
    %dot_general3A_14 = tpu.matmul %div3A_10, %get3A_13, %dot_general3A {dimension_numbers = #tpu.dot_dimension_numbers<[1], [0], [0], [1], [0, 0, 1, 1], [], []>, transpose_lhs_hint = false} : vector<10000x128xf32>, vector<128x128xf32>, vector<10000x128xf32> -> vector<10000x128xf32>
    %get3A_15 = arith.constant 0 : index
    %get3A_16 = arith.constant 0 : index
    %get3A_17 = vector.load %arg4[%get3A_15, %get3A_16] : memref<1x128xf32, #tpu.memory_space<vmem>>, vector<1x128xf32>
    %add3A_18 = vector.broadcast %get3A_17 : vector<1x128xf32> to vector<10000x128xf32>
    %add3A_19 = arith.addf %dot_general3A_14, %add3A_18 : vector<10000x128xf32>
    %get3A_20 = arith.constant 0 : index
    %get3A_21 = arith.constant 0 : index
    %get3A_22 = vector.load %arg2[%get3A_20, %get3A_21] : memref<10000x128xf32, #tpu.memory_space<vmem>>, vector<10000x128xf32>
    %get3A_23 = arith.constant 0 : index
    %get3A_24 = arith.constant 0 : index
    %get3A_25 = vector.load %arg5[%get3A_23, %get3A_24] : memref<128x128xf32, #tpu.memory_space<vmem>>, vector<128x128xf32>
    %dot_general3A_26 = arith.constant dense<0.000000e+00> : vector<10000x128xf32>
    %dot_general3A_27 = tpu.matmul %get3A_22, %get3A_25, %dot_general3A_26 {dimension_numbers = #tpu.dot_dimension_numbers<[1], [0], [0], [1], [0, 0, 1, 1], [], []>, transpose_lhs_hint = false} : vector<10000x128xf32>, vector<128x128xf32>, vector<10000x128xf32> -> vector<10000x128xf32>
    %add3A_28 = arith.addf %add3A_19, %dot_general3A_27 : vector<10000x128xf32>
    %reduce_sum3A_29 = arith.constant dense<0.000000e+00> : vector<10000xf32>
    %reduce_sum3A_30 = vector.multi_reduction <add>, %add3A_28, %reduce_sum3A_29 [1] : vector<10000x128xf32> to vector<10000xf32>
    %broadcast_in_dim3A = vector.shape_cast %reduce_sum3A_30 : vector<10000xf32> to vector<10000x1xf32>
    %div3A_31 = arith.constant 1.280000e+02 : f32
    %div3A_32 = vector.broadcast %div3A_31 : f32 to vector<10000x1xf32>
    %div3A_33 = arith.divf %broadcast_in_dim3A, %div3A_32 : vector<10000x1xf32>
    %sub3A = vector.broadcast %div3A_33 : vector<10000x1xf32> to vector<10000x128xf32>
    %sub3A_34 = arith.subf %add3A_28, %sub3A : vector<10000x128xf32>
    %integer_pow3A = arith.mulf %sub3A_34, %sub3A_34 : vector<10000x128xf32>
    %reduce_sum3A_35 = arith.constant dense<0.000000e+00> : vector<10000xf32>
    %reduce_sum3A_36 = vector.multi_reduction <add>, %integer_pow3A, %reduce_sum3A_35 [1] : vector<10000x128xf32> to vector<10000xf32>
    %broadcast_in_dim3A_37 = vector.shape_cast %reduce_sum3A_36 : vector<10000xf32> to vector<10000x1xf32>
    %div3A_38 = arith.constant 1.280000e+02 : f32
    %div3A_39 = vector.broadcast %div3A_38 : f32 to vector<10000x1xf32>
    %div3A_40 = arith.divf %broadcast_in_dim3A_37, %div3A_39 : vector<10000x1xf32>
    %sub3A_41 = vector.broadcast %div3A_33 : vector<10000x1xf32> to vector<10000x128xf32>
    %sub3A_42 = arith.subf %add3A_28, %sub3A_41 : vector<10000x128xf32>
    %add3A_43 = arith.constant 9.99999974E-6 : f32
    %add3A_44 = vector.broadcast %add3A_43 : f32 to vector<10000x1xf32>
    %add3A_45 = arith.addf %div3A_40, %add3A_44 : vector<10000x1xf32>
    %rsqrt3A = math.rsqrt %add3A_45 : vector<10000x1xf32>
    %mul3A = vector.broadcast %rsqrt3A : vector<10000x1xf32> to vector<10000x128xf32>
    %mul3A_46 = arith.mulf %sub3A_42, %mul3A : vector<10000x128xf32>
    %get3A_47 = arith.constant 0 : index
    %get3A_48 = arith.constant 0 : index
    %get3A_49 = vector.load %arg6[%get3A_47, %get3A_48] : memref<1x128xf32, #tpu.memory_space<vmem>>, vector<1x128xf32>
    %mul3A_50 = vector.broadcast %get3A_49 : vector<1x128xf32> to vector<10000x128xf32>
    %mul3A_51 = arith.mulf %mul3A_46, %mul3A_50 : vector<10000x128xf32>
    %get3A_52 = arith.constant 0 : index
    %get3A_53 = arith.constant 0 : index
    %get3A_54 = vector.load %arg7[%get3A_52, %get3A_53] : memref<1x128xf32, #tpu.memory_space<vmem>>, vector<1x128xf32>
    %add3A_55 = vector.broadcast %get3A_54 : vector<1x128xf32> to vector<10000x128xf32>
    %add3A_56 = arith.addf %mul3A_51, %add3A_55 : vector<10000x128xf32>
    %max3A_57 = arith.constant 0.000000e+00 : f32
    %max3A_58 = vector.broadcast %max3A_57 : f32 to vector<10000x128xf32>
    %max3A_59 = arith.maximumf %add3A_56, %max3A_58 : vector<10000x128xf32>
    %swap3A = arith.constant 0 : index
    %swap3A_60 = arith.constant 0 : index
    %swap3A_61 = vector.load %arg8[%swap3A, %swap3A_60] : memref<10000x128xf32, #tpu.memory_space<vmem>>, vector<10000x128xf32>
    tpu.vector_store %arg8[%swap3A, %swap3A_60], %max3A_59 {strides = array<i32>} : memref<10000x128xf32, #tpu.memory_space<vmem>>, vector<10000x128xf32>,
    return
  }
}

module attributes {stable_mosaic.version = 14 : i64} {
  func.func @_lambda_(%arg0: memref<20480x128xf32, #tpu.memory_space<vmem>>, %arg1: memref<32x10240xf32, #tpu.memory_space<vmem>>, %arg2: memref<10000x128xf32, #tpu.memory_space<vmem>>, %arg3: memref<128x128xf32, #tpu.memory_space<vmem>>, %arg4: memref<1x128xf32, #tpu.memory_space<vmem>>, %arg5: memref<128x128xf32, #tpu.memory_space<vmem>>, %arg6: memref<1x128xf32, #tpu.memory_space<vmem>>, %arg7: memref<1x128xf32, #tpu.memory_space<vmem>>, %arg8: memref<10000x128xf32, #tpu.memory_space<vmem>>, %arg9: memref<10000x128xf32, #tpu.memory_space<vmem>>) attributes {dimension_semantics = [], scalar_prefetch = 0 : i64, scratch_operands = 0 : i64, tpu.core_type = #tpu.core_type<tc>} {
    %get3A = arith.constant 0 : index
    %get3A_0 = arith.constant 0 : index
    %get3A_1 = vector.load %arg0[%get3A, %get3A_0] : memref<20480x128xf32, #tpu.memory_space<vmem>>, vector<10000x128xf32>
    %get3A_2 = arith.constant 10240 : index
    %get3A_3 = arith.constant 0 : index
    %get3A_4 = vector.load %arg0[%get3A_2, %get3A_3] : memref<20480x128xf32, #tpu.memory_space<vmem>>, vector<10000x128xf32>
    %add3A = arith.addf %get3A_1, %get3A_4 : vector<10000x128xf32>
    %get3A_5 = arith.constant 0 : index
    %get3A_6 = arith.constant 0 : index
    %get3A_7 = vector.load %arg1[%get3A_5, %get3A_6] : memref<32x10240xf32, #tpu.memory_space<vmem>>, vector<32x10240xf32>
    %reduce_sum3A = arith.constant dense<0.000000e+00> : vector<10240xf32>
    %reduce_sum3A_8 = vector.multi_reduction <add>, %get3A_7, %reduce_sum3A [0] : vector<32x10240xf32> to vector<10240xf32>
    %reshape3A = vector.shape_cast %reduce_sum3A_8 : vector<10240xf32> to vector<10240x1xf32>
    %slice3A = vector.extract_strided_slice %reshape3A {offsets = [0, 0], sizes = [10000, 1], strides = [1, 1]} : vector<10240x1xf32> to vector<10000x1xf32>
    %jit3A = arith.constant 1.000000e+00 : f32
    %max3A = vector.broadcast %jit3A : f32 to vector<10000x1xf32>
    %max3A_9 = arith.maximumf %max3A, %slice3A : vector<10000x1xf32>
    %div3A = vector.broadcast %max3A_9 : vector<10000x1xf32> to vector<10000x128xf32>
    %div3A_10 = arith.divf %add3A, %div3A : vector<10000x128xf32>
    %get3A_11 = arith.constant 0 : index
    %get3A_12 = arith.constant 0 : index
    %get3A_13 = vector.load %arg3[%get3A_11, %get3A_12] : memref<128x128xf32, #tpu.memory_space<vmem>>, vector<128x128xf32>
    %dot_general3A = arith.constant dense<0.000000e+00> : vector<10000x128xf32>
    %dot_general3A_14 = tpu.matmul %div3A_10, %get3A_13, %dot_general3A {dimension_numbers = #tpu.dot_dimension_numbers<[1], [0], [0], [1], [0, 0, 1, 1], [], []>, transpose_lhs_hint = false} : vector<10000x128xf32>, vector<128x128xf32>, vector<10000x128xf32> -> vector<10000x128xf32>
    %get3A_15 = arith.constant 0 : index
    %get3A_16 = arith.constant 0 : index
    %get3A_17 = vector.load %arg4[%get3A_15, %get3A_16] : memref<1x128xf32, #tpu.memory_space<vmem>>, vector<1x128xf32>
    %add3A_18 = vector.broadcast %get3A_17 : vector<1x128xf32> to vector<10000x128xf32>
    %add3A_19 = arith.addf %dot_general3A_14, %add3A_18 : vector<10000x128xf32>
    %get3A_20 = arith.constant 0 : index
    %get3A_21 = arith.constant 0 : index
    %get3A_22 = vector.load %arg2[%get3A_20, %get3A_21] : memref<10000x128xf32, #tpu.memory_space<vmem>>, vector<10000x128xf32>
    %get3A_23 = arith.constant 0 : index
    %get3A_24 = arith.constant 0 : index
    %get3A_25 = vector.load %arg5[%get3A_23, %get3A_24] : memref<128x128xf32, #tpu.memory_space<vmem>>, vector<128x128xf32>
    %dot_general3A_26 = arith.constant dense<0.000000e+00> : vector<10000x128xf32>
    %dot_general3A_27 = tpu.matmul %get3A_22, %get3A_25, %dot_general3A_26 {dimension_numbers = #tpu.dot_dimension_numbers<[1], [0], [0], [1], [0, 0, 1, 1], [], []>, transpose_lhs_hint = false} : vector<10000x128xf32>, vector<128x128xf32>, vector<10000x128xf32> -> vector<10000x128xf32>
    %add3A_28 = arith.addf %add3A_19, %dot_general3A_27 : vector<10000x128xf32>
    %reduce_sum3A_29 = arith.constant dense<0.000000e+00> : vector<10000xf32>
    %reduce_sum3A_30 = vector.multi_reduction <add>, %add3A_28, %reduce_sum3A_29 [1] : vector<10000x128xf32> to vector<10000xf32>
    %broadcast_in_dim3A = vector.shape_cast %reduce_sum3A_30 : vector<10000xf32> to vector<10000x1xf32>
    %div3A_31 = arith.constant 1.280000e+02 : f32
    %div3A_32 = vector.broadcast %div3A_31 : f32 to vector<10000x1xf32>
    %div3A_33 = arith.divf %broadcast_in_dim3A, %div3A_32 : vector<10000x1xf32>
    %sub3A = vector.broadcast %div3A_33 : vector<10000x1xf32> to vector<10000x128xf32>
    %sub3A_34 = arith.subf %add3A_28, %sub3A : vector<10000x128xf32>
    %integer_pow3A = arith.mulf %sub3A_34, %sub3A_34 : vector<10000x128xf32>
    %reduce_sum3A_35 = arith.constant dense<0.000000e+00> : vector<10000xf32>
    %reduce_sum3A_36 = vector.multi_reduction <add>, %integer_pow3A, %reduce_sum3A_35 [1] : vector<10000x128xf32> to vector<10000xf32>
    %broadcast_in_dim3A_37 = vector.shape_cast %reduce_sum3A_36 : vector<10000xf32> to vector<10000x1xf32>
    %div3A_38 = arith.constant 1.280000e+02 : f32
    %div3A_39 = vector.broadcast %div3A_38 : f32 to vector<10000x1xf32>
    %div3A_40 = arith.divf %broadcast_in_dim3A_37, %div3A_39 : vector<10000x1xf32>
    %sub3A_41 = vector.broadcast %div3A_33 : vector<10000x1xf32> to vector<10000x128xf32>
    %sub3A_42 = arith.subf %add3A_28, %sub3A_41 : vector<10000x128xf32>
    %add3A_43 = arith.constant 9.99999974E-6 : f32
    %add3A_44 = vector.broadcast %add3A_43 : f32 to vector<10000x1xf32>
    %add3A_45 = arith.addf %div3A_40, %add3A_44 : vector<10000x1xf32>
    %rsqrt3A = math.rsqrt %add3A_45 : vector<10000x1xf32>
    %mul3A = vector.broadcast %rsqrt3A : vector<10000x1xf32> to vector<10000x128xf32>
    %mul3A_46 = arith.mulf %sub3A_42, %mul3A : vector<10000x128xf32>
    %get3A_47 = arith.constant 0 : index
    %get3A_48 = arith.constant 0 : index
    %get3A_49 = vector.load %arg6[%get3A_47, %get3A_48] : memref<1x128xf32, #tpu.memory_space<vmem>>, vector<1x128xf32>
    %mul3A_50 = vector.broadcast %get3A_49 : vector<1x128xf32> to vector<10000x128xf32>
    %mul3A_51 = arith.mulf %mul3A_46, %mul3A_50 : vector<10000x128xf32>
    %get3A_52 = arith.constant 0 : index
    %get3A_53 = arith.constant 0 : index
    %get3A_54 = vector.load %arg7[%get3A_52, %get3A_53] : memref<1x128xf32, #tpu.memory_space<vmem>>, vector<1x128xf32>
    %add3A_55 = vector.broadcast %get3A_54 : vector<1x128xf32> to vector<10000x128xf32>
    %add3A_56 = arith.addf %mul3A_51, %add3A_55 : vector<10000x128xf32>
    %max3A_57 = arith.constant 0.000000e+00 : f32
    %max3A_58 = vector.broadcast %max3A_57 : f32 to vector<10000x128xf32>
    %max3A_59 = arith.maximumf %add3A_56, %max3A_58 : vector<10000x128xf32>
    %get3A_60 = arith.constant 0 : index
    %get3A_61 = arith.constant 0 : index
    %get3A_62 = vector.load %arg8[%get3A_60, %get3A_61] : memref<10000x128xf32, #tpu.memory_space<vmem>>, vector<10000x128xf32>
    %add3A_63 = arith.addf %max3A_59, %get3A_62 : vector<10000x128xf32>
    %swap3A = arith.constant 0 : index
    %swap3A_64 = arith.constant 0 : index
    %swap3A_65 = vector.load %arg9[%swap3A, %swap3A_64] : memref<10000x128xf32, #tpu.memory_space<vmem>>, vector<10000x128xf32>
    tpu.vector_store %arg9[%swap3A, %swap3A_64], %add3A_63 {strides = array<i32>} : memref<10000x128xf32, #tpu.memory_space<vmem>>, vector<10000x128xf32>,
    return
  }
}

</mosaic_0001>

<sc_bundles>
// kernel: kernel.10.cloned.1.call-start
scs
__scs_entry_jumppad:
0x0: {  	(pc) =	sbr.rel $0x88, $3  }
0x1: {  	(tag) =	ssettag $0x0;
	lr =	simm.s32 $0x1  }
0x2: {  	[smem:$0x3F95] =	sst lr;
	_ =	strace $0xD0000000  }
0x3: {  	_ = 	snop  }
0x4: {  	_ = 	snop  }
0x5: {  	_ = 	snop  }
0x6: {  	_ = 	snop  }
0x7: {  	_ = 	snop  }
__scs_overlays_trampoline_lowered:
0x8: {  	[smem:$0x3FA4] =	sst s0  }
0x9: {  	[smem:$0x3FA5] =	sst s1  }
0xa: {  	[smem:$0x3FA6] =	sst s2  }
0xb: {  	[smem:$0x3FA7] =	sst s3  }
0xc: {  	[smem:$0x3FA8] =	sst s4  }
0xd: {  	[smem:$0x3FA9] =	sst s5  }
0xe: {  	[smem:$0x3FAA] =	sst s6  }
0xf: {  	[smem:$0x3FAB] =	sst s7  }
0x10: {  	[smem:$0x3FAC] =	sst s8  }
0x11: {  	[smem:$0x3FAD] =	sst s9;
	s0 =	simm.s32 @!p0 $0x0  }
0x12: {  	s1 =	sld [smem:$0x3F93];
	s0 =	simm.s32 @p0 $0x1  }
0x13: {  	[smem:$0x3FAE] =	sst s0;
	s0 =	simm.s32 @!p1 $0x0  }
0x14: {  	s2 =	sld [smem:$0x3F92];
	s0 =	simm.s32 @p1 $0x1  }
0x15: {  	[smem:$0x3FAF] =	sst s0;
	s0 =	simm.s32 @!p2 $0x0  }
0x16: {  	s3 =	sld [smem:$0x3FDB];
	s0 =	simm.s32 @p2 $0x1  }
0x17: {  	s4 =	simm.s32 $0x1BF5;
	[smem:$0x3FB1] =	sst s0  }
0x18: {  	s0 =	sld [smem:$0x3F94];
	_ =	swait.ge [sflag:s4], $0x0  }
0x19: {  	s7 =	sld [smem:$0x3F95]  }
0x1a: {  	s8 =	sadd.s32 $0xFFFFE003, lr  }
0x1b: {  	s9 =	sadd.s32 $0xFFFFFEF7, lr;
	s5 =	simm.s32 $0xFFFFFFFF;
	p2 =	slt.u32 s8, $0xFFFFF086  }
0x1c: {  	p1 =	slt.u32 s9, $0xF7A;
	s5 =	simm.s32 @!p2 $0x0  }
0x1d: {  	s5 =	simm.s32 @p1 $0x1;
	p0 =	seq.s32 s7, s2  }
0x1e: {  	s7 =	smul.u32 @!p0 $0xF7A, s2;
	p2 =	seq.s32 @!p0 s5, $0x0  }
0x1f: {  	s9 =	smul.u32 $0xF7A, s1;
	s8 =	simm.s32 @!p0 $0x1BF5;
	p2 =	por !p2, p0  }
0x20: {  	[sflag:s8] =	ssyncset.s32 @!p0 $0xFFFFF086;
	s6 =	sadd.s32 @!p0 s3, s7;
	s7 =	simm.s32 @!p0 $0x108  }
0x21: {  	s3 =	sadd.s32 s3, s9;
	s6 =	sadd.s32 @!p0 $0x88, s6;
	s7 =	simm.s32 @p2 $0x1082  }
0x22: {  	[simem:s7], [sflag:s8] =	dma.local @!p0 [hbm:s6], $0xF7A  }
0x23: {  	s9 =	sor.u32 $0xD0000000, s2;
	s6 =	simm.s32 $0x108;
	_ =	swait.ge @!p0 [sflag:s8], $0x0  }
0x24: {  	s3 =	sadd.s32 $0x88, s3;
	s6 =	simm.s32 @!p1 $0x1082;
	[sflag:s4] =	ssyncset.s32 $0xFFFFF086  }
0x25: {  	[simem:s6], [sflag:s4] =	dma.local [hbm:s3], $0xF7A  }
0x26: {  	[smem:$0x3F95] =	sst s1;
	(tag) =	ssettag s2;
	_ =	strace s9  }
0x27: {  	s1 =	sld [smem:$0x3FA5]  }
0x28: {  	s2 =	sld [smem:$0x3FA6]  }
0x29: {  	s4 =	sld [smem:$0x3FA8]  }
0x2a: {  	p0 =	seq.s32 s5, $0x0;
	s5 =	sld [smem:$0x3FA9]  }
0x2b: {  	s6 =	sld [smem:$0x3FAA]  }
0x2c: {  	s7 =	sld [smem:$0x3FAB]  }
0x2d: {  	s3 =	simm.s32 $0x108;
	s8 =	sld [smem:$0x3FAC]  }
0x2e: {  	s3 =	simm.s32 @!p0 $0x1082;
	s9 =	sld [smem:$0x3FAD]  }
0x2f: {  	lr =	sadd.s32 s0, s3;
	s0 =	sld [smem:$0x3FA4]  }
0x30: {  	s3 =	sld [smem:$0x3FA7]  }
0x31: {  	[smem:$0x3FB0] =	sst s10  }
0x32: {  	s10 =	sld [smem:$0x3FAE];
	_ =	sdelay $0x3  }
0x33: {  	p0 =	seq.s32 s10, $0x1;
	s10 =	sld [smem:$0x3FB0];
	_ =	sdelay $0x3  }
0x34: {  	[smem:$0x3FB0] =	sst s10  }
0x35: {  	s10 =	sld [smem:$0x3FAF];
	_ =	sdelay $0x3  }
0x36: {  	p1 =	seq.s32 s10, $0x1;
	s10 =	sld [smem:$0x3FB0];
	_ =	sdelay $0x3  }
0x37: {  	[smem:$0x3FB0] =	sst s10  }
0x38: {  	s10 =	sld [smem:$0x3FB1]  }
0x39: {  	_ = 	snop;
	(pc) =	sbr.ind lr, $3  }
0x3a: {  	_ = 	snop  }
0x3b: {  	_ = 	snop  }
0x3c: {  	p2 =	seq.s32 s10, $0x1;
	s10 =	sld [smem:$0x3FB0]  }
0x3d: {  	_ =	shalt  }
0x3e: {  	_ =	shalt  }
0x3f: {  	_ =	shalt  }
0x40: {  	_ =	shalt  }
0x41: {  	_ =	shalt  }
0x42: {  	_ =	shalt  }
0x43: {  	_ =	shalt  }
0x44: {  	_ =	shalt  }
0x45: {  	_ =	shalt  }
0x46: {  	_ =	shalt  }
0x47: {  	_ =	shalt  }
0x48: {  	_ =	shalt  }
0x49: {  	_ =	shalt  }
0x4a: {  	_ =	shalt  }
0x4b: {  	_ =	shalt  }
0x4c: {  	_ =	shalt  }
0x4d: {  	_ =	shalt  }
0x4e: {  	_ =	shalt  }
0x4f: {  	_ =	shalt  }
0x50: {  	_ =	shalt  }
0x51: {  	_ =	shalt  }
0x52: {  	_ =	shalt  }
0x53: {  	_ =	shalt  }
0x54: {  	_ =	shalt  }
0x55: {  	_ =	shalt  }
0x56: {  	_ =	shalt  }
0x57: {  	_ =	shalt  }
0x58: {  	_ =	shalt  }
0x59: {  	_ =	shalt  }
0x5a: {  	_ =	shalt  }
0x5b: {  	_ =	shalt  }
0x5c: {  	_ =	shalt  }
0x5d: {  	_ =	shalt  }
0x5e: {  	_ =	shalt  }
0x5f: {  	_ =	shalt  }
0x60: {  	_ =	shalt  }
0x61: {  	_ =	shalt  }
0x62: {  	_ =	shalt  }
0x63: {  	_ =	shalt  }
0x64: {  	_ =	shalt  }
0x65: {  	_ =	shalt  }
0x66: {  	_ =	shalt  }
0x67: {  	_ =	shalt  }
0x68: {  	_ =	shalt  }
0x69: {  	_ =	shalt  }
0x6a: {  	_ =	shalt  }
0x6b: {  	_ =	shalt  }
0x6c: {  	_ =	shalt  }
0x6d: {  	_ =	shalt  }
0x6e: {  	_ =	shalt  }
0x6f: {  	_ =	shalt  }
0x70: {  	_ =	shalt  }
0x71: {  	_ =	shalt  }
0x72: {  	_ =	shalt  }
0x73: {  	_ =	shalt  }
0x74: {  	_ =	shalt  }
0x75: {  	_ =	shalt  }
0x76: {  	_ =	shalt  }
0x77: {  	_ =	shalt  }
0x78: {  	_ =	shalt  }
0x79: {  	_ =	shalt  }
0x7a: {  	_ =	shalt  }
0x7b: {  	_ =	shalt  }
0x7c: {  	_ =	shalt  }
0x7d: {  	_ =	shalt  }
0x7e: {  	_ =	shalt  }
0x7f: {  	_ =	shalt  }
0x80: {  	_ =	shalt  }
0x81: {  	_ =	shalt  }
0x82: {  	_ =	shalt  }
0x83: {  	_ =	shalt  }
0x84: {  	_ =	shalt  }
0x85: {  	_ =	shalt  }
0x86: {  	_ =	shalt  }
0x87: {  	_ =	shalt  }
.Lfunc_end0:
.L_simem_size_0:
called_computation.1_lowered:
.L_overlay_start_0:
0x88: {  	s2 =	sld [smem:$0x3FD9]  }
0x89: {  	s3 =	sld [smem:$0x3FFE];
	_ =	sdelay $0x1  }
0x8a: {  	s1 =	srdreg.scid  }
0x8b: {  	s0 =	sand.u32 $0x1, s1  }
0x8c: {  	s17 =	sshll.u32 s0, $0xA;
	s2 =	sadd.s32 s3, s2  }
0x8d: {  	s2 =	sadd.s32 s2, s17  }
0x8e: {  	[smem:$0x3FBC] =	sst s2  }
0x8f: {  	_ = 	snop  }
0x90: {  	s18 =	sld [smem:$0x3FC9];
	(tm) =	ssettm $0x1  }
0x91: {  	s19 =	sld [smem:$0x3FFB];
	_ =	sdelay $0x3  }
0x92: {  	_ =	strace s19  }
0x93: {  	s2 =	sld [smem:$0x3FFC];
	_ =	sdelay $0x3  }
0x94: {  	_ =	strace s2  }
0x95: {  	s2 =	sld [smem:$0x3FFD];
	_ =	sdelay $0x3  }
0x96: {  	_ =	strace s2  }
0x97: {  	_ =	strace $0x8FFFFFFF  }
0x98: {  	s20 =	sld [smem:$0x3FDB];
	_ =	sdelay $0x1  }
0x99: {  	s4 =	simm.s32 $_scs_section_size  }
0x9a: {  	s5 =	simm.s32 $_size__tile_overlayer_lowered;
	s6 =	simm.s32 $_tile_overlayer_lowered  }
0x9b: {  	s7 =	simm.s32 $0x1BFF;
	s21 =	sshll.u32 s6, $0x1;
	s4 =	sadd.s32 s4, s20  }
0x9c: {  	s22 =	simm.s32 $0x0;
	s5 =	sshll.u32 s5, $0x1;
	s6 =	sadd.s32 s21, s4  }
0x9d: {  	[timem:s22], [sflag:s7] =	dma.local [hbm:s6], s5  }
0x9e: {  	_ =	swait.ge [sflag:s7], s5  }
0x9f: {  	s5 =	ssub.s32 $0x0, s5;
	[sflag:s7] =	ssyncset.done $0x0  }
0xa0: {  	[sflag:s7] =	ssyncadd.s32 s5;
	_ =	sdelay $0x1  }
0xa1: {  	s23 =	simm.s32 $0x1B8B  }
0xa2: {  	_ =	swait.ge [sflag:s23], $0x1  }
0xa3: {  	[sflag:s23] =	ssyncset.done $0x0  }
0xa4: {  	[sflag:s23] =	ssyncadd.s32 $0xFFFFFFFF  }
0xa5: {  	s5 =	sld [smem:$0x0]  }
0xa6: {  	s6 =	sand.u32 $0xFFFFFFFE, s1  }
0xa7: {  	p0 =	sne.s32 s1, s6  }
0xa8: {  	s6 =	sshll.u32 @p0 s6, $0xE  }
0xa9: {  	s6 =	sadd.s32 @p0 $0x11B8D, s6;
	s7 =	sshll.u32 @p0 s5, $0x11  }
0xaa: {  	s6 =	sor.u32 @p0 s7, s6  }
0xab: {  	[sflag:s6] =	ssyncadd.remote.s32 @p0 $0x1;
	_ =	sdelay $0x1  }
0xac: {  	s6 =	simm.s32 @p0 $0x1B8D  }
0xad: {  	_ =	swait.eq @p0 [sflag:s6], $0x1  }
0xae: {  	[sflag:s6] =	ssyncadd.s32 @p0 $0xFFFFFFFF  }
0xaf: {  	s7 =	sshll.u32 @!p0 s1, $0xE  }
0xb0: {  	s7 =	sor.u32 @!p0 $0x4000, s7;
	s6 =	simm.s32 @!p0 $0x1B8D  }
0xb1: {  	s5 =	sshll.u32 @!p0 s5, $0x11;
	s7 =	sadd.s32 @!p0 $0x11B8D, s7;
	_ =	swait.eq @!p0 [sflag:s6], $0x1  }
0xb2: {  	s5 =	sor.u32 @!p0 s5, s7;
	[sflag:s6] =	ssyncadd.s32 @!p0 $0xFFFFFFFF  }
0xb3: {  	s25 =	simm.s32 $0x1B8E;
	s24 =	sld [smem:$0x3FFE];
	[sflag:s5] =	ssyncadd.remote.s32 @!p0 $0x1  }
0xb4: {  	s26 =	simm.s32 $execute0_lowered;
	[smem:$0x3FD2] =	sst s25  }
0xb5: {  	s6 =	sshll.u32 s26, $0x1;
	_ =	strace $0x80000049;
	[dreg:$0x1] =	wrdreg $0xFFFFFFFF  }
0xb6: {  	s28 =	simm.s32 $_size_execute0_lowered;
	s4 =	sadd.s32 s4, s6;
	[dreg:$0x0] =	wrdreg $0x0  }
0xb7: {  	s6 =	sshll.u32 s28, $0x1;
	[dreg:$0x2] =	wrdreg s4  }
0xb8: {  	[dreg:$0x3] =	wrdreg s6  }
0xb9: {  	[dreg:$0x4] =	wrdreg $0xC0  }
0xba: {  	_ =	task [dreg:s22], $0x5FFFF  }
0xbb: {  	[dreg:$0x1] =	wrdreg $0xFFFFFFFF  }
0xbc: {  	[dreg:$0x0] =	wrdreg $0x60  }
0xbd: {  	[dreg:$0x2] =	wrdreg s18  }
0xbe: {  	[dreg:$0x3] =	wrdreg s24  }
0xbf: {  	[dreg:$0x4] =	wrdreg $0xA8000  }
0xc0: {  	[dreg:$0x5] =	wrdreg $0xA  }
0xc1: {  	_ =	task.clear_ibuf [dreg:s22], $0x6FFFF;
	_ =	strace $0x90000049  }
0xc2: {  	s29 =	simm.s32 $0xA;
	_ =	strace $0x8000004B  }
0xc3: {  	_ =	swait.ge [sflag:s29], $0x1  }
0xc4: {  	[sflag:s29] =	ssyncadd.s32 $0xFFFFFFFF  }
0xc5: {  	_ =	strace $0x9000004B  }
0xc6: {  	_ =	sfence  }
0xc7: {  	s30 =	sld [smem:$0x0];
	_ =	sdelay $0x2  }
0xc8: {  	s31 =	sshll.u32 s1, $0xD;
	s1 =	sshrl.u32 s1, $0x2  }
0xc9: {  	s4 =	sand.u32 $0x4000, s31;
	s1 =	sadd.s32 s1, s30  }
0xca: {  	s0 =	sor.u32 s4, s0;
	s1 =	sshll.u32 s1, $0x11  }
0xcb: {  	s0 =	sor.u32 s1, s0  }
0xcc: {  	s0 =	sadd.s32 $0x8F2B, s0  }
0xcd: {  	[sflag:s0] =	ssyncadd.remote.s32 $0x1  }
0xce: {  	_ =	sfence.sel $0xFFFF  }
0xcf: {  	[dreg:$0x0] =	wrdreg $0xFFFFFFFF;
	(pc) =	sbr.abs _section_cstart, $3  }
0xd0: {  	[dreg:$0x1] =	wrdreg $0xFFFFFFFF  }
0xd1: {  	_ =	task.clear_ibuf [dreg:s22], $0x2FFFF;
	_ =	strace $0x9FFFFFFF  }
0xd2: {  	(tm) =	ssettm $0x7FFFFFFF  }
0xd3: {  	_ =	shalt  }
tec
execute0_lowered:
.L_overlay_start_1:
0x0: {  	(tag) =	ssettag $0x1  }
0x1: {  	s1 =	rddreg [dreg:$0x0]  }
0x2: {  	s0 =	rddreg [dreg:$0x1]  }
0x3: {  	s2 =	rddreg [dreg:$0x2];
	s3 =	srdreg.scid;
	s4 =	simm.s32 $0x0  }
0x4: {  	s22 =	stileid.u32;
	s18 =	simm.s32 $0x4;
	s19 =	simm.s32 $0x1000  }
0x5: {  	s20 =	simm.s32 $0x64;
	s21 =	simm.s32 $0x4000;
	s28 =	simm.s32 $0x3  }
0x6: {  	s29 =	simm.s32 $0x1C00;
	s30 =	simm.s32 $0x3C00;
	s31 =	simm.s32 $0x0  }
0x7: {  	s5 =	sand.u32 $0x1, s3;
	[smem:$0x7FF] =	sst s4;
	s13 =	sadd.s32 $0x1CA00, s0  }
0x8: {  	s14 =	sadd.s32 $0xCA00, s0;
	s9 =	smul.u32 $0x50000, s22;
	s23 =	sadd.s32 $0x2CA00, s0  }
0x9: {  	s26 =	sshll.u32 s22, $0x6;
	s6 =	sshll.u32 s5, $0x4;
	_ =	strace $0x8000004A  }
0xa: {  	s8 =	ssub.s32 $0x2, s5;
	[dreg:$0x4] =	wrdreg s23;
	s23 =	simm.s32 $0x3000  }
0xb: {  	s7 =	sor.u32 s22, s6;
	s24 =	sshrl.u32 s8, $0x1;
	s25 =	sshrl.u32 s9, $0x2  }
0xc: {  	s22 =	simm.s32 $0x2000;
	s6 =	smul.u32 $0x2800, s7;
	s16 =	ssub.s32 s8, s24  }
0xd: {  	s17 =	sadd.s32 s25, s2;
	s15 =	sshll.u32 s7, $0xB;
	s24 =	simm.s32 $0x1  }
0xe: {  	s25 =	simm.s32 $0x7400;
	s7 =	sadd.s32 s13, s15;
	s8 =	sadd.s32 s14, s15  }
0xf: {  	s10 =	sor.u32 $0x200, s15;
	s12 =	sor.u32 $0x400, s15;
	s15 =	sor.u32 $0x600, s15  }
0x10: {  	s16 =	smax.u32 s16, $0x1;
	s17 =	sshrl.u32 s17, $0x3;
	s0 =	sadd.s32 s6, s0  }
0x11: {  	s6 =	sor.u32 $0x1C04, s26;
	s9 =	sadd.s32 s13, s10;
	s10 =	sadd.s32 s14, s10  }
0x12: {  	s11 =	sadd.s32 s13, s12;
	s12 =	sadd.s32 s14, s12;
	s13 =	sadd.s32 s13, s15  }
0x13: {  	s14 =	sadd.s32 s14, s15;
	s26 =	simm.s32 $0x2;
	s15 =	sadd.s32 $0x2F200, s0  }
.LBB2_1:
0x14: {  	s0 =	rddreg [dreg:$0x4]  }
0x15: {  	[spmem:s17], [sflag:s6] =	dma.local [hbm:s0], $0x2800  }
0x16: {  	_ =	swait.ge [sflag:s18], $0x2800  }
0x17: {  	[sflag:s18] =	ssyncset.done $0x0  }
0x18: {  	[sflag:s18] =	ssyncadd.s32 $0xFFFFD800  }
0x19: {  	[bflag:$0x0] =	sbarrier.arrive $0xFFFF  }
0x1a: {  	[tilespmem:s4], [sflag:$0x4] =	stream.linear.gather [hbm4b:s7+s4], $0xC80, $0x38;
	[tilespmem:$0x1E800] =	vst v63  }
0x1b: {  	_ =	swait.ge [sflag:s18], $0xC80  }
0x1c: {  	[sflag:s18] =	ssyncset.done $0x0  }
0x1d: {  	[sflag:s18] =	ssyncadd.s32 $0xFFFFF380  }
0x1e: {  	[tilespmem:s19], [sflag:$0x4] =	stream.linear.gather [hbm4b:s8+s4], $0xC80, $0x38;
	[tilespmem:$0x1E800] =	vst v63  }
0x1f: {  	_ =	swait.ge [sflag:s18], $0xC80  }
0x20: {  	[sflag:s18] =	ssyncset.done $0x0  }
0x21: {  	[sflag:s18] =	ssyncadd.s32 $0xFFFFF380  }
0x22: {  	[tilespmem:s21], [sflag:$0x1] =	stream.indirect.gather [hbm4b:s1+s20], $0x80, s4, s20, $0xb8;
	[tilespmem:$0x1E800] =	vst v63  }
0x23: {  	_ = 	snop  }
0x24: {  	[tilespmem:s22], [sflag:$0x3] =	stream.linear.gather [hbm4b:s9+s4], $0xC80, $0x38;
	[tilespmem:$0x1E800] =	vst v63  }
0x25: {  	_ = 	snop  }
0x26: {  	[tilespmem:s23], [sflag:$0x3] =	stream.linear.gather [hbm4b:s10+s4], $0xC80, $0x38;
	[tilespmem:$0x1E800] =	vst v63  }
0x27: {  	_ =	swait.ge [sflag:s24], $0x3200  }
0x28: {  	[sflag:s24] =	ssyncset.done $0x0  }
0x29: {  	s3 =	simm.s32 $0x80;
	[sflag:s24] =	ssyncadd.s32 $0xFFFFCE00  }
0x2a: {  	[tilespmem:s25], [sflag:$0x2] =	stream.indirect.gather [hbm4b:s1+s20], $0x80, s3, s20, $0xb8;
	[tilespmem:$0x1E800] =	vst v63  }
0x2b: {  	s5 =	simm.s32 $0x1000  }
0x2c: {  	[spmem:s2] =	stream.indirect.scatter.add.f32 [tilespmem:s21], [sflag:$0x4], $0x80, s5, s20, $0xb8;
	[tilespmem:$0x1E800] =	vst v63  }
0x2d: {  	_ =	swait.ge [sflag:s18], $0x3200  }
0x2e: {  	[sflag:s18] =	ssyncset.done $0x0  }
0x2f: {  	[sflag:s18] =	ssyncadd.s32 $0xFFFFCE00  }
0x30: {  	_ =	swait.ge [sflag:s26], $0x3200  }
0x31: {  	[sflag:s26] =	ssyncset.done $0x0  }
0x32: {  	s3 =	simm.s32 $0x100;
	[sflag:s26] =	ssyncadd.s32 $0xFFFFCE00  }
0x33: {  	[tilespmem:s21], [sflag:$0x1] =	stream.indirect.gather [hbm4b:s1+s20], $0x80, s3, s20, $0xb8;
	[tilespmem:$0x1E800] =	vst v63  }
0x34: {  	s5 =	simm.s32 $0x1080  }
0x35: {  	[spmem:s2] =	stream.indirect.scatter.add.f32 [tilespmem:s25], [sflag:$0x4], $0x80, s5, s20, $0xb8;
	[tilespmem:$0x1E800] =	vst v63  }
0x36: {  	_ =	swait.ge [sflag:s18], $0x3200  }
0x37: {  	s0 =	simm.s32 $0x400;
	[sflag:s18] =	ssyncset.done $0x0  }
.LBB2_2:
0x38: {  	p0 =	sne.s32 s0, $0x2C00  }
0x39: {  	[sflag:s18] =	ssyncadd.s32 $0xFFFFCE00;
	s3 =	smov.u32 s0;
	s0 =	sadd.s32 $0x400, s0  }
0x3a: {  	_ = 	snop  }
0x3b: {  	_ =	swait.ge [sflag:s24], $0x3200  }
0x3c: {  	s3 =	sshra.s32 s3, $0x2;
	[sflag:s24] =	ssyncset.done $0x0  }
0x3d: {  	s5 =	sadd.s32 $0x80, s3;
	[sflag:s24] =	ssyncadd.s32 $0xFFFFCE00  }
0x3e: {  	[tilespmem:s25], [sflag:$0x2] =	stream.indirect.gather [hbm4b:s1+s20], $0x80, s5, s20, $0xb8;
	[tilespmem:$0x1E800] =	vst v63  }
0x3f: {  	s5 =	sadd.s32 $0x1000, s3  }
0x40: {  	[spmem:s2] =	stream.indirect.scatter.add.f32 [tilespmem:s21], [sflag:$0x4], $0x80, s5, s20, $0xb8;
	[tilespmem:$0x1E800] =	vst v63  }
0x41: {  	_ =	swait.ge [sflag:s18], $0x3200  }
0x42: {  	[sflag:s18] =	ssyncset.done $0x0  }
0x43: {  	[sflag:s18] =	ssyncadd.s32 $0xFFFFCE00  }
0x44: {  	_ =	swait.ge [sflag:s26], $0x3200  }
0x45: {  	[sflag:s26] =	ssyncset.done $0x0  }
0x46: {  	s5 =	sadd.s32 $0x100, s3;
	[sflag:s26] =	ssyncadd.s32 $0xFFFFCE00  }
0x47: {  	[tilespmem:s21], [sflag:$0x1] =	stream.indirect.gather [hbm4b:s1+s20], $0x80, s5, s20, $0xb8;
	[tilespmem:$0x1E800] =	vst v63  }
.Ltmp0:
0x48: {  	_ = 	snop;
	(pc) =	sbr.rel @p0 .LBB2_2-.Ltmp0, $4  }
0x49: {  	s3 =	sadd.s32 $0x1080, s3  }
0x4a: {  	[spmem:s2] =	stream.indirect.scatter.add.f32 [tilespmem:s25], [sflag:$0x4], $0x80, s3, s20, $0xb8;
	[tilespmem:$0x1E800] =	vst v63  }
0x4b: {  	_ =	swait.ge [sflag:s18], $0x3200  }
0x4c: {  	[sflag:s18] =	ssyncset.done $0x0  }
0x4d: {  	[sflag:s18] =	ssyncadd.s32 $0xFFFFCE00  }
0x4e: {  	_ =	swait.ge [sflag:s24], $0x3200  }
0x4f: {  	[sflag:s24] =	ssyncset.done $0x0  }
0x50: {  	[sflag:s24] =	ssyncadd.s32 $0xFFFFCE00  }
0x51: {  	_ =	swait.ge [sflag:s28], $0xC80  }
0x52: {  	[sflag:s28] =	ssyncset.done $0x0  }
0x53: {  	[sflag:s28] =	ssyncadd.s32 $0xFFFFF380  }
0x54: {  	_ =	swait.ge [sflag:s28], $0xC80  }
0x55: {  	[sflag:s28] =	ssyncset.done $0x0  }
0x56: {  	[sflag:s28] =	ssyncadd.s32 $0xFFFFF380  }
0x57: {  	[tilespmem:s25], [sflag:$0x2] =	stream.indirect.gather [hbm4b:s1+s20], $0x80, s22, s20, $0xb8;
	[tilespmem:$0x1E800] =	vst v63  }
0x58: {  	_ = 	snop  }
0x59: {  	[spmem:s2] =	stream.indirect.scatter.add.f32 [tilespmem:s21], [sflag:$0x4], $0x80, s29, s20, $0xb8;
	[tilespmem:$0x1E800] =	vst v63  }
0x5a: {  	_ =	swait.ge [sflag:s18], $0x3200  }
0x5b: {  	[sflag:s18] =	ssyncset.done $0x0  }
0x5c: {  	s0 =	simm.s32 $0x0;
	[sflag:s18] =	ssyncadd.s32 $0xFFFFCE00  }
0x5d: {  	[tilespmem:s0], [sflag:$0x3] =	stream.linear.gather [hbm4b:s11+s0], $0xC80, $0x38;
	[tilespmem:$0x1E800] =	vst v63  }
0x5e: {  	_ = 	snop  }
0x5f: {  	[tilespmem:s19], [sflag:$0x3] =	stream.linear.gather [hbm4b:s12+s0], $0xC80, $0x38;
	[tilespmem:$0x1E800] =	vst v63  }
0x60: {  	_ =	swait.ge [sflag:s26], $0x3200  }
0x61: {  	[sflag:s26] =	ssyncset.done $0x0  }
0x62: {  	s3 =	simm.s32 $0x2080;
	[sflag:s26] =	ssyncadd.s32 $0xFFFFCE00  }
0x63: {  	[tilespmem:s21], [sflag:$0x1] =	stream.indirect.gather [hbm4b:s1+s20], $0x80, s3, s20, $0xb8;
	[tilespmem:$0x1E800] =	vst v63  }
0x64: {  	s5 =	simm.s32 $0x3000  }
0x65: {  	[spmem:s2] =	stream.indirect.scatter.add.f32 [tilespmem:s25], [sflag:$0x4], $0x80, s5, s20, $0xb8;
	[tilespmem:$0x1E800] =	vst v63  }
0x66: {  	_ =	swait.ge [sflag:s18], $0x3200  }
0x67: {  	[sflag:s18] =	ssyncset.done $0x0  }
0x68: {  	[sflag:s18] =	ssyncadd.s32 $0xFFFFCE00  }
0x69: {  	_ =	swait.ge [sflag:s24], $0x3200  }
0x6a: {  	[sflag:s24] =	ssyncset.done $0x0  }
0x6b: {  	s3 =	simm.s32 $0x2100;
	[sflag:s24] =	ssyncadd.s32 $0xFFFFCE00  }
0x6c: {  	[tilespmem:s25], [sflag:$0x2] =	stream.indirect.gather [hbm4b:s1+s20], $0x80, s3, s20, $0xb8;
	[tilespmem:$0x1E800] =	vst v63  }
0x6d: {  	s5 =	simm.s32 $0x3080  }
0x6e: {  	[spmem:s2] =	stream.indirect.scatter.add.f32 [tilespmem:s21], [sflag:$0x4], $0x80, s5, s20, $0xb8;
	[tilespmem:$0x1E800] =	vst v63  }
0x6f: {  	_ =	swait.ge [sflag:s18], $0x3200  }
0x70: {  	s0 =	simm.s32 $0x400;
	[sflag:s18] =	ssyncset.done $0x0  }
.LBB2_4:
0x71: {  	p0 =	sne.s32 s0, $0x2C00  }
0x72: {  	[sflag:s18] =	ssyncadd.s32 $0xFFFFCE00;
	s3 =	smov.u32 s0;
	s0 =	sadd.s32 $0x400, s0  }
0x73: {  	_ = 	snop  }
0x74: {  	_ =	swait.ge [sflag:s26], $0x3200  }
0x75: {  	s3 =	sshra.s32 s3, $0x2;
	[sflag:s26] =	ssyncset.done $0x0  }
0x76: {  	s5 =	sadd.s32 $0x2080, s3;
	[sflag:s26] =	ssyncadd.s32 $0xFFFFCE00  }
0x77: {  	[tilespmem:s21], [sflag:$0x1] =	stream.indirect.gather [hbm4b:s1+s20], $0x80, s5, s20, $0xb8;
	[tilespmem:$0x1E800] =	vst v63  }
0x78: {  	s5 =	sadd.s32 $0x3000, s3  }
0x79: {  	[spmem:s2] =	stream.indirect.scatter.add.f32 [tilespmem:s25], [sflag:$0x4], $0x80, s5, s20, $0xb8;
	[tilespmem:$0x1E800] =	vst v63  }
0x7a: {  	_ =	swait.ge [sflag:s18], $0x3200  }
0x7b: {  	[sflag:s18] =	ssyncset.done $0x0  }
0x7c: {  	[sflag:s18] =	ssyncadd.s32 $0xFFFFCE00  }
0x7d: {  	_ =	swait.ge [sflag:s24], $0x3200  }
0x7e: {  	[sflag:s24] =	ssyncset.done $0x0  }
0x7f: {  	s5 =	sadd.s32 $0x2100, s3;
	[sflag:s24] =	ssyncadd.s32 $0xFFFFCE00  }
0x80: {  	[tilespmem:s25], [sflag:$0x2] =	stream.indirect.gather [hbm4b:s1+s20], $0x80, s5, s20, $0xb8;
	[tilespmem:$0x1E800] =	vst v63  }
.Ltmp1:
0x81: {  	_ = 	snop;
	(pc) =	sbr.rel @p0 .LBB2_4-.Ltmp1, $4  }
0x82: {  	s3 =	sadd.s32 $0x3080, s3  }
0x83: {  	[spmem:s2] =	stream.indirect.scatter.add.f32 [tilespmem:s21], [sflag:$0x4], $0x80, s3, s20, $0xb8;
	[tilespmem:$0x1E800] =	vst v63  }
0x84: {  	_ =	swait.ge [sflag:s18], $0x3200  }
0x85: {  	[sflag:s18] =	ssyncset.done $0x0  }
0x86: {  	[sflag:s18] =	ssyncadd.s32 $0xFFFFCE00  }
0x87: {  	_ =	swait.ge [sflag:s26], $0x3200  }
0x88: {  	[sflag:s26] =	ssyncset.done $0x0  }
0x89: {  	[sflag:s26] =	ssyncadd.s32 $0xFFFFCE00  }
0x8a: {  	_ =	swait.ge [sflag:s28], $0xC80  }
0x8b: {  	[sflag:s28] =	ssyncset.done $0x0  }
0x8c: {  	[sflag:s28] =	ssyncadd.s32 $0xFFFFF380  }
0x8d: {  	_ =	swait.ge [sflag:s28], $0xC80  }
0x8e: {  	[sflag:s28] =	ssyncset.done $0x0  }
0x8f: {  	s0 =	simm.s32 $0x0;
	[sflag:s28] =	ssyncadd.s32 $0xFFFFF380  }
0x90: {  	[tilespmem:s21], [sflag:$0x1] =	stream.indirect.gather [hbm4b:s1+s20], $0x80, s0, s20, $0xb8;
	[tilespmem:$0x1E800] =	vst v63  }
0x91: {  	_ = 	snop  }
0x92: {  	[spmem:s2] =	stream.indirect.scatter.add.f32 [tilespmem:s25], [sflag:$0x4], $0x80, s30, s20, $0xb8;
	[tilespmem:$0x1E800] =	vst v63  }
0x93: {  	_ =	swait.ge [sflag:s18], $0x3200  }
0x94: {  	[sflag:s18] =	ssyncset.done $0x0  }
0x95: {  	[sflag:s18] =	ssyncadd.s32 $0xFFFFCE00  }
0x96: {  	[tilespmem:s22], [sflag:$0x3] =	stream.linear.gather [hbm4b:s13+s0], $0xC80, $0x38;
	[tilespmem:$0x1E800] =	vst v63  }
0x97: {  	_ = 	snop  }
0x98: {  	[tilespmem:s23], [sflag:$0x3] =	stream.linear.gather [hbm4b:s14+s0], $0xC80, $0x38;
	[tilespmem:$0x1E800] =	vst v63  }
0x99: {  	_ =	swait.ge [sflag:s24], $0x3200  }
0x9a: {  	[sflag:s24] =	ssyncset.done $0x0  }
0x9b: {  	s3 =	simm.s32 $0x80;
	[sflag:s24] =	ssyncadd.s32 $0xFFFFCE00  }
0x9c: {  	[tilespmem:s25], [sflag:$0x2] =	stream.indirect.gather [hbm4b:s1+s20], $0x80, s3, s20, $0xb8;
	[tilespmem:$0x1E800] =	vst v63  }
0x9d: {  	s5 =	simm.s32 $0x1000  }
0x9e: {  	[spmem:s2] =	stream.indirect.scatter.add.f32 [tilespmem:s21], [sflag:$0x4], $0x80, s5, s20, $0xb8;
	[tilespmem:$0x1E800] =	vst v63  }
0x9f: {  	_ =	swait.ge [sflag:s18], $0x3200  }
0xa0: {  	[sflag:s18] =	ssyncset.done $0x0  }
0xa1: {  	[sflag:s18] =	ssyncadd.s32 $0xFFFFCE00  }
0xa2: {  	_ =	swait.ge [sflag:s26], $0x3200  }
0xa3: {  	[sflag:s26] =	ssyncset.done $0x0  }
0xa4: {  	s3 =	simm.s32 $0x100;
	[sflag:s26] =	ssyncadd.s32 $0xFFFFCE00  }
0xa5: {  	[tilespmem:s21], [sflag:$0x1] =	stream.indirect.gather [hbm4b:s1+s20], $0x80, s3, s20, $0xb8;
	[tilespmem:$0x1E800] =	vst v63  }
0xa6: {  	s5 =	simm.s32 $0x1080  }
0xa7: {  	[spmem:s2] =	stream.indirect.scatter.add.f32 [tilespmem:s25], [sflag:$0x4], $0x80, s5, s20, $0xb8;
	[tilespmem:$0x1E800] =	vst v63  }
0xa8: {  	_ =	swait.ge [sflag:s18], $0x3200  }
0xa9: {  	s0 =	simm.s32 $0x400;
	[sflag:s18] =	ssyncset.done $0x0  }
.LBB2_6:
0xaa: {  	p0 =	sne.s32 s0, $0x2C00  }
0xab: {  	[sflag:s18] =	ssyncadd.s32 $0xFFFFCE00;
	s3 =	smov.u32 s0;
	s0 =	sadd.s32 $0x400, s0  }
0xac: {  	_ = 	snop  }
0xad: {  	_ =	swait.ge [sflag:s24], $0x3200  }
0xae: {  	s3 =	sshra.s32 s3, $0x2;
	[sflag:s24] =	ssyncset.done $0x0  }
0xaf: {  	s5 =	sadd.s32 $0x80, s3;
	[sflag:s24] =	ssyncadd.s32 $0xFFFFCE00  }
0xb0: {  	[tilespmem:s25], [sflag:$0x2] =	stream.indirect.gather [hbm4b:s1+s20], $0x80, s5, s20, $0xb8;
	[tilespmem:$0x1E800] =	vst v63  }
0xb1: {  	s5 =	sadd.s32 $0x1000, s3  }
0xb2: {  	[spmem:s2] =	stream.indirect.scatter.add.f32 [tilespmem:s21], [sflag:$0x4], $0x80, s5, s20, $0xb8;
	[tilespmem:$0x1E800] =	vst v63  }
0xb3: {  	_ =	swait.ge [sflag:s18], $0x3200  }
0xb4: {  	[sflag:s18] =	ssyncset.done $0x0  }
0xb5: {  	[sflag:s18] =	ssyncadd.s32 $0xFFFFCE00  }
0xb6: {  	_ =	swait.ge [sflag:s26], $0x3200  }
0xb7: {  	[sflag:s26] =	ssyncset.done $0x0  }
0xb8: {  	s5 =	sadd.s32 $0x100, s3;
	[sflag:s26] =	ssyncadd.s32 $0xFFFFCE00  }
0xb9: {  	[tilespmem:s21], [sflag:$0x1] =	stream.indirect.gather [hbm4b:s1+s20], $0x80, s5, s20, $0xb8;
	[tilespmem:$0x1E800] =	vst v63  }
.Ltmp2:
0xba: {  	_ = 	snop;
	(pc) =	sbr.rel @p0 .LBB2_6-.Ltmp2, $4  }
0xbb: {  	s3 =	sadd.s32 $0x1080, s3  }
0xbc: {  	[spmem:s2] =	stream.indirect.scatter.add.f32 [tilespmem:s25], [sflag:$0x4], $0x80, s3, s20, $0xb8;
	[tilespmem:$0x1E800] =	vst v63  }
0xbd: {  	_ =	swait.ge [sflag:s18], $0x3200  }
0xbe: {  	[sflag:s18] =	ssyncset.done $0x0  }
0xbf: {  	[sflag:s18] =	ssyncadd.s32 $0xFFFFCE00  }
0xc0: {  	_ =	swait.ge [sflag:s24], $0x3200  }
0xc1: {  	[sflag:s24] =	ssyncset.done $0x0  }
0xc2: {  	[sflag:s24] =	ssyncadd.s32 $0xFFFFCE00  }
0xc3: {  	_ =	swait.ge [sflag:s28], $0xC80  }
0xc4: {  	[sflag:s28] =	ssyncset.done $0x0  }
0xc5: {  	[sflag:s28] =	ssyncadd.s32 $0xFFFFF380  }
0xc6: {  	_ =	swait.ge [sflag:s28], $0xC80  }
0xc7: {  	[sflag:s28] =	ssyncset.done $0x0  }
0xc8: {  	[sflag:s28] =	ssyncadd.s32 $0xFFFFF380  }
0xc9: {  	[tilespmem:s25], [sflag:$0x2] =	stream.indirect.gather [hbm4b:s1+s20], $0x80, s22, s20, $0xb8;
	[tilespmem:$0x1E800] =	vst v63  }
0xca: {  	_ = 	snop  }
0xcb: {  	[spmem:s2] =	stream.indirect.scatter.add.f32 [tilespmem:s21], [sflag:$0x4], $0x80, s29, s20, $0xb8;
	[tilespmem:$0x1E800] =	vst v63  }
0xcc: {  	_ =	swait.ge [sflag:s18], $0x3200  }
0xcd: {  	[sflag:s18] =	ssyncset.done $0x0  }
0xce: {  	[sflag:s18] =	ssyncadd.s32 $0xFFFFCE00  }
0xcf: {  	_ =	swait.ge [sflag:s26], $0x3200  }
0xd0: {  	[sflag:s26] =	ssyncset.done $0x0  }
0xd1: {  	s0 =	simm.s32 $0x2080;
	[sflag:s26] =	ssyncadd.s32 $0xFFFFCE00  }
0xd2: {  	[tilespmem:s21], [sflag:$0x1] =	stream.indirect.gather [hbm4b:s1+s20], $0x80, s0, s20, $0xb8;
	[tilespmem:$0x1E800] =	vst v63  }
0xd3: {  	s5 =	simm.s32 $0x3000  }
0xd4: {  	[spmem:s2] =	stream.indirect.scatter.add.f32 [tilespmem:s25], [sflag:$0x4], $0x80, s5, s20, $0xb8;
	[tilespmem:$0x1E800] =	vst v63  }
0xd5: {  	_ =	swait.ge [sflag:s18], $0x3200  }
0xd6: {  	[sflag:s18] =	ssyncset.done $0x0  }
0xd7: {  	[sflag:s18] =	ssyncadd.s32 $0xFFFFCE00  }
0xd8: {  	_ =	swait.ge [sflag:s24], $0x3200  }
0xd9: {  	[sflag:s24] =	ssyncset.done $0x0  }
0xda: {  	s3 =	simm.s32 $0x2100;
	[sflag:s24] =	ssyncadd.s32 $0xFFFFCE00  }
0xdb: {  	[tilespmem:s25], [sflag:$0x2] =	stream.indirect.gather [hbm4b:s1+s20], $0x80, s3, s20, $0xb8;
	[tilespmem:$0x1E800] =	vst v63  }
0xdc: {  	s5 =	simm.s32 $0x3080  }
0xdd: {  	[spmem:s2] =	stream.indirect.scatter.add.f32 [tilespmem:s21], [sflag:$0x4], $0x80, s5, s20, $0xb8;
	[tilespmem:$0x1E800] =	vst v63  }
0xde: {  	_ =	swait.ge [sflag:s18], $0x3200  }
0xdf: {  	s0 =	simm.s32 $0x400;
	[sflag:s18] =	ssyncset.done $0x0  }
.LBB2_8:
0xe0: {  	p0 =	sne.s32 s0, $0x2C00  }
0xe1: {  	[sflag:s18] =	ssyncadd.s32 $0xFFFFCE00;
	s3 =	smov.u32 s0;
	s0 =	sadd.s32 $0x400, s0  }
0xe2: {  	_ = 	snop  }
0xe3: {  	_ =	swait.ge [sflag:s26], $0x3200  }
0xe4: {  	s3 =	sshra.s32 s3, $0x2;
	[sflag:s26] =	ssyncset.done $0x0  }
0xe5: {  	s5 =	sadd.s32 $0x2080, s3;
	[sflag:s26] =	ssyncadd.s32 $0xFFFFCE00  }
0xe6: {  	[tilespmem:s21], [sflag:$0x1] =	stream.indirect.gather [hbm4b:s1+s20], $0x80, s5, s20, $0xb8;
	[tilespmem:$0x1E800] =	vst v63  }
0xe7: {  	s5 =	sadd.s32 $0x3000, s3  }
0xe8: {  	[spmem:s2] =	stream.indirect.scatter.add.f32 [tilespmem:s25], [sflag:$0x4], $0x80, s5, s20, $0xb8;
	[tilespmem:$0x1E800] =	vst v63  }
0xe9: {  	_ =	swait.ge [sflag:s18], $0x3200  }
0xea: {  	[sflag:s18] =	ssyncset.done $0x0  }
0xeb: {  	[sflag:s18] =	ssyncadd.s32 $0xFFFFCE00  }
0xec: {  	_ =	swait.ge [sflag:s24], $0x3200  }
0xed: {  	[sflag:s24] =	ssyncset.done $0x0  }
0xee: {  	s5 =	sadd.s32 $0x2100, s3;
	[sflag:s24] =	ssyncadd.s32 $0xFFFFCE00  }
0xef: {  	[tilespmem:s25], [sflag:$0x2] =	stream.indirect.gather [hbm4b:s1+s20], $0x80, s5, s20, $0xb8;
	[tilespmem:$0x1E800] =	vst v63  }
.Ltmp3:
0xf0: {  	_ = 	snop;
	(pc) =	sbr.rel @p0 .LBB2_8-.Ltmp3, $4  }
0xf1: {  	s3 =	sadd.s32 $0x3080, s3  }
0xf2: {  	[spmem:s2] =	stream.indirect.scatter.add.f32 [tilespmem:s21], [sflag:$0x4], $0x80, s3, s20, $0xb8;
	[tilespmem:$0x1E800] =	vst v63  }
0xf3: {  	_ =	swait.ge [sflag:s18], $0x3200  }
0xf4: {  	[sflag:s18] =	ssyncset.done $0x0  }
0xf5: {  	[sflag:s18] =	ssyncadd.s32 $0xFFFFCE00  }
0xf6: {  	_ =	swait.ge [sflag:s26], $0x3200  }
0xf7: {  	[sflag:s26] =	ssyncset.done $0x0  }
0xf8: {  	[sflag:s26] =	ssyncadd.s32 $0xFFFFCE00  }
0xf9: {  	[spmem:s2] =	stream.indirect.scatter.add.f32 [tilespmem:s25], [sflag:$0x4], $0x80, s30, s20, $0xb8;
	[tilespmem:$0x1E800] =	vst v63  }
0xfa: {  	_ =	swait.ge [sflag:s18], $0x3200  }
0xfb: {  	s31 =	sadd.s32 $0x1, s31;
	[sflag:s18] =	ssyncset.done $0x0  }
0xfc: {  	p0 =	sne.s32 s31, s16;
	[sflag:s18] =	ssyncadd.s32 $0xFFFFCE00  }
.Ltmp4:
0xfd: {  	[bflag:$0x0] =	sbarrier.arrive $0xFFFF;
	(pc) =	sbr.rel @p0 .LBB2_1-.Ltmp4, $4  }
0xfe: {  	[hbm:s15], [sflag:s6] =	dma.local [spmem:s17], $0x2800  }
0xff: {  	_ =	swait.ge [sflag:s18], $0x2800  }
0x100: {  	[sflag:s18] =	ssyncset.done $0x0  }
0x101: {  	[sflag:s18] =	ssyncadd.s32 $0xFFFFD800  }
0x102: {  	_ =	sfence.sel $0x180000  }
0x103: {  	[bflag:$0x0] =	sbarrier.arrive $0xFFFF  }
0x104: {  	_ =	strace $0x9000004A  }
0x105: {  	s0 =	stileid.u32;
	[bflag:$0x2] =	sbarrier.arrive $0xFFFF  }
0x106: {  	p0 =	sne.s32 s0, $0x0;
	s0 =	rddreg [dreg:$0x3]  }
0x107: {  	s0 =	sadd.s32 @!p0 $0x100000, s0  }
0x108: {  	[sflag:s0] =	ssyncadd.tile.s32 @!p0 $0x1;
	_ =	shalt  }
.Lfunc_end2:
_tile_overlayer_lowered:
.L_overlay_start_2:
0x109: {  	(tag) =	ssettag $0x2  }
0x10a: {  	s0 =	rddreg [dreg:$0x0];
	s2 =	stileid.u32  }
0x10b: {  	s1 =	rddreg [dreg:$0x1];
	p0 =	sne.s32 s2, $0x0  }
0x10c: {  	s3 =	rddreg [dreg:$0x2];
	[bflag:$0x3] =	sbarrier.arrive $0xFFFF;
	s2 =	simm.s32 @!p0 $0x1C04  }
0x10d: {  	[timem:s3], [sflag:s2] =	dma.local @!p0 [hbm:s0], s1  }
0x10e: {  	s0 =	simm.s32 @!p0 $0x4  }
0x10f: {  	_ =	swait.ge @!p0 [sflag:s0], s1  }
0x110: {  	s1 =	ssub.s32 @!p0 $0x0, s1;
	[sflag:s0] =	ssyncset.done @!p0 $0x0  }
0x111: {  	[sflag:s0] =	ssyncadd.s32 @!p0 s1  }
0x112: {  	[bflag:$0x3] =	sbarrier.arrive $0xFFFF  }
0x113: {  	_ =	shalt  }

// kernel: kernel.13.cloned.1.call-start
scs
__scs_entry_jumppad:
0x0: {  	(pc) =	sbr.rel $0x88, $3  }
0x1: {  	(tag) =	ssettag $0x0;
	lr =	simm.s32 $0x1  }
0x2: {  	[smem:$0x3F95] =	sst lr;
	_ =	strace $0xD0000000  }
0x3: {  	_ = 	snop  }
0x4: {  	_ = 	snop  }
0x5: {  	_ = 	snop  }
0x6: {  	_ = 	snop  }
0x7: {  	_ = 	snop  }
__scs_overlays_trampoline_lowered:
0x8: {  	[smem:$0x3FA4] =	sst s0  }
0x9: {  	[smem:$0x3FA5] =	sst s1  }
0xa: {  	[smem:$0x3FA6] =	sst s2  }
0xb: {  	[smem:$0x3FA7] =	sst s3  }
0xc: {  	[smem:$0x3FA8] =	sst s4  }
0xd: {  	[smem:$0x3FA9] =	sst s5  }
0xe: {  	[smem:$0x3FAA] =	sst s6  }
0xf: {  	[smem:$0x3FAB] =	sst s7  }
0x10: {  	[smem:$0x3FAC] =	sst s8  }
0x11: {  	[smem:$0x3FAD] =	sst s9;
	s0 =	simm.s32 @!p0 $0x0  }
0x12: {  	s1 =	sld [smem:$0x3F93];
	s0 =	simm.s32 @p0 $0x1  }
0x13: {  	[smem:$0x3FAE] =	sst s0;
	s0 =	simm.s32 @!p1 $0x0  }
0x14: {  	s2 =	sld [smem:$0x3F92];
	s0 =	simm.s32 @p1 $0x1  }
0x15: {  	[smem:$0x3FAF] =	sst s0;
	s0 =	simm.s32 @!p2 $0x0  }
0x16: {  	s3 =	sld [smem:$0x3FDB];
	s0 =	simm.s32 @p2 $0x1  }
0x17: {  	s4 =	simm.s32 $0x1BF5;
	[smem:$0x3FB1] =	sst s0  }
0x18: {  	s0 =	sld [smem:$0x3F94];
	_ =	swait.ge [sflag:s4], $0x0  }
0x19: {  	s7 =	sld [smem:$0x3F95]  }
0x1a: {  	s8 =	sadd.s32 $0xFFFFE003, lr  }
0x1b: {  	s9 =	sadd.s32 $0xFFFFFEF7, lr;
	s5 =	simm.s32 $0xFFFFFFFF;
	p2 =	slt.u32 s8, $0xFFFFF086  }
0x1c: {  	p1 =	slt.u32 s9, $0xF7A;
	s5 =	simm.s32 @!p2 $0x0  }
0x1d: {  	s5 =	simm.s32 @p1 $0x1;
	p0 =	seq.s32 s7, s2  }
0x1e: {  	s7 =	smul.u32 @!p0 $0xF7A, s2;
	p2 =	seq.s32 @!p0 s5, $0x0  }
0x1f: {  	s9 =	smul.u32 $0xF7A, s1;
	s8 =	simm.s32 @!p0 $0x1BF5;
	p2 =	por !p2, p0  }
0x20: {  	[sflag:s8] =	ssyncset.s32 @!p0 $0xFFFFF086;
	s6 =	sadd.s32 @!p0 s3, s7;
	s7 =	simm.s32 @!p0 $0x108  }
0x21: {  	s3 =	sadd.s32 s3, s9;
	s6 =	sadd.s32 @!p0 $0x88, s6;
	s7 =	simm.s32 @p2 $0x1082  }
0x22: {  	[simem:s7], [sflag:s8] =	dma.local @!p0 [hbm:s6], $0xF7A  }
0x23: {  	s9 =	sor.u32 $0xD0000000, s2;
	s6 =	simm.s32 $0x108;
	_ =	swait.ge @!p0 [sflag:s8], $0x0  }
0x24: {  	s3 =	sadd.s32 $0x88, s3;
	s6 =	simm.s32 @!p1 $0x1082;
	[sflag:s4] =	ssyncset.s32 $0xFFFFF086  }
0x25: {  	[simem:s6], [sflag:s4] =	dma.local [hbm:s3], $0xF7A  }
0x26: {  	[smem:$0x3F95] =	sst s1;
	(tag) =	ssettag s2;
	_ =	strace s9  }
0x27: {  	s1 =	sld [smem:$0x3FA5]  }
0x28: {  	s2 =	sld [smem:$0x3FA6]  }
0x29: {  	s4 =	sld [smem:$0x3FA8]  }
0x2a: {  	p0 =	seq.s32 s5, $0x0;
	s5 =	sld [smem:$0x3FA9]  }
0x2b: {  	s6 =	sld [smem:$0x3FAA]  }
0x2c: {  	s7 =	sld [smem:$0x3FAB]  }
0x2d: {  	s3 =	simm.s32 $0x108;
	s8 =	sld [smem:$0x3FAC]  }
0x2e: {  	s3 =	simm.s32 @!p0 $0x1082;
	s9 =	sld [smem:$0x3FAD]  }
0x2f: {  	lr =	sadd.s32 s0, s3;
	s0 =	sld [smem:$0x3FA4]  }
0x30: {  	s3 =	sld [smem:$0x3FA7]  }
0x31: {  	[smem:$0x3FB0] =	sst s10  }
0x32: {  	s10 =	sld [smem:$0x3FAE];
	_ =	sdelay $0x3  }
0x33: {  	p0 =	seq.s32 s10, $0x1;
	s10 =	sld [smem:$0x3FB0];
	_ =	sdelay $0x3  }
0x34: {  	[smem:$0x3FB0] =	sst s10  }
0x35: {  	s10 =	sld [smem:$0x3FAF];
	_ =	sdelay $0x3  }
0x36: {  	p1 =	seq.s32 s10, $0x1;
	s10 =	sld [smem:$0x3FB0];
	_ =	sdelay $0x3  }
0x37: {  	[smem:$0x3FB0] =	sst s10  }
0x38: {  	s10 =	sld [smem:$0x3FB1]  }
0x39: {  	_ = 	snop;
	(pc) =	sbr.ind lr, $3  }
0x3a: {  	_ = 	snop  }
0x3b: {  	_ = 	snop  }
0x3c: {  	p2 =	seq.s32 s10, $0x1;
	s10 =	sld [smem:$0x3FB0]  }
0x3d: {  	_ =	shalt  }
0x3e: {  	_ =	shalt  }
0x3f: {  	_ =	shalt  }
0x40: {  	_ =	shalt  }
0x41: {  	_ =	shalt  }
0x42: {  	_ =	shalt  }
0x43: {  	_ =	shalt  }
0x44: {  	_ =	shalt  }
0x45: {  	_ =	shalt  }
0x46: {  	_ =	shalt  }
0x47: {  	_ =	shalt  }
0x48: {  	_ =	shalt  }
0x49: {  	_ =	shalt  }
0x4a: {  	_ =	shalt  }
0x4b: {  	_ =	shalt  }
0x4c: {  	_ =	shalt  }
0x4d: {  	_ =	shalt  }
0x4e: {  	_ =	shalt  }
0x4f: {  	_ =	shalt  }
0x50: {  	_ =	shalt  }
0x51: {  	_ =	shalt  }
0x52: {  	_ =	shalt  }
0x53: {  	_ =	shalt  }
0x54: {  	_ =	shalt  }
0x55: {  	_ =	shalt  }
0x56: {  	_ =	shalt  }
0x57: {  	_ =	shalt  }
0x58: {  	_ =	shalt  }
0x59: {  	_ =	shalt  }
0x5a: {  	_ =	shalt  }
0x5b: {  	_ =	shalt  }
0x5c: {  	_ =	shalt  }
0x5d: {  	_ =	shalt  }
0x5e: {  	_ =	shalt  }
0x5f: {  	_ =	shalt  }
0x60: {  	_ =	shalt  }
0x61: {  	_ =	shalt  }
0x62: {  	_ =	shalt  }
0x63: {  	_ =	shalt  }
0x64: {  	_ =	shalt  }
0x65: {  	_ =	shalt  }
0x66: {  	_ =	shalt  }
0x67: {  	_ =	shalt  }
0x68: {  	_ =	shalt  }
0x69: {  	_ =	shalt  }
0x6a: {  	_ =	shalt  }
0x6b: {  	_ =	shalt  }
0x6c: {  	_ =	shalt  }
0x6d: {  	_ =	shalt  }
0x6e: {  	_ =	shalt  }
0x6f: {  	_ =	shalt  }
0x70: {  	_ =	shalt  }
0x71: {  	_ =	shalt  }
0x72: {  	_ =	shalt  }
0x73: {  	_ =	shalt  }
0x74: {  	_ =	shalt  }
0x75: {  	_ =	shalt  }
0x76: {  	_ =	shalt  }
0x77: {  	_ =	shalt  }
0x78: {  	_ =	shalt  }
0x79: {  	_ =	shalt  }
0x7a: {  	_ =	shalt  }
0x7b: {  	_ =	shalt  }
0x7c: {  	_ =	shalt  }
0x7d: {  	_ =	shalt  }
0x7e: {  	_ =	shalt  }
0x7f: {  	_ =	shalt  }
0x80: {  	_ =	shalt  }
0x81: {  	_ =	shalt  }
0x82: {  	_ =	shalt  }
0x83: {  	_ =	shalt  }
0x84: {  	_ =	shalt  }
0x85: {  	_ =	shalt  }
0x86: {  	_ =	shalt  }
0x87: {  	_ =	shalt  }
.Lfunc_end0:
.L_simem_size_0:
called_computation.2_lowered:
.L_overlay_start_0:
0x88: {  	s2 =	sld [smem:$0x3FD9]  }
0x89: {  	s3 =	sld [smem:$0x3FFE];
	_ =	sdelay $0x1  }
0x8a: {  	s1 =	srdreg.scid  }
0x8b: {  	s0 =	sand.u32 $0x1, s1  }
0x8c: {  	s17 =	sshll.u32 s0, $0xA;
	s2 =	sadd.s32 s3, s2  }
0x8d: {  	s2 =	sadd.s32 s2, s17  }
0x8e: {  	[smem:$0x3FBC] =	sst s2  }
0x8f: {  	_ = 	snop  }
0x90: {  	s2 =	sld [smem:$0x3FD0];
	(tm) =	ssettm $0x1  }
0x91: {  	s18 =	sld [smem:$0x3FFB];
	_ =	sdelay $0x3  }
0x92: {  	_ =	strace s18  }
0x93: {  	s3 =	sld [smem:$0x3FFC];
	_ =	sdelay $0x3  }
0x94: {  	_ =	strace s3  }
0x95: {  	s3 =	sld [smem:$0x3FFD];
	_ =	sdelay $0x3  }
0x96: {  	_ =	strace s3  }
0x97: {  	_ =	strace $0x8FFFFFFF  }
0x98: {  	s19 =	sld [smem:$0x3FDB];
	_ =	sdelay $0x1  }
0x99: {  	s4 =	simm.s32 $_scs_section_size  }
0x9a: {  	s5 =	simm.s32 $_size__tile_overlayer_lowered;
	s6 =	simm.s32 $_tile_overlayer_lowered  }
0x9b: {  	s22 =	simm.s32 $0x1BFF;
	s21 =	sshll.u32 s6, $0x1;
	s3 =	sadd.s32 s4, s19  }
0x9c: {  	s7 =	simm.s32 $0x0;
	s20 =	sshll.u32 s5, $0x1;
	s5 =	sadd.s32 s21, s3  }
0x9d: {  	[timem:s7], [sflag:s22] =	dma.local [hbm:s5], s20  }
0x9e: {  	_ =	swait.ge [sflag:s22], s20  }
0x9f: {  	s4 =	ssub.s32 $0x0, s20;
	[sflag:s22] =	ssyncset.done $0x0  }
0xa0: {  	[sflag:s22] =	ssyncadd.s32 s4;
	_ =	sdelay $0x1  }
0xa1: {  	s23 =	simm.s32 $0x1B8B  }
0xa2: {  	_ =	swait.ge [sflag:s23], $0x1  }
0xa3: {  	[sflag:s23] =	ssyncset.done $0x0  }
0xa4: {  	s25 =	simm.s32 $0x1B8E;
	s24 =	sld [smem:$0x3FFE];
	[sflag:s23] =	ssyncadd.s32 $0xFFFFFFFF  }
0xa5: {  	s26 =	simm.s32 $execute0_lowered;
	[smem:$0x3FD2] =	sst s25  }
0xa6: {  	s5 =	sshll.u32 s26, $0x1;
	_ =	strace $0x8000004C;
	[dreg:$0x1] =	wrdreg $0xFFFFFFFF  }
0xa7: {  	s28 =	simm.s32 $_size_execute0_lowered;
	s3 =	sadd.s32 s3, s5;
	[dreg:$0x0] =	wrdreg $0x0  }
0xa8: {  	s5 =	sshll.u32 s28, $0x1;
	[dreg:$0x2] =	wrdreg s3  }
0xa9: {  	[dreg:$0x3] =	wrdreg s5  }
0xaa: {  	[dreg:$0x4] =	wrdreg $0xC0  }
0xab: {  	_ =	task [dreg:s7], $0x5FFFF  }
0xac: {  	[dreg:$0x1] =	wrdreg $0xFFFFFFFF  }
0xad: {  	[dreg:$0x0] =	wrdreg $0x60  }
0xae: {  	[dreg:$0x2] =	wrdreg s2  }
0xaf: {  	[dreg:$0x3] =	wrdreg s24  }
0xb0: {  	[dreg:$0x4] =	wrdreg $0xA8000  }
0xb1: {  	[dreg:$0x5] =	wrdreg $0x9  }
0xb2: {  	_ =	task.clear_ibuf [dreg:s7], $0x6FFFF;
	_ =	strace $0x9000004C  }
0xb3: {  	s29 =	simm.s32 $0x9;
	_ =	strace $0x8000004E  }
0xb4: {  	_ =	swait.ge [sflag:s29], $0x1  }
0xb5: {  	[sflag:s29] =	ssyncadd.s32 $0xFFFFFFFF  }
0xb6: {  	_ =	strace $0x9000004E  }
0xb7: {  	_ =	sfence  }
0xb8: {  	s30 =	sld [smem:$0x0];
	_ =	sdelay $0x2  }
0xb9: {  	s31 =	sshll.u32 s1, $0xD;
	s1 =	sshrl.u32 s1, $0x2  }
0xba: {  	s3 =	sand.u32 $0x4000, s31;
	s1 =	sadd.s32 s1, s30  }
0xbb: {  	s0 =	sor.u32 s3, s0;
	s1 =	sshll.u32 s1, $0x11  }
0xbc: {  	s0 =	sor.u32 s1, s0  }
0xbd: {  	s0 =	sadd.s32 $0x8F2B, s0  }
0xbe: {  	[sflag:s0] =	ssyncadd.remote.s32 $0x1  }
0xbf: {  	_ =	sfence.sel $0xFFFF  }
0xc0: {  	[dreg:$0x0] =	wrdreg $0xFFFFFFFF;
	(pc) =	sbr.abs _section_cstart, $3  }
0xc1: {  	[dreg:$0x1] =	wrdreg $0xFFFFFFFF  }
0xc2: {  	_ =	task.clear_ibuf [dreg:s7], $0x2FFFF;
	_ =	strace $0x9FFFFFFF  }
0xc3: {  	(tm) =	ssettm $0x7FFFFFFF  }
tec
execute0_lowered:
.L_overlay_start_1:
0x0: {  	(tag) =	ssettag $0x1  }
0x1: {  	s1 =	rddreg [dreg:$0x0]  }
0x2: {  	s0 =	rddreg [dreg:$0x1]  }
0x3: {  	s2 =	rddreg [dreg:$0x2];
	s3 =	srdreg.scid;
	s4 =	simm.s32 $0x0  }
0x4: {  	s22 =	stileid.u32;
	s18 =	simm.s32 $0x4;
	s19 =	simm.s32 $0x1000  }
0x5: {  	s20 =	simm.s32 $0x64;
	s21 =	simm.s32 $0x4000;
	s28 =	simm.s32 $0x3  }
0x6: {  	s29 =	simm.s32 $0x1C00;
	s30 =	simm.s32 $0x3C00;
	s31 =	simm.s32 $0x0  }
0x7: {  	s5 =	sand.u32 $0x1, s3;
	[smem:$0x7FF] =	sst s4;
	s13 =	sadd.s32 $0x1CA00, s0  }
0x8: {  	s14 =	sadd.s32 $0xCA00, s0;
	s9 =	smul.u32 $0x50000, s22;
	s23 =	sadd.s32 $0x2CA00, s0  }
0x9: {  	s26 =	sshll.u32 s22, $0x6;
	s6 =	sshll.u32 s5, $0x4;
	_ =	strace $0x8000004D  }
0xa: {  	s8 =	ssub.s32 $0x2, s5;
	[dreg:$0x4] =	wrdreg s23;
	s23 =	simm.s32 $0x3000  }
0xb: {  	s7 =	sor.u32 s22, s6;
	s24 =	sshrl.u32 s8, $0x1;
	s25 =	sshrl.u32 s9, $0x2  }
0xc: {  	s22 =	simm.s32 $0x2000;
	s6 =	smul.u32 $0x2800, s7;
	s16 =	ssub.s32 s8, s24  }
0xd: {  	s17 =	sadd.s32 s25, s2;
	s15 =	sshll.u32 s7, $0xB;
	s24 =	simm.s32 $0x1  }
0xe: {  	s25 =	simm.s32 $0x7400;
	s7 =	sadd.s32 s13, s15;
	s8 =	sadd.s32 s14, s15  }
0xf: {  	s10 =	sor.u32 $0x200, s15;
	s12 =	sor.u32 $0x400, s15;
	s15 =	sor.u32 $0x600, s15  }
0x10: {  	s16 =	smax.u32 s16, $0x1;
	s17 =	sshrl.u32 s17, $0x3;
	s0 =	sadd.s32 s6, s0  }
0x11: {  	s6 =	sor.u32 $0x1C04, s26;
	s9 =	sadd.s32 s13, s10;
	s10 =	sadd.s32 s14, s10  }
0x12: {  	s11 =	sadd.s32 s13, s12;
	s12 =	sadd.s32 s14, s12;
	s13 =	sadd.s32 s13, s15  }
0x13: {  	s14 =	sadd.s32 s14, s15;
	s26 =	simm.s32 $0x2;
	s15 =	sadd.s32 $0x2F200, s0  }
.LBB2_1:
0x14: {  	s0 =	rddreg [dreg:$0x4]  }
0x15: {  	[spmem:s17], [sflag:s6] =	dma.local [hbm:s0], $0x2800  }
0x16: {  	_ =	swait.ge [sflag:s18], $0x2800  }
0x17: {  	[sflag:s18] =	ssyncset.done $0x0  }
0x18: {  	[sflag:s18] =	ssyncadd.s32 $0xFFFFD800  }
0x19: {  	[bflag:$0x0] =	sbarrier.arrive $0xFFFF  }
0x1a: {  	[tilespmem:s4], [sflag:$0x4] =	stream.linear.gather [hbm4b:s7+s4], $0xC80, $0x38;
	[tilespmem:$0x1E800] =	vst v63  }
0x1b: {  	_ =	swait.ge [sflag:s18], $0xC80  }
0x1c: {  	[sflag:s18] =	ssyncset.done $0x0  }
0x1d: {  	[sflag:s18] =	ssyncadd.s32 $0xFFFFF380  }
0x1e: {  	[tilespmem:s19], [sflag:$0x4] =	stream.linear.gather [hbm4b:s8+s4], $0xC80, $0x38;
	[tilespmem:$0x1E800] =	vst v63  }
0x1f: {  	_ =	swait.ge [sflag:s18], $0xC80  }
0x20: {  	[sflag:s18] =	ssyncset.done $0x0  }
0x21: {  	[sflag:s18] =	ssyncadd.s32 $0xFFFFF380  }
0x22: {  	[tilespmem:s21], [sflag:$0x1] =	stream.indirect.gather [hbm4b:s1+s20], $0x80, s4, s20, $0xb8;
	[tilespmem:$0x1E800] =	vst v63  }
0x23: {  	_ = 	snop  }
0x24: {  	[tilespmem:s22], [sflag:$0x3] =	stream.linear.gather [hbm4b:s9+s4], $0xC80, $0x38;
	[tilespmem:$0x1E800] =	vst v63  }
0x25: {  	_ = 	snop  }
0x26: {  	[tilespmem:s23], [sflag:$0x3] =	stream.linear.gather [hbm4b:s10+s4], $0xC80, $0x38;
	[tilespmem:$0x1E800] =	vst v63  }
0x27: {  	_ =	swait.ge [sflag:s24], $0x3200  }
0x28: {  	[sflag:s24] =	ssyncset.done $0x0  }
0x29: {  	s3 =	simm.s32 $0x80;
	[sflag:s24] =	ssyncadd.s32 $0xFFFFCE00  }
0x2a: {  	[tilespmem:s25], [sflag:$0x2] =	stream.indirect.gather [hbm4b:s1+s20], $0x80, s3, s20, $0xb8;
	[tilespmem:$0x1E800] =	vst v63  }
0x2b: {  	s5 =	simm.s32 $0x1000  }
0x2c: {  	[spmem:s2] =	stream.indirect.scatter.add.f32 [tilespmem:s21], [sflag:$0x4], $0x80, s5, s20, $0xb8;
	[tilespmem:$0x1E800] =	vst v63  }
0x2d: {  	_ =	swait.ge [sflag:s18], $0x3200  }
0x2e: {  	[sflag:s18] =	ssyncset.done $0x0  }
0x2f: {  	[sflag:s18] =	ssyncadd.s32 $0xFFFFCE00  }
0x30: {  	_ =	swait.ge [sflag:s26], $0x3200  }
0x31: {  	[sflag:s26] =	ssyncset.done $0x0  }
0x32: {  	s3 =	simm.s32 $0x100;
	[sflag:s26] =	ssyncadd.s32 $0xFFFFCE00  }
0x33: {  	[tilespmem:s21], [sflag:$0x1] =	stream.indirect.gather [hbm4b:s1+s20], $0x80, s3, s20, $0xb8;
	[tilespmem:$0x1E800] =	vst v63  }
0x34: {  	s5 =	simm.s32 $0x1080  }
0x35: {  	[spmem:s2] =	stream.indirect.scatter.add.f32 [tilespmem:s25], [sflag:$0x4], $0x80, s5, s20, $0xb8;
	[tilespmem:$0x1E800] =	vst v63  }
0x36: {  	_ =	swait.ge [sflag:s18], $0x3200  }
0x37: {  	s0 =	simm.s32 $0x400;
	[sflag:s18] =	ssyncset.done $0x0  }
.LBB2_2:
0x38: {  	p0 =	sne.s32 s0, $0x2C00  }
0x39: {  	[sflag:s18] =	ssyncadd.s32 $0xFFFFCE00;
	s3 =	smov.u32 s0;
	s0 =	sadd.s32 $0x400, s0  }
0x3a: {  	_ = 	snop  }
0x3b: {  	_ =	swait.ge [sflag:s24], $0x3200  }
0x3c: {  	s3 =	sshra.s32 s3, $0x2;
	[sflag:s24] =	ssyncset.done $0x0  }
0x3d: {  	s5 =	sadd.s32 $0x80, s3;
	[sflag:s24] =	ssyncadd.s32 $0xFFFFCE00  }
0x3e: {  	[tilespmem:s25], [sflag:$0x2] =	stream.indirect.gather [hbm4b:s1+s20], $0x80, s5, s20, $0xb8;
	[tilespmem:$0x1E800] =	vst v63  }
0x3f: {  	s5 =	sadd.s32 $0x1000, s3  }
0x40: {  	[spmem:s2] =	stream.indirect.scatter.add.f32 [tilespmem:s21], [sflag:$0x4], $0x80, s5, s20, $0xb8;
	[tilespmem:$0x1E800] =	vst v63  }
0x41: {  	_ =	swait.ge [sflag:s18], $0x3200  }
0x42: {  	[sflag:s18] =	ssyncset.done $0x0  }
0x43: {  	[sflag:s18] =	ssyncadd.s32 $0xFFFFCE00  }
0x44: {  	_ =	swait.ge [sflag:s26], $0x3200  }
0x45: {  	[sflag:s26] =	ssyncset.done $0x0  }
0x46: {  	s5 =	sadd.s32 $0x100, s3;
	[sflag:s26] =	ssyncadd.s32 $0xFFFFCE00  }
0x47: {  	[tilespmem:s21], [sflag:$0x1] =	stream.indirect.gather [hbm4b:s1+s20], $0x80, s5, s20, $0xb8;
	[tilespmem:$0x1E800] =	vst v63  }
.Ltmp0:
0x48: {  	_ = 	snop;
	(pc) =	sbr.rel @p0 .LBB2_2-.Ltmp0, $4  }
0x49: {  	s3 =	sadd.s32 $0x1080, s3  }
0x4a: {  	[spmem:s2] =	stream.indirect.scatter.add.f32 [tilespmem:s25], [sflag:$0x4], $0x80, s3, s20, $0xb8;
	[tilespmem:$0x1E800] =	vst v63  }
0x4b: {  	_ =	swait.ge [sflag:s18], $0x3200  }
0x4c: {  	[sflag:s18] =	ssyncset.done $0x0  }
0x4d: {  	[sflag:s18] =	ssyncadd.s32 $0xFFFFCE00  }
0x4e: {  	_ =	swait.ge [sflag:s24], $0x3200  }
0x4f: {  	[sflag:s24] =	ssyncset.done $0x0  }
0x50: {  	[sflag:s24] =	ssyncadd.s32 $0xFFFFCE00  }
0x51: {  	_ =	swait.ge [sflag:s28], $0xC80  }
0x52: {  	[sflag:s28] =	ssyncset.done $0x0  }
0x53: {  	[sflag:s28] =	ssyncadd.s32 $0xFFFFF380  }
0x54: {  	_ =	swait.ge [sflag:s28], $0xC80  }
0x55: {  	[sflag:s28] =	ssyncset.done $0x0  }
0x56: {  	[sflag:s28] =	ssyncadd.s32 $0xFFFFF380  }
0x57: {  	[tilespmem:s25], [sflag:$0x2] =	stream.indirect.gather [hbm4b:s1+s20], $0x80, s22, s20, $0xb8;
	[tilespmem:$0x1E800] =	vst v63  }
0x58: {  	_ = 	snop  }
0x59: {  	[spmem:s2] =	stream.indirect.scatter.add.f32 [tilespmem:s21], [sflag:$0x4], $0x80, s29, s20, $0xb8;
	[tilespmem:$0x1E800] =	vst v63  }
0x5a: {  	_ =	swait.ge [sflag:s18], $0x3200  }
0x5b: {  	[sflag:s18] =	ssyncset.done $0x0  }
0x5c: {  	s0 =	simm.s32 $0x0;
	[sflag:s18] =	ssyncadd.s32 $0xFFFFCE00  }
0x5d: {  	[tilespmem:s0], [sflag:$0x3] =	stream.linear.gather [hbm4b:s11+s0], $0xC80, $0x38;
	[tilespmem:$0x1E800] =	vst v63  }
0x5e: {  	_ = 	snop  }
0x5f: {  	[tilespmem:s19], [sflag:$0x3] =	stream.linear.gather [hbm4b:s12+s0], $0xC80, $0x38;
	[tilespmem:$0x1E800] =	vst v63  }
0x60: {  	_ =	swait.ge [sflag:s26], $0x3200  }
0x61: {  	[sflag:s26] =	ssyncset.done $0x0  }
0x62: {  	s3 =	simm.s32 $0x2080;
	[sflag:s26] =	ssyncadd.s32 $0xFFFFCE00  }
0x63: {  	[tilespmem:s21], [sflag:$0x1] =	stream.indirect.gather [hbm4b:s1+s20], $0x80, s3, s20, $0xb8;
	[tilespmem:$0x1E800] =	vst v63  }
0x64: {  	s5 =	simm.s32 $0x3000  }
0x65: {  	[spmem:s2] =	stream.indirect.scatter.add.f32 [tilespmem:s25], [sflag:$0x4], $0x80, s5, s20, $0xb8;
	[tilespmem:$0x1E800] =	vst v63  }
0x66: {  	_ =	swait.ge [sflag:s18], $0x3200  }
0x67: {  	[sflag:s18] =	ssyncset.done $0x0  }
0x68: {  	[sflag:s18] =	ssyncadd.s32 $0xFFFFCE00  }
0x69: {  	_ =	swait.ge [sflag:s24], $0x3200  }
0x6a: {  	[sflag:s24] =	ssyncset.done $0x0  }
0x6b: {  	s3 =	simm.s32 $0x2100;
	[sflag:s24] =	ssyncadd.s32 $0xFFFFCE00  }
0x6c: {  	[tilespmem:s25], [sflag:$0x2] =	stream.indirect.gather [hbm4b:s1+s20], $0x80, s3, s20, $0xb8;
	[tilespmem:$0x1E800] =	vst v63  }
0x6d: {  	s5 =	simm.s32 $0x3080  }
0x6e: {  	[spmem:s2] =	stream.indirect.scatter.add.f32 [tilespmem:s21], [sflag:$0x4], $0x80, s5, s20, $0xb8;
	[tilespmem:$0x1E800] =	vst v63  }
0x6f: {  	_ =	swait.ge [sflag:s18], $0x3200  }
0x70: {  	s0 =	simm.s32 $0x400;
	[sflag:s18] =	ssyncset.done $0x0  }
.LBB2_4:
0x71: {  	p0 =	sne.s32 s0, $0x2C00  }
0x72: {  	[sflag:s18] =	ssyncadd.s32 $0xFFFFCE00;
	s3 =	smov.u32 s0;
	s0 =	sadd.s32 $0x400, s0  }
0x73: {  	_ = 	snop  }
0x74: {  	_ =	swait.ge [sflag:s26], $0x3200  }
0x75: {  	s3 =	sshra.s32 s3, $0x2;
	[sflag:s26] =	ssyncset.done $0x0  }
0x76: {  	s5 =	sadd.s32 $0x2080, s3;
	[sflag:s26] =	ssyncadd.s32 $0xFFFFCE00  }
0x77: {  	[tilespmem:s21], [sflag:$0x1] =	stream.indirect.gather [hbm4b:s1+s20], $0x80, s5, s20, $0xb8;
	[tilespmem:$0x1E800] =	vst v63  }
0x78: {  	s5 =	sadd.s32 $0x3000, s3  }
0x79: {  	[spmem:s2] =	stream.indirect.scatter.add.f32 [tilespmem:s25], [sflag:$0x4], $0x80, s5, s20, $0xb8;
	[tilespmem:$0x1E800] =	vst v63  }
0x7a: {  	_ =	swait.ge [sflag:s18], $0x3200  }
0x7b: {  	[sflag:s18] =	ssyncset.done $0x0  }
0x7c: {  	[sflag:s18] =	ssyncadd.s32 $0xFFFFCE00  }
0x7d: {  	_ =	swait.ge [sflag:s24], $0x3200  }
0x7e: {  	[sflag:s24] =	ssyncset.done $0x0  }
0x7f: {  	s5 =	sadd.s32 $0x2100, s3;
	[sflag:s24] =	ssyncadd.s32 $0xFFFFCE00  }
0x80: {  	[tilespmem:s25], [sflag:$0x2] =	stream.indirect.gather [hbm4b:s1+s20], $0x80, s5, s20, $0xb8;
	[tilespmem:$0x1E800] =	vst v63  }
.Ltmp1:
0x81: {  	_ = 	snop;
	(pc) =	sbr.rel @p0 .LBB2_4-.Ltmp1, $4  }
0x82: {  	s3 =	sadd.s32 $0x3080, s3  }
0x83: {  	[spmem:s2] =	stream.indirect.scatter.add.f32 [tilespmem:s21], [sflag:$0x4], $0x80, s3, s20, $0xb8;
	[tilespmem:$0x1E800] =	vst v63  }
0x84: {  	_ =	swait.ge [sflag:s18], $0x3200  }
0x85: {  	[sflag:s18] =	ssyncset.done $0x0  }
0x86: {  	[sflag:s18] =	ssyncadd.s32 $0xFFFFCE00  }
0x87: {  	_ =	swait.ge [sflag:s26], $0x3200  }
0x88: {  	[sflag:s26] =	ssyncset.done $0x0  }
0x89: {  	[sflag:s26] =	ssyncadd.s32 $0xFFFFCE00  }
0x8a: {  	_ =	swait.ge [sflag:s28], $0xC80  }
0x8b: {  	[sflag:s28] =	ssyncset.done $0x0  }
0x8c: {  	[sflag:s28] =	ssyncadd.s32 $0xFFFFF380  }
0x8d: {  	_ =	swait.ge [sflag:s28], $0xC80  }
0x8e: {  	[sflag:s28] =	ssyncset.done $0x0  }
0x8f: {  	s0 =	simm.s32 $0x0;
	[sflag:s28] =	ssyncadd.s32 $0xFFFFF380  }
0x90: {  	[tilespmem:s21], [sflag:$0x1] =	stream.indirect.gather [hbm4b:s1+s20], $0x80, s0, s20, $0xb8;
	[tilespmem:$0x1E800] =	vst v63  }
0x91: {  	_ = 	snop  }
0x92: {  	[spmem:s2] =	stream.indirect.scatter.add.f32 [tilespmem:s25], [sflag:$0x4], $0x80, s30, s20, $0xb8;
	[tilespmem:$0x1E800] =	vst v63  }
0x93: {  	_ =	swait.ge [sflag:s18], $0x3200  }
0x94: {  	[sflag:s18] =	ssyncset.done $0x0  }
0x95: {  	[sflag:s18] =	ssyncadd.s32 $0xFFFFCE00  }
0x96: {  	[tilespmem:s22], [sflag:$0x3] =	stream.linear.gather [hbm4b:s13+s0], $0xC80, $0x38;
	[tilespmem:$0x1E800] =	vst v63  }
0x97: {  	_ = 	snop  }
0x98: {  	[tilespmem:s23], [sflag:$0x3] =	stream.linear.gather [hbm4b:s14+s0], $0xC80, $0x38;
	[tilespmem:$0x1E800] =	vst v63  }
0x99: {  	_ =	swait.ge [sflag:s24], $0x3200  }
0x9a: {  	[sflag:s24] =	ssyncset.done $0x0  }
0x9b: {  	s3 =	simm.s32 $0x80;
	[sflag:s24] =	ssyncadd.s32 $0xFFFFCE00  }
0x9c: {  	[tilespmem:s25], [sflag:$0x2] =	stream.indirect.gather [hbm4b:s1+s20], $0x80, s3, s20, $0xb8;
	[tilespmem:$0x1E800] =	vst v63  }
0x9d: {  	s5 =	simm.s32 $0x1000  }
0x9e: {  	[spmem:s2] =	stream.indirect.scatter.add.f32 [tilespmem:s21], [sflag:$0x4], $0x80, s5, s20, $0xb8;
	[tilespmem:$0x1E800] =	vst v63  }
0x9f: {  	_ =	swait.ge [sflag:s18], $0x3200  }
0xa0: {  	[sflag:s18] =	ssyncset.done $0x0  }
0xa1: {  	[sflag:s18] =	ssyncadd.s32 $0xFFFFCE00  }
0xa2: {  	_ =	swait.ge [sflag:s26], $0x3200  }
0xa3: {  	[sflag:s26] =	ssyncset.done $0x0  }
0xa4: {  	s3 =	simm.s32 $0x100;
	[sflag:s26] =	ssyncadd.s32 $0xFFFFCE00  }
0xa5: {  	[tilespmem:s21], [sflag:$0x1] =	stream.indirect.gather [hbm4b:s1+s20], $0x80, s3, s20, $0xb8;
	[tilespmem:$0x1E800] =	vst v63  }
0xa6: {  	s5 =	simm.s32 $0x1080  }
0xa7: {  	[spmem:s2] =	stream.indirect.scatter.add.f32 [tilespmem:s25], [sflag:$0x4], $0x80, s5, s20, $0xb8;
	[tilespmem:$0x1E800] =	vst v63  }
0xa8: {  	_ =	swait.ge [sflag:s18], $0x3200  }
0xa9: {  	s0 =	simm.s32 $0x400;
	[sflag:s18] =	ssyncset.done $0x0  }
.LBB2_6:
0xaa: {  	p0 =	sne.s32 s0, $0x2C00  }
0xab: {  	[sflag:s18] =	ssyncadd.s32 $0xFFFFCE00;
	s3 =	smov.u32 s0;
	s0 =	sadd.s32 $0x400, s0  }
0xac: {  	_ = 	snop  }
0xad: {  	_ =	swait.ge [sflag:s24], $0x3200  }
0xae: {  	s3 =	sshra.s32 s3, $0x2;
	[sflag:s24] =	ssyncset.done $0x0  }
0xaf: {  	s5 =	sadd.s32 $0x80, s3;
	[sflag:s24] =	ssyncadd.s32 $0xFFFFCE00  }
0xb0: {  	[tilespmem:s25], [sflag:$0x2] =	stream.indirect.gather [hbm4b:s1+s20], $0x80, s5, s20, $0xb8;
	[tilespmem:$0x1E800] =	vst v63  }
0xb1: {  	s5 =	sadd.s32 $0x1000, s3  }
0xb2: {  	[spmem:s2] =	stream.indirect.scatter.add.f32 [tilespmem:s21], [sflag:$0x4], $0x80, s5, s20, $0xb8;
	[tilespmem:$0x1E800] =	vst v63  }
0xb3: {  	_ =	swait.ge [sflag:s18], $0x3200  }
0xb4: {  	[sflag:s18] =	ssyncset.done $0x0  }
0xb5: {  	[sflag:s18] =	ssyncadd.s32 $0xFFFFCE00  }
0xb6: {  	_ =	swait.ge [sflag:s26], $0x3200  }
0xb7: {  	[sflag:s26] =	ssyncset.done $0x0  }
0xb8: {  	s5 =	sadd.s32 $0x100, s3;
	[sflag:s26] =	ssyncadd.s32 $0xFFFFCE00  }
0xb9: {  	[tilespmem:s21], [sflag:$0x1] =	stream.indirect.gather [hbm4b:s1+s20], $0x80, s5, s20, $0xb8;
	[tilespmem:$0x1E800] =	vst v63  }
.Ltmp2:
0xba: {  	_ = 	snop;
	(pc) =	sbr.rel @p0 .LBB2_6-.Ltmp2, $4  }
0xbb: {  	s3 =	sadd.s32 $0x1080, s3  }
0xbc: {  	[spmem:s2] =	stream.indirect.scatter.add.f32 [tilespmem:s25], [sflag:$0x4], $0x80, s3, s20, $0xb8;
	[tilespmem:$0x1E800] =	vst v63  }
0xbd: {  	_ =	swait.ge [sflag:s18], $0x3200  }
0xbe: {  	[sflag:s18] =	ssyncset.done $0x0  }
0xbf: {  	[sflag:s18] =	ssyncadd.s32 $0xFFFFCE00  }
0xc0: {  	_ =	swait.ge [sflag:s24], $0x3200  }
0xc1: {  	[sflag:s24] =	ssyncset.done $0x0  }
0xc2: {  	[sflag:s24] =	ssyncadd.s32 $0xFFFFCE00  }
0xc3: {  	_ =	swait.ge [sflag:s28], $0xC80  }
0xc4: {  	[sflag:s28] =	ssyncset.done $0x0  }
0xc5: {  	[sflag:s28] =	ssyncadd.s32 $0xFFFFF380  }
0xc6: {  	_ =	swait.ge [sflag:s28], $0xC80  }
0xc7: {  	[sflag:s28] =	ssyncset.done $0x0  }
0xc8: {  	[sflag:s28] =	ssyncadd.s32 $0xFFFFF380  }
0xc9: {  	[tilespmem:s25], [sflag:$0x2] =	stream.indirect.gather [hbm4b:s1+s20], $0x80, s22, s20, $0xb8;
	[tilespmem:$0x1E800] =	vst v63  }
0xca: {  	_ = 	snop  }
0xcb: {  	[spmem:s2] =	stream.indirect.scatter.add.f32 [tilespmem:s21], [sflag:$0x4], $0x80, s29, s20, $0xb8;
	[tilespmem:$0x1E800] =	vst v63  }
0xcc: {  	_ =	swait.ge [sflag:s18], $0x3200  }
0xcd: {  	[sflag:s18] =	ssyncset.done $0x0  }
0xce: {  	[sflag:s18] =	ssyncadd.s32 $0xFFFFCE00  }
0xcf: {  	_ =	swait.ge [sflag:s26], $0x3200  }
0xd0: {  	[sflag:s26] =	ssyncset.done $0x0  }
0xd1: {  	s0 =	simm.s32 $0x2080;
	[sflag:s26] =	ssyncadd.s32 $0xFFFFCE00  }
0xd2: {  	[tilespmem:s21], [sflag:$0x1] =	stream.indirect.gather [hbm4b:s1+s20], $0x80, s0, s20, $0xb8;
	[tilespmem:$0x1E800] =	vst v63  }
0xd3: {  	s5 =	simm.s32 $0x3000  }
0xd4: {  	[spmem:s2] =	stream.indirect.scatter.add.f32 [tilespmem:s25], [sflag:$0x4], $0x80, s5, s20, $0xb8;
	[tilespmem:$0x1E800] =	vst v63  }
0xd5: {  	_ =	swait.ge [sflag:s18], $0x3200  }
0xd6: {  	[sflag:s18] =	ssyncset.done $0x0  }
0xd7: {  	[sflag:s18] =	ssyncadd.s32 $0xFFFFCE00  }
0xd8: {  	_ =	swait.ge [sflag:s24], $0x3200  }
0xd9: {  	[sflag:s24] =	ssyncset.done $0x0  }
0xda: {  	s3 =	simm.s32 $0x2100;
	[sflag:s24] =	ssyncadd.s32 $0xFFFFCE00  }
0xdb: {  	[tilespmem:s25], [sflag:$0x2] =	stream.indirect.gather [hbm4b:s1+s20], $0x80, s3, s20, $0xb8;
	[tilespmem:$0x1E800] =	vst v63  }
0xdc: {  	s5 =	simm.s32 $0x3080  }
0xdd: {  	[spmem:s2] =	stream.indirect.scatter.add.f32 [tilespmem:s21], [sflag:$0x4], $0x80, s5, s20, $0xb8;
	[tilespmem:$0x1E800] =	vst v63  }
0xde: {  	_ =	swait.ge [sflag:s18], $0x3200  }
0xdf: {  	s0 =	simm.s32 $0x400;
	[sflag:s18] =	ssyncset.done $0x0  }
.LBB2_8:
0xe0: {  	p0 =	sne.s32 s0, $0x2C00  }
0xe1: {  	[sflag:s18] =	ssyncadd.s32 $0xFFFFCE00;
	s3 =	smov.u32 s0;
	s0 =	sadd.s32 $0x400, s0  }
0xe2: {  	_ = 	snop  }
0xe3: {  	_ =	swait.ge [sflag:s26], $0x3200  }
0xe4: {  	s3 =	sshra.s32 s3, $0x2;
	[sflag:s26] =	ssyncset.done $0x0  }
0xe5: {  	s5 =	sadd.s32 $0x2080, s3;
	[sflag:s26] =	ssyncadd.s32 $0xFFFFCE00  }
0xe6: {  	[tilespmem:s21], [sflag:$0x1] =	stream.indirect.gather [hbm4b:s1+s20], $0x80, s5, s20, $0xb8;
	[tilespmem:$0x1E800] =	vst v63  }
0xe7: {  	s5 =	sadd.s32 $0x3000, s3  }
0xe8: {  	[spmem:s2] =	stream.indirect.scatter.add.f32 [tilespmem:s25], [sflag:$0x4], $0x80, s5, s20, $0xb8;
	[tilespmem:$0x1E800] =	vst v63  }
0xe9: {  	_ =	swait.ge [sflag:s18], $0x3200  }
0xea: {  	[sflag:s18] =	ssyncset.done $0x0  }
0xeb: {  	[sflag:s18] =	ssyncadd.s32 $0xFFFFCE00  }
0xec: {  	_ =	swait.ge [sflag:s24], $0x3200  }
0xed: {  	[sflag:s24] =	ssyncset.done $0x0  }
0xee: {  	s5 =	sadd.s32 $0x2100, s3;
	[sflag:s24] =	ssyncadd.s32 $0xFFFFCE00  }
0xef: {  	[tilespmem:s25], [sflag:$0x2] =	stream.indirect.gather [hbm4b:s1+s20], $0x80, s5, s20, $0xb8;
	[tilespmem:$0x1E800] =	vst v63  }
.Ltmp3:
0xf0: {  	_ = 	snop;
	(pc) =	sbr.rel @p0 .LBB2_8-.Ltmp3, $4  }
0xf1: {  	s3 =	sadd.s32 $0x3080, s3  }
0xf2: {  	[spmem:s2] =	stream.indirect.scatter.add.f32 [tilespmem:s21], [sflag:$0x4], $0x80, s3, s20, $0xb8;
	[tilespmem:$0x1E800] =	vst v63  }
0xf3: {  	_ =	swait.ge [sflag:s18], $0x3200  }
0xf4: {  	[sflag:s18] =	ssyncset.done $0x0  }
0xf5: {  	[sflag:s18] =	ssyncadd.s32 $0xFFFFCE00  }
0xf6: {  	_ =	swait.ge [sflag:s26], $0x3200  }
0xf7: {  	[sflag:s26] =	ssyncset.done $0x0  }
0xf8: {  	[sflag:s26] =	ssyncadd.s32 $0xFFFFCE00  }
0xf9: {  	[spmem:s2] =	stream.indirect.scatter.add.f32 [tilespmem:s25], [sflag:$0x4], $0x80, s30, s20, $0xb8;
	[tilespmem:$0x1E800] =	vst v63  }
0xfa: {  	_ =	swait.ge [sflag:s18], $0x3200  }
0xfb: {  	s31 =	sadd.s32 $0x1, s31;
	[sflag:s18] =	ssyncset.done $0x0  }
0xfc: {  	p0 =	sne.s32 s31, s16;
	[sflag:s18] =	ssyncadd.s32 $0xFFFFCE00  }
.Ltmp4:
0xfd: {  	[bflag:$0x0] =	sbarrier.arrive $0xFFFF;
	(pc) =	sbr.rel @p0 .LBB2_1-.Ltmp4, $4  }
0xfe: {  	[hbm:s15], [sflag:s6] =	dma.local [spmem:s17], $0x2800  }
0xff: {  	_ =	swait.ge [sflag:s18], $0x2800  }
0x100: {  	[sflag:s18] =	ssyncset.done $0x0  }
0x101: {  	[sflag:s18] =	ssyncadd.s32 $0xFFFFD800  }
0x102: {  	_ =	sfence.sel $0x180000  }
0x103: {  	[bflag:$0x0] =	sbarrier.arrive $0xFFFF  }
0x104: {  	_ =	strace $0x9000004D  }
0x105: {  	s0 =	stileid.u32;
	[bflag:$0x2] =	sbarrier.arrive $0xFFFF  }
0x106: {  	p0 =	sne.s32 s0, $0x0;
	s0 =	rddreg [dreg:$0x3]  }
0x107: {  	s0 =	sadd.s32 @!p0 $0x100000, s0  }
0x108: {  	[sflag:s0] =	ssyncadd.tile.s32 @!p0 $0x1;
	_ =	shalt  }
.Lfunc_end2:
_tile_overlayer_lowered:
.L_overlay_start_2:
0x109: {  	(tag) =	ssettag $0x2  }
0x10a: {  	s0 =	rddreg [dreg:$0x0];
	s2 =	stileid.u32  }
0x10b: {  	s1 =	rddreg [dreg:$0x1];
	p0 =	sne.s32 s2, $0x0  }
0x10c: {  	s3 =	rddreg [dreg:$0x2];
	[bflag:$0x3] =	sbarrier.arrive $0xFFFF;
	s2 =	simm.s32 @!p0 $0x1C04  }
0x10d: {  	[timem:s3], [sflag:s2] =	dma.local @!p0 [hbm:s0], s1  }
0x10e: {  	s0 =	simm.s32 @!p0 $0x4  }
0x10f: {  	_ =	swait.ge @!p0 [sflag:s0], s1  }
0x110: {  	s1 =	ssub.s32 @!p0 $0x0, s1;
	[sflag:s0] =	ssyncset.done @!p0 $0x0  }
0x111: {  	[sflag:s0] =	ssyncadd.s32 @!p0 s1  }
0x112: {  	[bflag:$0x3] =	sbarrier.arrive $0xFFFF  }
0x113: {  	_ =	shalt  }

// kernel: kernel.7.cloned.1.call-start
scs
__scs_entry_jumppad:
0x0: {  	(pc) =	sbr.rel $0x88, $3  }
0x1: {  	(tag) =	ssettag $0x0;
	lr =	simm.s32 $0x1  }
0x2: {  	[smem:$0x3F95] =	sst lr;
	_ =	strace $0xD0000000  }
0x3: {  	_ = 	snop  }
0x4: {  	_ = 	snop  }
0x5: {  	_ = 	snop  }
0x6: {  	_ = 	snop  }
0x7: {  	_ = 	snop  }
__scs_overlays_trampoline_lowered:
0x8: {  	[smem:$0x3FA4] =	sst s0  }
0x9: {  	[smem:$0x3FA5] =	sst s1  }
0xa: {  	[smem:$0x3FA6] =	sst s2  }
0xb: {  	[smem:$0x3FA7] =	sst s3  }
0xc: {  	[smem:$0x3FA8] =	sst s4  }
0xd: {  	[smem:$0x3FA9] =	sst s5  }
0xe: {  	[smem:$0x3FAA] =	sst s6  }
0xf: {  	[smem:$0x3FAB] =	sst s7  }
0x10: {  	[smem:$0x3FAC] =	sst s8  }
0x11: {  	[smem:$0x3FAD] =	sst s9;
	s0 =	simm.s32 @!p0 $0x0  }
0x12: {  	s1 =	sld [smem:$0x3F93];
	s0 =	simm.s32 @p0 $0x1  }
0x13: {  	[smem:$0x3FAE] =	sst s0;
	s0 =	simm.s32 @!p1 $0x0  }
0x14: {  	s2 =	sld [smem:$0x3F92];
	s0 =	simm.s32 @p1 $0x1  }
0x15: {  	[smem:$0x3FAF] =	sst s0;
	s0 =	simm.s32 @!p2 $0x0  }
0x16: {  	s3 =	sld [smem:$0x3FDB];
	s0 =	simm.s32 @p2 $0x1  }
0x17: {  	s4 =	simm.s32 $0x1BF5;
	[smem:$0x3FB1] =	sst s0  }
0x18: {  	s0 =	sld [smem:$0x3F94];
	_ =	swait.ge [sflag:s4], $0x0  }
0x19: {  	s7 =	sld [smem:$0x3F95]  }
0x1a: {  	s8 =	sadd.s32 $0xFFFFE003, lr  }
0x1b: {  	s9 =	sadd.s32 $0xFFFFFEF7, lr;
	s5 =	simm.s32 $0xFFFFFFFF;
	p2 =	slt.u32 s8, $0xFFFFF086  }
0x1c: {  	p1 =	slt.u32 s9, $0xF7A;
	s5 =	simm.s32 @!p2 $0x0  }
0x1d: {  	s5 =	simm.s32 @p1 $0x1;
	p0 =	seq.s32 s7, s2  }
0x1e: {  	s7 =	smul.u32 @!p0 $0xF7A, s2;
	p2 =	seq.s32 @!p0 s5, $0x0  }
0x1f: {  	s9 =	smul.u32 $0xF7A, s1;
	s8 =	simm.s32 @!p0 $0x1BF5;
	p2 =	por !p2, p0  }
0x20: {  	[sflag:s8] =	ssyncset.s32 @!p0 $0xFFFFF086;
	s6 =	sadd.s32 @!p0 s3, s7;
	s7 =	simm.s32 @!p0 $0x108  }
0x21: {  	s3 =	sadd.s32 s3, s9;
	s6 =	sadd.s32 @!p0 $0x88, s6;
	s7 =	simm.s32 @p2 $0x1082  }
0x22: {  	[simem:s7], [sflag:s8] =	dma.local @!p0 [hbm:s6], $0xF7A  }
0x23: {  	s9 =	sor.u32 $0xD0000000, s2;
	s6 =	simm.s32 $0x108;
	_ =	swait.ge @!p0 [sflag:s8], $0x0  }
0x24: {  	s3 =	sadd.s32 $0x88, s3;
	s6 =	simm.s32 @!p1 $0x1082;
	[sflag:s4] =	ssyncset.s32 $0xFFFFF086  }
0x25: {  	[simem:s6], [sflag:s4] =	dma.local [hbm:s3], $0xF7A  }
0x26: {  	[smem:$0x3F95] =	sst s1;
	(tag) =	ssettag s2;
	_ =	strace s9  }
0x27: {  	s1 =	sld [smem:$0x3FA5]  }
0x28: {  	s2 =	sld [smem:$0x3FA6]  }
0x29: {  	s4 =	sld [smem:$0x3FA8]  }
0x2a: {  	p0 =	seq.s32 s5, $0x0;
	s5 =	sld [smem:$0x3FA9]  }
0x2b: {  	s6 =	sld [smem:$0x3FAA]  }
0x2c: {  	s7 =	sld [smem:$0x3FAB]  }
0x2d: {  	s3 =	simm.s32 $0x108;
	s8 =	sld [smem:$0x3FAC]  }
0x2e: {  	s3 =	simm.s32 @!p0 $0x1082;
	s9 =	sld [smem:$0x3FAD]  }
0x2f: {  	lr =	sadd.s32 s0, s3;
	s0 =	sld [smem:$0x3FA4]  }
0x30: {  	s3 =	sld [smem:$0x3FA7]  }
0x31: {  	[smem:$0x3FB0] =	sst s10  }
0x32: {  	s10 =	sld [smem:$0x3FAE];
	_ =	sdelay $0x3  }
0x33: {  	p0 =	seq.s32 s10, $0x1;
	s10 =	sld [smem:$0x3FB0];
	_ =	sdelay $0x3  }
0x34: {  	[smem:$0x3FB0] =	sst s10  }
0x35: {  	s10 =	sld [smem:$0x3FAF];
	_ =	sdelay $0x3  }
0x36: {  	p1 =	seq.s32 s10, $0x1;
	s10 =	sld [smem:$0x3FB0];
	_ =	sdelay $0x3  }
0x37: {  	[smem:$0x3FB0] =	sst s10  }
0x38: {  	s10 =	sld [smem:$0x3FB1]  }
0x39: {  	_ = 	snop;
	(pc) =	sbr.ind lr, $3  }
0x3a: {  	_ = 	snop  }
0x3b: {  	_ = 	snop  }
0x3c: {  	p2 =	seq.s32 s10, $0x1;
	s10 =	sld [smem:$0x3FB0]  }
0x3d: {  	_ =	shalt  }
0x3e: {  	_ =	shalt  }
0x3f: {  	_ =	shalt  }
0x40: {  	_ =	shalt  }
0x41: {  	_ =	shalt  }
0x42: {  	_ =	shalt  }
0x43: {  	_ =	shalt  }
0x44: {  	_ =	shalt  }
0x45: {  	_ =	shalt  }
0x46: {  	_ =	shalt  }
0x47: {  	_ =	shalt  }
0x48: {  	_ =	shalt  }
0x49: {  	_ =	shalt  }
0x4a: {  	_ =	shalt  }
0x4b: {  	_ =	shalt  }
0x4c: {  	_ =	shalt  }
0x4d: {  	_ =	shalt  }
0x4e: {  	_ =	shalt  }
0x4f: {  	_ =	shalt  }
0x50: {  	_ =	shalt  }
0x51: {  	_ =	shalt  }
0x52: {  	_ =	shalt  }
0x53: {  	_ =	shalt  }
0x54: {  	_ =	shalt  }
0x55: {  	_ =	shalt  }
0x56: {  	_ =	shalt  }
0x57: {  	_ =	shalt  }
0x58: {  	_ =	shalt  }
0x59: {  	_ =	shalt  }
0x5a: {  	_ =	shalt  }
0x5b: {  	_ =	shalt  }
0x5c: {  	_ =	shalt  }
0x5d: {  	_ =	shalt  }
0x5e: {  	_ =	shalt  }
0x5f: {  	_ =	shalt  }
0x60: {  	_ =	shalt  }
0x61: {  	_ =	shalt  }
0x62: {  	_ =	shalt  }
0x63: {  	_ =	shalt  }
0x64: {  	_ =	shalt  }
0x65: {  	_ =	shalt  }
0x66: {  	_ =	shalt  }
0x67: {  	_ =	shalt  }
0x68: {  	_ =	shalt  }
0x69: {  	_ =	shalt  }
0x6a: {  	_ =	shalt  }
0x6b: {  	_ =	shalt  }
0x6c: {  	_ =	shalt  }
0x6d: {  	_ =	shalt  }
0x6e: {  	_ =	shalt  }
0x6f: {  	_ =	shalt  }
0x70: {  	_ =	shalt  }
0x71: {  	_ =	shalt  }
0x72: {  	_ =	shalt  }
0x73: {  	_ =	shalt  }
0x74: {  	_ =	shalt  }
0x75: {  	_ =	shalt  }
0x76: {  	_ =	shalt  }
0x77: {  	_ =	shalt  }
0x78: {  	_ =	shalt  }
0x79: {  	_ =	shalt  }
0x7a: {  	_ =	shalt  }
0x7b: {  	_ =	shalt  }
0x7c: {  	_ =	shalt  }
0x7d: {  	_ =	shalt  }
0x7e: {  	_ =	shalt  }
0x7f: {  	_ =	shalt  }
0x80: {  	_ =	shalt  }
0x81: {  	_ =	shalt  }
0x82: {  	_ =	shalt  }
0x83: {  	_ =	shalt  }
0x84: {  	_ =	shalt  }
0x85: {  	_ =	shalt  }
0x86: {  	_ =	shalt  }
0x87: {  	_ =	shalt  }
.Lfunc_end0:
.L_simem_size_0:
called_computation_lowered:
.L_overlay_start_0:
0x88: {  	s2 =	sld [smem:$0x3FD9]  }
0x89: {  	s3 =	sld [smem:$0x3FFE];
	_ =	sdelay $0x1  }
0x8a: {  	s1 =	srdreg.scid  }
0x8b: {  	s0 =	sand.u32 $0x1, s1  }
0x8c: {  	s17 =	sshll.u32 s0, $0xA;
	s2 =	sadd.s32 s3, s2  }
0x8d: {  	s2 =	sadd.s32 s2, s17  }
0x8e: {  	[smem:$0x3FBC] =	sst s2  }
0x8f: {  	_ = 	snop  }
0x90: {  	s2 =	sld [smem:$0x3FD0];
	(tm) =	ssettm $0x1  }
0x91: {  	s18 =	sld [smem:$0x3FFB];
	_ =	sdelay $0x3  }
0x92: {  	_ =	strace s18  }
0x93: {  	s3 =	sld [smem:$0x3FFC];
	_ =	sdelay $0x3  }
0x94: {  	_ =	strace s3  }
0x95: {  	s3 =	sld [smem:$0x3FFD];
	_ =	sdelay $0x3  }
0x96: {  	_ =	strace s3  }
0x97: {  	_ =	strace $0x8FFFFFFF  }
0x98: {  	s19 =	sld [smem:$0x3FDB];
	_ =	sdelay $0x1  }
0x99: {  	s4 =	simm.s32 $_scs_section_size  }
0x9a: {  	s5 =	simm.s32 $_size__tile_overlayer_lowered;
	s6 =	simm.s32 $_tile_overlayer_lowered  }
0x9b: {  	s22 =	simm.s32 $0x1BFF;
	s21 =	sshll.u32 s6, $0x1;
	s3 =	sadd.s32 s4, s19  }
0x9c: {  	s7 =	simm.s32 $0x0;
	s20 =	sshll.u32 s5, $0x1;
	s5 =	sadd.s32 s21, s3  }
0x9d: {  	[timem:s7], [sflag:s22] =	dma.local [hbm:s5], s20  }
0x9e: {  	_ =	swait.ge [sflag:s22], s20  }
0x9f: {  	s4 =	ssub.s32 $0x0, s20;
	[sflag:s22] =	ssyncset.done $0x0  }
0xa0: {  	[sflag:s22] =	ssyncadd.s32 s4;
	_ =	sdelay $0x1  }
0xa1: {  	s23 =	simm.s32 $0x1B8B  }
0xa2: {  	_ =	swait.ge [sflag:s23], $0x1  }
0xa3: {  	[sflag:s23] =	ssyncset.done $0x0  }
0xa4: {  	s25 =	simm.s32 $0x1B8E;
	s24 =	sld [smem:$0x3FFE];
	[sflag:s23] =	ssyncadd.s32 $0xFFFFFFFF  }
0xa5: {  	s26 =	simm.s32 $execute0_lowered;
	[smem:$0x3FD2] =	sst s25  }
0xa6: {  	s5 =	sshll.u32 s26, $0x1;
	_ =	strace $0x80000046;
	[dreg:$0x1] =	wrdreg $0xFFFFFFFF  }
0xa7: {  	s28 =	simm.s32 $_size_execute0_lowered;
	s3 =	sadd.s32 s3, s5;
	[dreg:$0x0] =	wrdreg $0x0  }
0xa8: {  	s5 =	sshll.u32 s28, $0x1;
	[dreg:$0x2] =	wrdreg s3  }
0xa9: {  	[dreg:$0x3] =	wrdreg s5  }
0xaa: {  	[dreg:$0x4] =	wrdreg $0xC0  }
0xab: {  	_ =	task [dreg:s7], $0x5FFFF  }
0xac: {  	[dreg:$0x1] =	wrdreg $0xFFFFFFFF  }
0xad: {  	[dreg:$0x0] =	wrdreg $0x60  }
0xae: {  	[dreg:$0x2] =	wrdreg s2  }
0xaf: {  	[dreg:$0x3] =	wrdreg s24  }
0xb0: {  	[dreg:$0x4] =	wrdreg $0x9  }
0xb1: {  	_ =	task.clear_ibuf [dreg:s7], $0x5FFFF;
	_ =	strace $0x90000046  }
0xb2: {  	s29 =	simm.s32 $0x9;
	_ =	strace $0x80000048  }
0xb3: {  	_ =	swait.ge [sflag:s29], $0x1  }
0xb4: {  	[sflag:s29] =	ssyncadd.s32 $0xFFFFFFFF  }
0xb5: {  	_ =	strace $0x90000048  }
0xb6: {  	_ =	sfence  }
0xb7: {  	s30 =	sld [smem:$0x0];
	_ =	sdelay $0x2  }
0xb8: {  	s31 =	sshll.u32 s1, $0xD;
	s1 =	sshrl.u32 s1, $0x2  }
0xb9: {  	s3 =	sand.u32 $0x4000, s31;
	s1 =	sadd.s32 s1, s30  }
0xba: {  	s0 =	sor.u32 s3, s0;
	s1 =	sshll.u32 s1, $0x11  }
0xbb: {  	s0 =	sor.u32 s1, s0  }
0xbc: {  	s0 =	sadd.s32 $0x8F2B, s0  }
0xbd: {  	[sflag:s0] =	ssyncadd.remote.s32 $0x1  }
0xbe: {  	_ =	sfence.sel $0xFFFF  }
0xbf: {  	[dreg:$0x0] =	wrdreg $0xFFFFFFFF;
	(pc) =	sbr.abs _section_cstart, $3  }
0xc0: {  	[dreg:$0x1] =	wrdreg $0xFFFFFFFF  }
0xc1: {  	_ =	task.clear_ibuf [dreg:s7], $0x2FFFF;
	_ =	strace $0x9FFFFFFF  }
0xc2: {  	(tm) =	ssettm $0x7FFFFFFF  }
0xc3: {  	_ =	shalt  }
tec
execute0_lowered:
.L_overlay_start_1:
0x0: {  	(tag) =	ssettag $0x1  }
0x1: {  	s0 =	srdreg.scid  }
0x2: {  	s3 =	sand.u32 $0x1, s0  }
0x3: {  	s0 =	stileid.u32;
	s1 =	sshll.u32 s3, $0x4  }
0x4: {  	s5 =	rddreg [dreg:$0x0];
	s4 =	sor.u32 s0, s1  }
0x5: {  	s6 =	rddreg [dreg:$0x1];
	s2 =	simm.s32 $0x0;
	s1 =	sshrl.u32 s4, $0x3  }
0x6: {  	s9 =	simm.s32 $0x400;
	s8 =	sshll.u32 s0, $0x7;
	s7 =	smul.u32 $0x14000, s1  }
0x7: {  	s10 =	simm.s32 $0x0;
	s3 =	ssub.s32 $0x2, s3;
	s8 =	sand.u32 $0x380, s8  }
0x8: {  	[smem:$0x7FF] =	sst s2;
	s31 =	sshrl.u32 s3, $0x1;
	s7 =	sor.u32 s8, s7  }
0x9: {  	s4 =	sshll.u32 s4, $0xB;
	s1 =	rddreg [dreg:$0x2];
	s7 =	sshrl.u32 s7, $0x3  }
0xa: {  	_ =	strace $0x80000047;
	s8 =	simm.s32 $0x80;
	s6 =	sadd.s32 s7, s6  }
0xb: {  	s7 =	ssub.s32 s3, s31;
	s3 =	sadd.s32 s5, s4;
	s4 =	sadd.s32 $0x2A00, s6  }
0xc: {  	v0 =	vimm.f32 $0.0e+00;
	v1 =	vimm.f32 $1.000000000e+00;
	s5 =	smax.u32 s7, $0x1;
	s6 =	simm.s32 $0x1;
	s7 =	simm.s32 $0x4000  }
.LBB2_1:
0xd: {  	[tilespmem:s2], [sflag:$0x1] =	stream.linear.gather [hbm4b:s3+s2], $0x3E80, $0x38;
	[tilespmem:$0x6800] =	vst v63  }
0xe: {  	_ =	swait.ge [sflag:s6], $0x3E80  }
0xf: {  	[sflag:s6] =	ssyncset.done $0x0  }
0x10: {  	s11 =	simm.s32 $0x0;
	[sflag:s6] =	ssyncadd.s32 $0xFFFFC180  }
.LBB2_2:
0x11: {  	p0 =	sne.s32 s11, $0x9FC0  }
.Ltmp0:
0x12: {  	_ = 	snop;
	(pc) =	sbr.rel @p0 .LBB2_2-.Ltmp0, $3  }
0x13: {  	_ =	sdelay $0x1  }
0x14: {  	s12 =	sshra.s32 s11, $0x2  }
0x15: {  	s11 =	sadd.s32 $0x40, s11;
	[tilespmem:s12+$0x4000] =	vst v0  }
0x16: {  	s11 =	simm.s32 $0x0  }
.LBB2_4:
0x17: {  	s12 =	sshra.s32 s11, $0x2  }
0x18: {  	v2 =	vld [tilespmem:s12+$0x0];
	_ =	sdelay $0x7  }
0x19: {  	[tilespmem:v2+s7+$0x0] =	vst.idx.add.f32.msk $0xffff, v1  }
0x1a: {  	v2 =	vld [tilespmem:s12+$0x10];
	_ =	sdelay $0x7  }
0x1b: {  	[tilespmem:v2+s7+$0x0] =	vst.idx.add.f32.msk $0xffff, v1  }
0x1c: {  	v2 =	vld [tilespmem:s12+$0x20];
	_ =	sdelay $0x7  }
0x1d: {  	[tilespmem:v2+s7+$0x0] =	vst.idx.add.f32.msk $0xffff, v1  }
0x1e: {  	v2 =	vld [tilespmem:s12+$0x30];
	_ =	sdelay $0x7  }
0x1f: {  	[tilespmem:v2+s7+$0x0] =	vst.idx.add.f32.msk $0xffff, v1  }
0x20: {  	v2 =	vld [tilespmem:s12+$0x40];
	_ =	sdelay $0x2  }
0x21: {  	p0 =	sne.s32 s11, $0xF800  }
.Ltmp1:
0x22: {  	_ = 	snop;
	(pc) =	sbr.rel @p0 .LBB2_4-.Ltmp1, $2  }
0x23: {  	_ =	sdelay $0x2  }
0x24: {  	s11 =	sadd.s32 $0x200, s11;
	[tilespmem:v2+s7+$0x0] =	vst.idx.add.f32.msk $0xffff, v1  }
0x25: {  	s10 =	sadd.s32 $0x1, s10  }
0x26: {  	p0 =	sne.s32 s10, s5  }
.Ltmp2:
0x27: {  	_ = 	snop;
	(pc) =	sbr.rel @p0 .LBB2_1-.Ltmp2, $4  }
0x28: {  	[hbm4b:s4+s8] =	stream.strided.scatter [tilespmem:s7], [sflag:$0x1], $0x2800, s9, s8, $0x38;
	[tilespmem:$0x6800] =	vst v63  }
0x29: {  	_ =	swait.ge [sflag:s6], $0x2800  }
0x2a: {  	[sflag:s6] =	ssyncset.done $0x0  }
0x2b: {  	[sflag:s6] =	ssyncadd.s32 $0xFFFFD800  }
0x2c: {  	_ =	sfence.sel $0x180000  }
0x2d: {  	[bflag:$0x0] =	sbarrier.arrive $0xFFFF  }
0x2e: {  	p0 =	sne.s32 s0, $0x0;
	_ =	strace $0x90000047  }
0x2f: {  	s0 =	sadd.s32 @!p0 $0x100000, s1;
	[bflag:$0x2] =	sbarrier.arrive $0xFFFF  }
0x30: {  	[sflag:s0] =	ssyncadd.tile.s32 @!p0 $0x1;
	_ =	shalt  }
.Lfunc_end2:
_tile_overlayer_lowered:
.L_overlay_start_2:
0x31: {  	(tag) =	ssettag $0x2  }
0x32: {  	s0 =	rddreg [dreg:$0x0];
	s2 =	stileid.u32  }
0x33: {  	s1 =	rddreg [dreg:$0x1];
	p0 =	sne.s32 s2, $0x0  }
0x34: {  	s3 =	rddreg [dreg:$0x2];
	[bflag:$0x3] =	sbarrier.arrive $0xFFFF;
	s2 =	simm.s32 @!p0 $0x1C01  }
0x35: {  	[timem:s3], [sflag:s2] =	dma.local @!p0 [hbm:s0], s1  }
0x36: {  	s0 =	simm.s32 @!p0 $0x1  }
0x37: {  	_ =	swait.ge @!p0 [sflag:s0], s1  }
0x38: {  	s1 =	ssub.s32 @!p0 $0x0, s1;
	[sflag:s0] =	ssyncset.done @!p0 $0x0  }
0x39: {  	[sflag:s0] =	ssyncadd.s32 @!p0 s1  }
0x3a: {  	[bflag:$0x3] =	sbarrier.arrive $0xFFFF  }
0x3b: {  	_ =	shalt  }

</sc_bundles>
